<compile_context>
chip_gen: v7x
topology: tpu7x:2x2x1
jax: 0.10.2.dev20260603
libtpu: 0.0.44.dev20260713+nightly
codegen_flags: <defaults>
</compile_context>

<pallas_src>
import functools

import jax
import jax.numpy as jnp
from jax import lax
from jax.experimental import pallas as pl
from jax.experimental.pallas import tpu as pltpu
from jax.experimental.pallas import tpu_sc as plsc

_B = 4096
_T = 200
_D = 64
_V = 1000000
_L = 16
_NC = 2
_NS = 16
_NW = _NC * _NS
_BPW = _B // _NW
_NCHUNK = (_T + _L - 1) // _L
_BLK = 32768
_GRID = (_V + _BLK - 1) // _BLK
_PIECE = _BLK // 8
_TWROWS = _GRID * _BLK


def _proj_body(tt_ref, w_ref, o_ref):
    pieces = [
        lax.dot_general(
            tt_ref[:, _PIECE * s:_PIECE * (s + 1)],
            w_ref[:, 128 * s:128 * (s + 1)],
            dimension_numbers=(((0,), (0,)), ((), ())),
            preferred_element_type=jnp.float32)
        for s in range(8)
    ]
    while len(pieces) > 1:
        pieces = [pieces[k] + pieces[k + 1] for k in range(0, len(pieces), 2)]
    o_ref[...] = pieces[0]


_proj = pl.pallas_call(
    _proj_body,
    grid=(_GRID,),
    in_specs=[
        pl.BlockSpec((_D, _BLK), lambda i: (0, i)),
        pl.BlockSpec((_D, 1024), lambda i: (0, 0)),
    ],
    out_specs=pl.BlockSpec((_PIECE, 128), lambda i: (i, 0)),
    out_shape=jax.ShapeDtypeStruct((_GRID * _PIECE, 128), jnp.float32),
    compiler_params=pltpu.CompilerParams(fuse_transposed_lhs_in_matmul=True),
)


def _pool_body(x_hbm, len_hbm, tw_hbm, out_hbm, xv, lenv, dst, outv,
               sem0, sem1):
    wid = lax.axis_index("s") * _NC + lax.axis_index("c")
    base = wid * _BPW
    pltpu.sync_copy(x_hbm.at[pl.ds(base, _BPW)], xv)
    pltpu.sync_copy(len_hbm.at[pl.ds(base, _BPW)], lenv)

    iota16 = lax.broadcasted_iota(jnp.int32, (_L,), 0)
    zerov = jnp.zeros((_L,), jnp.float32)
    sems = (sem0, sem1)

    def issue(b, slot):
        g = b // _L
        j = b - g * _L
        lvec = lenv[pl.ds(g * _L, _L)]
        lb = jnp.max(jnp.where(iota16 == j, lvec, 0))
        nch = (lb + _L - 1) // _L

        def chunk(cb, carry):
            start = jnp.minimum(cb * _L, _T - _L)
            xc = xv[b, pl.ds(start, _L)]
            row16 = (
                ((xc >> 15) << 15)
                | ((xc & 4095) << 3)
                | ((xc & 32767) >> 12))
            pltpu.async_copy(tw_hbm.at[row16], dst.at[slot, cb], sems[slot])
            return carry

        lax.fori_loop(0, nch, chunk, 0)
        return lb

    def finish(b, slot, lb):
        nch = (lb + _L - 1) // _L

        def drain(cb, carry):
            pltpu.make_async_copy(
                tw_hbm.at[pl.ds(0, _L)], dst.at[slot, 0], sems[slot]).wait()
            return carry

        lax.fori_loop(0, nch, drain, 0)

        nfull = jnp.minimum(lb // _L, _NCHUNK - 1)
        rem_off = jnp.where(
            lb >= (_NCHUNK - 1) * _L, (_NCHUNK - 1) * _L - (_T - _L), 0)
        rem_cnt = lb - nfull * _L

        def accum(cb, acc):
            for r in range(_L):
                acc = acc + dst[slot, cb, r, pl.ds(0, _L)]
            return acc

        acc = lax.fori_loop(0, nfull, accum, zerov)

        def accum_tail(r, acc):
            return acc + dst[slot, nfull, rem_off + r, pl.ds(0, _L)]

        acc = lax.fori_loop(0, rem_cnt, accum_tail, acc)

        denv = jnp.maximum(jnp.full((_L,), lb, jnp.int32), 1).astype(
            jnp.float32)
        outv[b, pl.ds(0, _L)] = acc / denv

    lb0 = issue(0, 0)

    def pipe2(i, lb_even):
        b = 2 * i
        lb_odd = issue(b + 1, 1)
        finish(b, 0, lb_even)
        lb_next = issue(b + 2, 0)
        finish(b + 1, 1, lb_odd)
        return lb_next

    lb_last = lax.fori_loop(0, (_BPW - 2) // 2, pipe2, lb0)
    lb_127 = issue(_BPW - 1, 1)
    finish(_BPW - 2, 0, lb_last)
    finish(_BPW - 1, 1, lb_127)

    pltpu.sync_copy(outv, out_hbm.at[pl.ds(base, _BPW)])


_pool = functools.partial(
    pl.kernel,
    out_type=jax.ShapeDtypeStruct((_B, _L), jnp.float32),
    mesh=plsc.VectorSubcoreMesh(core_axis_name="c", subcore_axis_name="s"),
    compiler_params=pltpu.CompilerParams(
        needs_layout_passes=False, use_tc_tiling_on_sc=False),
    scratch_types=[
        pltpu.VMEM((_BPW, _T), jnp.int32),
        pltpu.VMEM((_BPW,), jnp.int32),
        pltpu.VMEM((2, _NCHUNK, _L, _L), jnp.float32),
        pltpu.VMEM((_BPW, _L), jnp.float32),
        pltpu.SemaphoreType.DMA,
        pltpu.SemaphoreType.DMA,
    ],
)(_pool_body)


def _head_body(ncls, p_ref, b_ref, o_ref):
    logits = p_ref[...] + b_ref[...]
    col = lax.broadcasted_iota(jnp.int32, logits.shape, 1)
    masked = jnp.where(col < ncls, logits, -1e30)
    m = jnp.max(masked, axis=1, keepdims=True)
    sh = masked - m
    s = jnp.sum(jnp.exp(sh), axis=1, keepdims=True)
    o_ref[...] = sh - jnp.log(s)


def kernel(x, lengths, table, W_out, b_out):
    x = x.astype(jnp.int32)
    lengths = lengths.astype(jnp.int32)
    ncls = W_out.shape[1]

    wp = jnp.zeros((_D, 8, 128), jnp.float32)
    for s in range(8):
        wp = wp.at[:, s, _L * s:_L * s + ncls].set(W_out)
    twp = _proj(jnp.swapaxes(table, 0, 1), wp.reshape(_D, 1024))
    tw = twp.reshape(_TWROWS, _L)

    pooled = _pool(x, lengths, tw)

    bp = jnp.zeros((1, _L), jnp.float32).at[0, :ncls].set(b_out)
    out = pl.pallas_call(
        functools.partial(_head_body, ncls),
        out_shape=jax.ShapeDtypeStruct((_B, _L), jnp.float32),
    )(pooled, bp)
    return out[:, :ncls]

# --- scband reference (transcript-rebuilt; emitter-appended) ---
"""Pipeline reference for scband-word-classifier-base-45346264711520 (READ-ONLY COPY).

The authoritative reference and input builder live on the scoring server;
editing this copy changes nothing except your own understanding.
"""

import jax, jax.numpy as jnp
import numpy as np

VOCAB = 1000000
EMBED_DIM = 64
NUM_CLASSES = 10
B = 4096
T = 200


def setup_inputs(seed: int = 0) -> dict:
    key = jax.random.key(seed)
    k1, k2, k3, k4 = jax.random.split(key, 4)
    x = jax.random.randint(k1, (B, T), 0, VOCAB)
    lengths = jax.random.randint(k2, (B,), 0, T).astype(jnp.int32)
    table = jax.random.normal(k3, (VOCAB, EMBED_DIM), dtype=jnp.float32) * 0.02
    W_out = jax.random.normal(k4, (EMBED_DIM, NUM_CLASSES), dtype=jnp.float32) * 0.02
    b_out = jnp.zeros((NUM_CLASSES,), dtype=jnp.float32)
    return {"x": x, "lengths": lengths, "table": table, "W_out": W_out, "b_out": b_out}


def reference(x, lengths, table, W_out, b_out):
    # embeddings = self.lut(x)  -> embedding gather
    emb = jnp.take(table, x, axis=0)  # [B, T, D]
    # _pool: length-masked mean-over-time pooling (concrete realization of abstract _pool)
    t = emb.shape[1]
    mask = (jnp.arange(t)[None, :] < lengths[:, None]).astype(emb.dtype)  # [B, T]
    summed = jnp.sum(emb * mask[:, :, None], axis=1)  # [B, D]
    denom = jnp.maximum(lengths, 1).astype(emb.dtype)[:, None]
    pooled = summed / denom
    # _stacked: hsz=[] so identity
    # output: Linear + LogSoftmax(dim=1)
    logits = pooled @ W_out + b_out
    return jax.nn.log_softmax(logits, axis=1)

if __name__ == "__main__":
    import jax
    _d = setup_inputs()
    print(jax.jit(kernel)(*tuple(_d.values())))

</pallas_src>

<mosaic_0001>
#map = affine_map<(d0, d1) -> (0, 0)>
#map1 = affine_map<(d0, d1) -> (0)>
module attributes {stable_mosaic.version = 14 : i64} {
  func.func @_pool_body(%arg0: i32, %arg1: i32, %arg2: memref<4096x200xi32, #tpu.memory_space<hbm>>, %arg3: memref<4096xi32, #tpu.memory_space<hbm>>, %arg4: memref<1015808x16xf32, #tpu.memory_space<hbm>>, %arg5: memref<4096x16xf32, #tpu.memory_space<hbm>>, %arg6: memref<128x200xi32, #tpu.memory_space<vmem>>, %arg7: memref<128xi32, #tpu.memory_space<vmem>>, %arg8: memref<2x13x16x16xf32, #tpu.memory_space<vmem>>, %arg9: memref<128x16xf32, #tpu.memory_space<vmem>>, %arg10: memref<!tpu.dma_semaphore, #tpu.memory_space<semaphore_mem>>, %arg11: memref<!tpu.dma_semaphore, #tpu.memory_space<semaphore_mem>>) attributes {dimension_semantics = [#tpu.dimension_semantics<core_parallel>, #tpu.dimension_semantics<subcore_parallel>], iteration_bounds = array<i64: 2, 16>, scalar_prefetch = 0 : i64, scratch_operands = 6 : i64, tpu.core_type = #tpu.core_type<sc_vector_subcore>, window_params = [{transform_indices = #map}, {transform_indices = #map1}, {transform_indices = #map}, {transform_indices = #map}]} {
    %mul3A = arith.constant 2 : i32
    %mul3A_0 = arith.muli %arg1, %mul3A : i32
    %add3A = arith.addi %mul3A_0, %arg0 : i32
    %mul3A_1 = arith.constant 128 : i32
    %mul3A_2 = arith.muli %add3A, %mul3A_1 : i32
    "tpu.region"() ({
      %run_scoped3A = tpu.sem_alloc : memref<!tpu.dma_semaphore, #tpu.memory_space<semaphore_mem>>
      %dma_start3A = arith.constant 0 : i32
      %dma_start3A_308 = tpu.memref_slice %arg2[%mul3A_2, %dma_start3A] : memref<4096x200xi32, #tpu.memory_space<hbm>> -> memref<128x200xi32, #tpu.memory_space<hbm>>
      %dma_start3A_309 = arith.constant 0 : i32
      %dma_start3A_310 = tpu.memref_slice %arg2[%mul3A_2, %dma_start3A_309] : memref<4096x200xi32, #tpu.memory_space<hbm>> -> memref<128x200xi32, #tpu.memory_space<hbm>>
      tpu.enqueue_dma source(%dma_start3A_310 : memref<128x200xi32, #tpu.memory_space<hbm>>) target(%arg6 : memref<128x200xi32, #tpu.memory_space<vmem>>) target_semaphore(%run_scoped3A : memref<!tpu.dma_semaphore, #tpu.memory_space<semaphore_mem>>)
      %dma_wait3A = arith.constant 0 : i32
      %dma_wait3A_311 = tpu.memref_slice %arg2[%mul3A_2, %dma_wait3A] : memref<4096x200xi32, #tpu.memory_space<hbm>> -> memref<128x200xi32, #tpu.memory_space<hbm>>
      %dma_wait3A_312 = arith.constant 0 : i32
      %dma_wait3A_313 = tpu.memref_slice %arg2[%mul3A_2, %dma_wait3A_312] : memref<4096x200xi32, #tpu.memory_space<hbm>> -> memref<128x200xi32, #tpu.memory_space<hbm>>
      tpu.wait_dma2 semaphore(%run_scoped3A : memref<!tpu.dma_semaphore, #tpu.memory_space<semaphore_mem>>) src(%dma_wait3A_313 : memref<128x200xi32, #tpu.memory_space<hbm>>) dst(%arg6 : memref<128x200xi32, #tpu.memory_space<vmem>>)
      tpu.yield
    }) : () -> ()
    "tpu.region"() ({
      %run_scoped3A = tpu.sem_alloc : memref<!tpu.dma_semaphore, #tpu.memory_space<semaphore_mem>>
      %dma_start3A = tpu.memref_slice %arg3[%mul3A_2] : memref<4096xi32, #tpu.memory_space<hbm>> -> memref<128xi32, #tpu.memory_space<hbm>>
      %dma_start3A_308 = tpu.memref_slice %arg3[%mul3A_2] : memref<4096xi32, #tpu.memory_space<hbm>> -> memref<128xi32, #tpu.memory_space<hbm>>
      tpu.enqueue_dma source(%dma_start3A_308 : memref<128xi32, #tpu.memory_space<hbm>>) target(%arg7 : memref<128xi32, #tpu.memory_space<vmem>>) target_semaphore(%run_scoped3A : memref<!tpu.dma_semaphore, #tpu.memory_space<semaphore_mem>>)
      %dma_wait3A = tpu.memref_slice %arg3[%mul3A_2] : memref<4096xi32, #tpu.memory_space<hbm>> -> memref<128xi32, #tpu.memory_space<hbm>>
      %dma_wait3A_309 = tpu.memref_slice %arg3[%mul3A_2] : memref<4096xi32, #tpu.memory_space<hbm>> -> memref<128xi32, #tpu.memory_space<hbm>>
      tpu.wait_dma2 semaphore(%run_scoped3A : memref<!tpu.dma_semaphore, #tpu.memory_space<semaphore_mem>>) src(%dma_wait3A_309 : memref<128xi32, #tpu.memory_space<hbm>>) dst(%arg7 : memref<128xi32, #tpu.memory_space<vmem>>)
      tpu.yield
    }) : () -> ()
    %iota3A = tpu.iota {dimensions = array<i32: 0>} : vector<16xi32>
    %broadcast_in_dim3A = arith.constant 0.000000e+00 : f32
    %broadcast_in_dim3A_3 = vector.broadcast %broadcast_in_dim3A : f32 to vector<16xf32>
    %get3A = arith.constant 0 : index
    %get3A_4 = tpu.vector_load %arg7[%get3A] {strides = array<i32>} : memref<128xi32, #tpu.memory_space<vmem>>, vector<16xi32>,
    %eq3A = arith.constant 0 : i32
    %eq3A_5 = vector.broadcast %eq3A : i32 to vector<16xi32>
    %eq3A_6 = arith.cmpi eq, %iota3A, %eq3A_5 : vector<16xi32>
    %jit3A = arith.constant 0 : i32
    %broadcast_in_dim3A_7 = vector.broadcast %jit3A : i32 to vector<16xi32>
    %select_n3A = arith.select %eq3A_6, %get3A_4, %broadcast_in_dim3A_7 : vector<16xi1>, vector<16xi32>
    %reduce_max3A = arith.constant true
    %reduce_max3A_8 = vector.broadcast %reduce_max3A : i1 to vector<16xi1>
    %reduce_max3A_9 = arith.constant -2147483648 : i32
    %reduce_max3A_10 = vector.broadcast %reduce_max3A_9 : i32 to vector<16xi32>
    %reduce_max3A_11 = arith.xori %select_n3A, %reduce_max3A_10 : vector<16xi32>
    %reduce_max3A_12 = tpu.scan <max>, %reduce_max3A_11 masked %reduce_max3A_8 : vector<16xi32>, vector<16xi1> -> vector<16xi32>
    %reduce_max3A_13 = arith.xori %reduce_max3A_12, %reduce_max3A_10 : vector<16xi32>
    %reduce_max3A_14 = vector.extract %reduce_max3A_13[15] : i32 from vector<16xi32>
    %add3A_15 = arith.constant 16 : i32
    %add3A_16 = arith.addi %reduce_max3A_14, %add3A_15 : i32
    %sub3A = arith.constant 1 : i32
    %sub3A_17 = arith.subi %add3A_16, %sub3A : i32
    %jit3A_18 = arith.constant 16 : i32
    %div3A = arith.divsi %sub3A_17, %jit3A_18 : i32
    %sign3A = arith.constant 0 : i32
    %sign3A_19 = arith.cmpi sgt, %sub3A_17, %sign3A : i32
    %sign3A_20 = arith.extui %sign3A_19 : i1 to i32
    %sign3A_21 = arith.constant 0 : i32
    %sign3A_22 = arith.cmpi slt, %sub3A_17, %sign3A_21 : i32
    %sign3A_23 = arith.extui %sign3A_22 : i1 to i32
    %sign3A_24 = arith.subi %sign3A_20, %sign3A_23 : i32
    %sign3A_25 = arith.constant 0 : i32
    %sign3A_26 = arith.cmpi sgt, %jit3A_18, %sign3A_25 : i32
    %sign3A_27 = arith.extui %sign3A_26 : i1 to i32
    %sign3A_28 = arith.constant 0 : i32
    %sign3A_29 = arith.cmpi slt, %jit3A_18, %sign3A_28 : i32
    %sign3A_30 = arith.extui %sign3A_29 : i1 to i32
    %sign3A_31 = arith.subi %sign3A_27, %sign3A_30 : i32
    %ne3A = arith.cmpi ne, %sign3A_24, %sign3A_31 : i32
    %rem3A = arith.remsi %sub3A_17, %jit3A_18 : i32
    %ne3A_32 = arith.constant 0 : i32
    %ne3A_33 = arith.cmpi ne, %rem3A, %ne3A_32 : i32
    %and3A = arith.andi %ne3A, %ne3A_33 : i1
    %sub3A_34 = arith.constant 1 : i32
    %sub3A_35 = arith.subi %div3A, %sub3A_34 : i32
    %select_n3A_36 = arith.select %and3A, %sub3A_35, %div3A : i32
    %while3A = arith.constant 0 : i32
    %while3A_37 = arith.constant 0 : i32
    %while3A_38 = arith.subi %select_n3A_36, %while3A_37 : i32
    %while3A_39 = arith.addi %while3A_37, %while3A_38 : i32
    %while3A_40 = arith.constant 1 : i32
    %while3A_41 = arith.divsi %while3A_38, %while3A_40 : i32
    %while3A_42 = arith.muli %while3A_41, %while3A_40 : i32
    %while3A_43 = arith.addi %while3A_37, %while3A_42 : i32
    %while3A_44 = arith.constant 1 : i32
    scf.for %while3A_308 = %while3A_37 to %while3A_43 step %while3A_44  : i32 {
      %mul3A_309 = arith.constant 16 : i32
      %mul3A_310 = arith.muli %while3A_308, %mul3A_309 : i32
      %min3A_311 = arith.constant 184 : i32
      %min3A_312 = arith.minsi %mul3A_310, %min3A_311 : i32
      %get3A_313 = arith.constant 0 : i32
      %get3A_314 = arith.index_cast %get3A_313 : i32 to index
      %get3A_315 = arith.index_cast %min3A_312 : i32 to index
      %get3A_316 = tpu.vector_load %arg6[%get3A_314, %get3A_315] {strides = array<i32>} : memref<128x200xi32, #tpu.memory_space<vmem>>, vector<16xi32>,
      %shift_right_arithmetic3A = arith.constant 15 : i32
      %shift_right_arithmetic3A_317 = vector.broadcast %shift_right_arithmetic3A : i32 to vector<16xi32>
      %shift_right_arithmetic3A_318 = arith.shrsi %get3A_316, %shift_right_arithmetic3A_317 : vector<16xi32>
      %shift_left3A = arith.constant 15 : i32
      %shift_left3A_319 = vector.broadcast %shift_left3A : i32 to vector<16xi32>
      %shift_left3A_320 = arith.shli %shift_right_arithmetic3A_318, %shift_left3A_319 : vector<16xi32>
      %and3A_321 = arith.constant 4095 : i32
      %and3A_322 = vector.broadcast %and3A_321 : i32 to vector<16xi32>
      %and3A_323 = arith.andi %get3A_316, %and3A_322 : vector<16xi32>
      %shift_left3A_324 = arith.constant 3 : i32
      %shift_left3A_325 = vector.broadcast %shift_left3A_324 : i32 to vector<16xi32>
      %shift_left3A_326 = arith.shli %and3A_323, %shift_left3A_325 : vector<16xi32>
      %or3A = arith.ori %shift_left3A_320, %shift_left3A_326 : vector<16xi32>
      %and3A_327 = arith.constant 32767 : i32
      %and3A_328 = vector.broadcast %and3A_327 : i32 to vector<16xi32>
      %and3A_329 = arith.andi %get3A_316, %and3A_328 : vector<16xi32>
      %shift_right_arithmetic3A_330 = arith.constant 12 : i32
      %shift_right_arithmetic3A_331 = vector.broadcast %shift_right_arithmetic3A_330 : i32 to vector<16xi32>
      %shift_right_arithmetic3A_332 = arith.shrsi %and3A_329, %shift_right_arithmetic3A_331 : vector<16xi32>
      %or3A_333 = arith.ori %or3A, %shift_right_arithmetic3A_332 : vector<16xi32>
      %dma_start3A = arith.constant 0 : i32
      %dma_start3A_334 = arith.constant 0 : i32
      %dma_start3A_335 = arith.constant 0 : i32
      %dma_start3A_336 = tpu.memref_slice %arg8[%dma_start3A, %while3A_308, %dma_start3A_334, %dma_start3A_335] : memref<2x13x16x16xf32, #tpu.memory_space<vmem>> -> memref<1x1x16x16xf32, #tpu.memory_space<vmem>>
      %dma_start3A_337 = tpu.memref_squeeze %dma_start3A_336 : memref<1x1x16x16xf32, #tpu.memory_space<vmem>> -> memref<16x16xf32, #tpu.memory_space<vmem>>
      %dma_start3A_338 = arith.constant 0 : i32
      %dma_start3A_339 = arith.constant 0 : i32
      %dma_start3A_340 = tpu.memref_slice %arg4[%dma_start3A_338, %dma_start3A_339] : memref<1015808x16xf32, #tpu.memory_space<hbm>> -> memref<1015808x16xf32, #tpu.memory_space<hbm>>
      tpu.enqueue_indirect_dma source(%dma_start3A_340 : memref<1015808x16xf32, #tpu.memory_space<hbm>>) target(%dma_start3A_337 : memref<16x16xf32, #tpu.memory_space<vmem>>) offsets(%or3A_333 : vector<16xi32>) semaphore(%arg10 : memref<!tpu.dma_semaphore, #tpu.memory_space<semaphore_mem>>)
    }
    %while3A_45 = arith.constant 1 : i32
    scf.for %while3A_308 = %while3A_43 to %while3A_39 step %while3A_45  : i32 {
      %mul3A_309 = arith.constant 16 : i32
      %mul3A_310 = arith.muli %while3A_308, %mul3A_309 : i32
      %min3A_311 = arith.constant 184 : i32
      %min3A_312 = arith.minsi %mul3A_310, %min3A_311 : i32
      %get3A_313 = arith.constant 0 : i32
      %get3A_314 = arith.index_cast %get3A_313 : i32 to index
      %get3A_315 = arith.index_cast %min3A_312 : i32 to index
      %get3A_316 = tpu.vector_load %arg6[%get3A_314, %get3A_315] {strides = array<i32>} : memref<128x200xi32, #tpu.memory_space<vmem>>, vector<16xi32>,
      %shift_right_arithmetic3A = arith.constant 15 : i32
      %shift_right_arithmetic3A_317 = vector.broadcast %shift_right_arithmetic3A : i32 to vector<16xi32>
      %shift_right_arithmetic3A_318 = arith.shrsi %get3A_316, %shift_right_arithmetic3A_317 : vector<16xi32>
      %shift_left3A = arith.constant 15 : i32
      %shift_left3A_319 = vector.broadcast %shift_left3A : i32 to vector<16xi32>
      %shift_left3A_320 = arith.shli %shift_right_arithmetic3A_318, %shift_left3A_319 : vector<16xi32>
      %and3A_321 = arith.constant 4095 : i32
      %and3A_322 = vector.broadcast %and3A_321 : i32 to vector<16xi32>
      %and3A_323 = arith.andi %get3A_316, %and3A_322 : vector<16xi32>
      %shift_left3A_324 = arith.constant 3 : i32
      %shift_left3A_325 = vector.broadcast %shift_left3A_324 : i32 to vector<16xi32>
      %shift_left3A_326 = arith.shli %and3A_323, %shift_left3A_325 : vector<16xi32>
      %or3A = arith.ori %shift_left3A_320, %shift_left3A_326 : vector<16xi32>
      %and3A_327 = arith.constant 32767 : i32
      %and3A_328 = vector.broadcast %and3A_327 : i32 to vector<16xi32>
      %and3A_329 = arith.andi %get3A_316, %and3A_328 : vector<16xi32>
      %shift_right_arithmetic3A_330 = arith.constant 12 : i32
      %shift_right_arithmetic3A_331 = vector.broadcast %shift_right_arithmetic3A_330 : i32 to vector<16xi32>
      %shift_right_arithmetic3A_332 = arith.shrsi %and3A_329, %shift_right_arithmetic3A_331 : vector<16xi32>
      %or3A_333 = arith.ori %or3A, %shift_right_arithmetic3A_332 : vector<16xi32>
      %dma_start3A = arith.constant 0 : i32
      %dma_start3A_334 = arith.constant 0 : i32
      %dma_start3A_335 = arith.constant 0 : i32
      %dma_start3A_336 = tpu.memref_slice %arg8[%dma_start3A, %while3A_308, %dma_start3A_334, %dma_start3A_335] : memref<2x13x16x16xf32, #tpu.memory_space<vmem>> -> memref<1x1x16x16xf32, #tpu.memory_space<vmem>>
      %dma_start3A_337 = tpu.memref_squeeze %dma_start3A_336 : memref<1x1x16x16xf32, #tpu.memory_space<vmem>> -> memref<16x16xf32, #tpu.memory_space<vmem>>
      %dma_start3A_338 = arith.constant 0 : i32
      %dma_start3A_339 = arith.constant 0 : i32
      %dma_start3A_340 = tpu.memref_slice %arg4[%dma_start3A_338, %dma_start3A_339] : memref<1015808x16xf32, #tpu.memory_space<hbm>> -> memref<1015808x16xf32, #tpu.memory_space<hbm>>
      tpu.enqueue_indirect_dma source(%dma_start3A_340 : memref<1015808x16xf32, #tpu.memory_space<hbm>>) target(%dma_start3A_337 : memref<16x16xf32, #tpu.memory_space<vmem>>) offsets(%or3A_333 : vector<16xi32>) semaphore(%arg10 : memref<!tpu.dma_semaphore, #tpu.memory_space<semaphore_mem>>)
    }
    %scan3A = arith.constant 0 : i32
    %scan3A_46 = arith.constant 63 : i32
    %scan3A_47 = arith.addi %scan3A, %scan3A_46 : i32
    %scan3A_48 = arith.constant 1 : i32
    %scan3A_49 = scf.for %scan3A_308 = %scan3A to %scan3A_47 step %scan3A_48 iter_args(%scan3A_309 = %reduce_max3A_14) -> (i32)  : i32 {
      %mul3A_310 = arith.constant 2 : i32
      %mul3A_311 = arith.muli %mul3A_310, %scan3A_308 : i32
      %add3A_312 = arith.constant 1 : i32
      %add3A_313 = arith.addi %mul3A_311, %add3A_312 : i32
      %jit3A_314 = arith.constant 16 : i32
      %div3A_315 = arith.divsi %add3A_313, %jit3A_314 : i32
      %sign3A_316 = arith.constant 0 : i32
      %sign3A_317 = arith.cmpi sgt, %add3A_313, %sign3A_316 : i32
      %sign3A_318 = arith.extui %sign3A_317 : i1 to i32
      %sign3A_319 = arith.constant 0 : i32
      %sign3A_320 = arith.cmpi slt, %add3A_313, %sign3A_319 : i32
      %sign3A_321 = arith.extui %sign3A_320 : i1 to i32
      %sign3A_322 = arith.subi %sign3A_318, %sign3A_321 : i32
      %sign3A_323 = arith.constant 0 : i32
      %sign3A_324 = arith.cmpi sgt, %jit3A_314, %sign3A_323 : i32
      %sign3A_325 = arith.extui %sign3A_324 : i1 to i32
      %sign3A_326 = arith.constant 0 : i32
      %sign3A_327 = arith.cmpi slt, %jit3A_314, %sign3A_326 : i32
      %sign3A_328 = arith.extui %sign3A_327 : i1 to i32
      %sign3A_329 = arith.subi %sign3A_325, %sign3A_328 : i32
      %ne3A_330 = arith.cmpi ne, %sign3A_322, %sign3A_329 : i32
      %rem3A_331 = arith.remsi %add3A_313, %jit3A_314 : i32
      %ne3A_332 = arith.constant 0 : i32
      %ne3A_333 = arith.cmpi ne, %rem3A_331, %ne3A_332 : i32
      %and3A_334 = arith.andi %ne3A_330, %ne3A_333 : i1
      %sub3A_335 = arith.constant 1 : i32
      %sub3A_336 = arith.subi %div3A_315, %sub3A_335 : i32
      %select_n3A_337 = arith.select %and3A_334, %sub3A_336, %div3A_315 : i32
      %mul3A_338 = arith.constant 16 : i32
      %mul3A_339 = arith.muli %select_n3A_337, %mul3A_338 : i32
      %sub3A_340 = arith.subi %add3A_313, %mul3A_339 : i32
      %mul3A_341 = arith.constant 16 : i32
      %mul3A_342 = arith.muli %select_n3A_337, %mul3A_341 : i32
      %get3A_343 = arith.index_cast %mul3A_342 : i32 to index
      %get3A_344 = tpu.vector_load %arg7[%get3A_343] {strides = array<i32>} : memref<128xi32, #tpu.memory_space<vmem>>, vector<16xi32>,
      %eq3A_345 = vector.broadcast %sub3A_340 : i32 to vector<16xi32>
      %eq3A_346 = arith.cmpi eq, %iota3A, %eq3A_345 : vector<16xi32>
      %jit3A_347 = arith.constant 0 : i32
      %broadcast_in_dim3A_348 = vector.broadcast %jit3A_347 : i32 to vector<16xi32>
      %select_n3A_349 = arith.select %eq3A_346, %get3A_344, %broadcast_in_dim3A_348 : vector<16xi1>, vector<16xi32>
      %reduce_max3A_350 = arith.constant true
      %reduce_max3A_351 = vector.broadcast %reduce_max3A_350 : i1 to vector<16xi1>
      %reduce_max3A_352 = arith.constant -2147483648 : i32
      %reduce_max3A_353 = vector.broadcast %reduce_max3A_352 : i32 to vector<16xi32>
      %reduce_max3A_354 = arith.xori %select_n3A_349, %reduce_max3A_353 : vector<16xi32>
      %reduce_max3A_355 = tpu.scan <max>, %reduce_max3A_354 masked %reduce_max3A_351 : vector<16xi32>, vector<16xi1> -> vector<16xi32>
      %reduce_max3A_356 = arith.xori %reduce_max3A_355, %reduce_max3A_353 : vector<16xi32>
      %reduce_max3A_357 = vector.extract %reduce_max3A_356[15] : i32 from vector<16xi32>
      %add3A_358 = arith.constant 16 : i32
      %add3A_359 = arith.addi %reduce_max3A_357, %add3A_358 : i32
      %sub3A_360 = arith.constant 1 : i32
      %sub3A_361 = arith.subi %add3A_359, %sub3A_360 : i32
      %jit3A_362 = arith.constant 16 : i32
      %div3A_363 = arith.divsi %sub3A_361, %jit3A_362 : i32
      %sign3A_364 = arith.constant 0 : i32
      %sign3A_365 = arith.cmpi sgt, %sub3A_361, %sign3A_364 : i32
      %sign3A_366 = arith.extui %sign3A_365 : i1 to i32
      %sign3A_367 = arith.constant 0 : i32
      %sign3A_368 = arith.cmpi slt, %sub3A_361, %sign3A_367 : i32
      %sign3A_369 = arith.extui %sign3A_368 : i1 to i32
      %sign3A_370 = arith.subi %sign3A_366, %sign3A_369 : i32
      %sign3A_371 = arith.constant 0 : i32
      %sign3A_372 = arith.cmpi sgt, %jit3A_362, %sign3A_371 : i32
      %sign3A_373 = arith.extui %sign3A_372 : i1 to i32
      %sign3A_374 = arith.constant 0 : i32
      %sign3A_375 = arith.cmpi slt, %jit3A_362, %sign3A_374 : i32
      %sign3A_376 = arith.extui %sign3A_375 : i1 to i32
      %sign3A_377 = arith.subi %sign3A_373, %sign3A_376 : i32
      %ne3A_378 = arith.cmpi ne, %sign3A_370, %sign3A_377 : i32
      %rem3A_379 = arith.remsi %sub3A_361, %jit3A_362 : i32
      %ne3A_380 = arith.constant 0 : i32
      %ne3A_381 = arith.cmpi ne, %rem3A_379, %ne3A_380 : i32
      %and3A_382 = arith.andi %ne3A_378, %ne3A_381 : i1
      %sub3A_383 = arith.constant 1 : i32
      %sub3A_384 = arith.subi %div3A_363, %sub3A_383 : i32
      %select_n3A_385 = arith.select %and3A_382, %sub3A_384, %div3A_363 : i32
      %while3A_386 = arith.constant 0 : i32
      %while3A_387 = arith.constant 0 : i32
      %while3A_388 = arith.subi %select_n3A_385, %while3A_387 : i32
      %while3A_389 = arith.addi %while3A_387, %while3A_388 : i32
      %while3A_390 = arith.constant 1 : i32
      %while3A_391 = arith.divsi %while3A_388, %while3A_390 : i32
      %while3A_392 = arith.muli %while3A_391, %while3A_390 : i32
      %while3A_393 = arith.addi %while3A_387, %while3A_392 : i32
      %while3A_394 = arith.constant 1 : i32
      scf.for %while3A_688 = %while3A_387 to %while3A_393 step %while3A_394  : i32 {
        %mul3A_689 = arith.constant 16 : i32
        %mul3A_690 = arith.muli %while3A_688, %mul3A_689 : i32
        %min3A_691 = arith.constant 184 : i32
        %min3A_692 = arith.minsi %mul3A_690, %min3A_691 : i32
        %get3A_693 = arith.index_cast %add3A_313 : i32 to index
        %get3A_694 = arith.index_cast %min3A_692 : i32 to index
        %get3A_695 = tpu.vector_load %arg6[%get3A_693, %get3A_694] {strides = array<i32>} : memref<128x200xi32, #tpu.memory_space<vmem>>, vector<16xi32>,
        %shift_right_arithmetic3A = arith.constant 15 : i32
        %shift_right_arithmetic3A_696 = vector.broadcast %shift_right_arithmetic3A : i32 to vector<16xi32>
        %shift_right_arithmetic3A_697 = arith.shrsi %get3A_695, %shift_right_arithmetic3A_696 : vector<16xi32>
        %shift_left3A = arith.constant 15 : i32
        %shift_left3A_698 = vector.broadcast %shift_left3A : i32 to vector<16xi32>
        %shift_left3A_699 = arith.shli %shift_right_arithmetic3A_697, %shift_left3A_698 : vector<16xi32>
        %and3A_700 = arith.constant 4095 : i32
        %and3A_701 = vector.broadcast %and3A_700 : i32 to vector<16xi32>
        %and3A_702 = arith.andi %get3A_695, %and3A_701 : vector<16xi32>
        %shift_left3A_703 = arith.constant 3 : i32
        %shift_left3A_704 = vector.broadcast %shift_left3A_703 : i32 to vector<16xi32>
        %shift_left3A_705 = arith.shli %and3A_702, %shift_left3A_704 : vector<16xi32>
        %or3A = arith.ori %shift_left3A_699, %shift_left3A_705 : vector<16xi32>
        %and3A_706 = arith.constant 32767 : i32
        %and3A_707 = vector.broadcast %and3A_706 : i32 to vector<16xi32>
        %and3A_708 = arith.andi %get3A_695, %and3A_707 : vector<16xi32>
        %shift_right_arithmetic3A_709 = arith.constant 12 : i32
        %shift_right_arithmetic3A_710 = vector.broadcast %shift_right_arithmetic3A_709 : i32 to vector<16xi32>
        %shift_right_arithmetic3A_711 = arith.shrsi %and3A_708, %shift_right_arithmetic3A_710 : vector<16xi32>
        %or3A_712 = arith.ori %or3A, %shift_right_arithmetic3A_711 : vector<16xi32>
        %dma_start3A = arith.constant 1 : i32
        %dma_start3A_713 = arith.constant 0 : i32
        %dma_start3A_714 = arith.constant 0 : i32
        %dma_start3A_715 = tpu.memref_slice %arg8[%dma_start3A, %while3A_688, %dma_start3A_713, %dma_start3A_714] : memref<2x13x16x16xf32, #tpu.memory_space<vmem>> -> memref<1x1x16x16xf32, #tpu.memory_space<vmem>>
        %dma_start3A_716 = tpu.memref_squeeze %dma_start3A_715 : memref<1x1x16x16xf32, #tpu.memory_space<vmem>> -> memref<16x16xf32, #tpu.memory_space<vmem>>
        %dma_start3A_717 = arith.constant 0 : i32
        %dma_start3A_718 = arith.constant 0 : i32
        %dma_start3A_719 = tpu.memref_slice %arg4[%dma_start3A_717, %dma_start3A_718] : memref<1015808x16xf32, #tpu.memory_space<hbm>> -> memref<1015808x16xf32, #tpu.memory_space<hbm>>
        tpu.enqueue_indirect_dma source(%dma_start3A_719 : memref<1015808x16xf32, #tpu.memory_space<hbm>>) target(%dma_start3A_716 : memref<16x16xf32, #tpu.memory_space<vmem>>) offsets(%or3A_712 : vector<16xi32>) semaphore(%arg11 : memref<!tpu.dma_semaphore, #tpu.memory_space<semaphore_mem>>)
      }
      %while3A_395 = arith.constant 1 : i32
      scf.for %while3A_688 = %while3A_393 to %while3A_389 step %while3A_395  : i32 {
        %mul3A_689 = arith.constant 16 : i32
        %mul3A_690 = arith.muli %while3A_688, %mul3A_689 : i32
        %min3A_691 = arith.constant 184 : i32
        %min3A_692 = arith.minsi %mul3A_690, %min3A_691 : i32
        %get3A_693 = arith.index_cast %add3A_313 : i32 to index
        %get3A_694 = arith.index_cast %min3A_692 : i32 to index
        %get3A_695 = tpu.vector_load %arg6[%get3A_693, %get3A_694] {strides = array<i32>} : memref<128x200xi32, #tpu.memory_space<vmem>>, vector<16xi32>,
        %shift_right_arithmetic3A = arith.constant 15 : i32
        %shift_right_arithmetic3A_696 = vector.broadcast %shift_right_arithmetic3A : i32 to vector<16xi32>
        %shift_right_arithmetic3A_697 = arith.shrsi %get3A_695, %shift_right_arithmetic3A_696 : vector<16xi32>
        %shift_left3A = arith.constant 15 : i32
        %shift_left3A_698 = vector.broadcast %shift_left3A : i32 to vector<16xi32>
        %shift_left3A_699 = arith.shli %shift_right_arithmetic3A_697, %shift_left3A_698 : vector<16xi32>
        %and3A_700 = arith.constant 4095 : i32
        %and3A_701 = vector.broadcast %and3A_700 : i32 to vector<16xi32>
        %and3A_702 = arith.andi %get3A_695, %and3A_701 : vector<16xi32>
        %shift_left3A_703 = arith.constant 3 : i32
        %shift_left3A_704 = vector.broadcast %shift_left3A_703 : i32 to vector<16xi32>
        %shift_left3A_705 = arith.shli %and3A_702, %shift_left3A_704 : vector<16xi32>
        %or3A = arith.ori %shift_left3A_699, %shift_left3A_705 : vector<16xi32>
        %and3A_706 = arith.constant 32767 : i32
        %and3A_707 = vector.broadcast %and3A_706 : i32 to vector<16xi32>
        %and3A_708 = arith.andi %get3A_695, %and3A_707 : vector<16xi32>
        %shift_right_arithmetic3A_709 = arith.constant 12 : i32
        %shift_right_arithmetic3A_710 = vector.broadcast %shift_right_arithmetic3A_709 : i32 to vector<16xi32>
        %shift_right_arithmetic3A_711 = arith.shrsi %and3A_708, %shift_right_arithmetic3A_710 : vector<16xi32>
        %or3A_712 = arith.ori %or3A, %shift_right_arithmetic3A_711 : vector<16xi32>
        %dma_start3A = arith.constant 1 : i32
        %dma_start3A_713 = arith.constant 0 : i32
        %dma_start3A_714 = arith.constant 0 : i32
        %dma_start3A_715 = tpu.memref_slice %arg8[%dma_start3A, %while3A_688, %dma_start3A_713, %dma_start3A_714] : memref<2x13x16x16xf32, #tpu.memory_space<vmem>> -> memref<1x1x16x16xf32, #tpu.memory_space<vmem>>
        %dma_start3A_716 = tpu.memref_squeeze %dma_start3A_715 : memref<1x1x16x16xf32, #tpu.memory_space<vmem>> -> memref<16x16xf32, #tpu.memory_space<vmem>>
        %dma_start3A_717 = arith.constant 0 : i32
        %dma_start3A_718 = arith.constant 0 : i32
        %dma_start3A_719 = tpu.memref_slice %arg4[%dma_start3A_717, %dma_start3A_718] : memref<1015808x16xf32, #tpu.memory_space<hbm>> -> memref<1015808x16xf32, #tpu.memory_space<hbm>>
        tpu.enqueue_indirect_dma source(%dma_start3A_719 : memref<1015808x16xf32, #tpu.memory_space<hbm>>) target(%dma_start3A_716 : memref<16x16xf32, #tpu.memory_space<vmem>>) offsets(%or3A_712 : vector<16xi32>) semaphore(%arg11 : memref<!tpu.dma_semaphore, #tpu.memory_space<semaphore_mem>>)
      }
      %add3A_396 = arith.constant 16 : i32
      %add3A_397 = arith.addi %scan3A_309, %add3A_396 : i32
      %sub3A_398 = arith.constant 1 : i32
      %sub3A_399 = arith.subi %add3A_397, %sub3A_398 : i32
      %jit3A_400 = arith.constant 16 : i32
      %div3A_401 = arith.divsi %sub3A_399, %jit3A_400 : i32
      %sign3A_402 = arith.constant 0 : i32
      %sign3A_403 = arith.cmpi sgt, %sub3A_399, %sign3A_402 : i32
      %sign3A_404 = arith.extui %sign3A_403 : i1 to i32
      %sign3A_405 = arith.constant 0 : i32
      %sign3A_406 = arith.cmpi slt, %sub3A_399, %sign3A_405 : i32
      %sign3A_407 = arith.extui %sign3A_406 : i1 to i32
      %sign3A_408 = arith.subi %sign3A_404, %sign3A_407 : i32
      %sign3A_409 = arith.constant 0 : i32
      %sign3A_410 = arith.cmpi sgt, %jit3A_400, %sign3A_409 : i32
      %sign3A_411 = arith.extui %sign3A_410 : i1 to i32
      %sign3A_412 = arith.constant 0 : i32
      %sign3A_413 = arith.cmpi slt, %jit3A_400, %sign3A_412 : i32
      %sign3A_414 = arith.extui %sign3A_413 : i1 to i32
      %sign3A_415 = arith.subi %sign3A_411, %sign3A_414 : i32
      %ne3A_416 = arith.cmpi ne, %sign3A_408, %sign3A_415 : i32
      %rem3A_417 = arith.remsi %sub3A_399, %jit3A_400 : i32
      %ne3A_418 = arith.constant 0 : i32
      %ne3A_419 = arith.cmpi ne, %rem3A_417, %ne3A_418 : i32
      %and3A_420 = arith.andi %ne3A_416, %ne3A_419 : i1
      %sub3A_421 = arith.constant 1 : i32
      %sub3A_422 = arith.subi %div3A_401, %sub3A_421 : i32
      %select_n3A_423 = arith.select %and3A_420, %sub3A_422, %div3A_401 : i32
      %while3A_424 = arith.constant 0 : i32
      %while3A_425 = arith.constant 0 : i32
      %while3A_426 = arith.subi %select_n3A_423, %while3A_425 : i32
      %while3A_427 = arith.addi %while3A_425, %while3A_426 : i32
      %while3A_428 = arith.constant 1 : i32
      %while3A_429 = arith.divsi %while3A_426, %while3A_428 : i32
      %while3A_430 = arith.muli %while3A_429, %while3A_428 : i32
      %while3A_431 = arith.addi %while3A_425, %while3A_430 : i32
      %while3A_432 = arith.constant 1 : i32
      scf.for %while3A_688 = %while3A_425 to %while3A_431 step %while3A_432  : i32 {
        %dma_wait3A = arith.constant 0 : i32
        %dma_wait3A_689 = arith.constant 0 : i32
        %dma_wait3A_690 = arith.constant 0 : i32
        %dma_wait3A_691 = arith.constant 0 : i32
        %dma_wait3A_692 = tpu.memref_slice %arg8[%dma_wait3A, %dma_wait3A_689, %dma_wait3A_690, %dma_wait3A_691] : memref<2x13x16x16xf32, #tpu.memory_space<vmem>> -> memref<1x1x16x16xf32, #tpu.memory_space<vmem>>
        %dma_wait3A_693 = tpu.memref_squeeze %dma_wait3A_692 : memref<1x1x16x16xf32, #tpu.memory_space<vmem>> -> memref<16x16xf32, #tpu.memory_space<vmem>>
        %dma_wait3A_694 = arith.constant 0 : i32
        %dma_wait3A_695 = arith.constant 0 : i32
        %dma_wait3A_696 = tpu.memref_slice %arg4[%dma_wait3A_694, %dma_wait3A_695] : memref<1015808x16xf32, #tpu.memory_space<hbm>> -> memref<16x16xf32, #tpu.memory_space<hbm>>
        %dma_wait3A_697 = arith.constant 0 : i32
        %dma_wait3A_698 = arith.constant 0 : i32
        %dma_wait3A_699 = tpu.memref_slice %arg8[%dma_wait3A, %dma_wait3A_689, %dma_wait3A_697, %dma_wait3A_698] : memref<2x13x16x16xf32, #tpu.memory_space<vmem>> -> memref<1x1x16x16xf32, #tpu.memory_space<vmem>>
        %dma_wait3A_700 = tpu.memref_squeeze %dma_wait3A_699 : memref<1x1x16x16xf32, #tpu.memory_space<vmem>> -> memref<16x16xf32, #tpu.memory_space<vmem>>
        %dma_wait3A_701 = arith.constant 0 : i32
        %dma_wait3A_702 = arith.constant 0 : i32
        %dma_wait3A_703 = tpu.memref_slice %arg4[%dma_wait3A_701, %dma_wait3A_702] : memref<1015808x16xf32, #tpu.memory_space<hbm>> -> memref<16x16xf32, #tpu.memory_space<hbm>>
        tpu.wait_dma2 semaphore(%arg10 : memref<!tpu.dma_semaphore, #tpu.memory_space<semaphore_mem>>) src(%dma_wait3A_703 : memref<16x16xf32, #tpu.memory_space<hbm>>) dst(%dma_wait3A_700 : memref<16x16xf32, #tpu.memory_space<vmem>>)
      }
      %while3A_433 = arith.constant 1 : i32
      scf.for %while3A_688 = %while3A_431 to %while3A_427 step %while3A_433  : i32 {
        %dma_wait3A = arith.constant 0 : i32
        %dma_wait3A_689 = arith.constant 0 : i32
        %dma_wait3A_690 = arith.constant 0 : i32
        %dma_wait3A_691 = arith.constant 0 : i32
        %dma_wait3A_692 = tpu.memref_slice %arg8[%dma_wait3A, %dma_wait3A_689, %dma_wait3A_690, %dma_wait3A_691] : memref<2x13x16x16xf32, #tpu.memory_space<vmem>> -> memref<1x1x16x16xf32, #tpu.memory_space<vmem>>
        %dma_wait3A_693 = tpu.memref_squeeze %dma_wait3A_692 : memref<1x1x16x16xf32, #tpu.memory_space<vmem>> -> memref<16x16xf32, #tpu.memory_space<vmem>>
        %dma_wait3A_694 = arith.constant 0 : i32
        %dma_wait3A_695 = arith.constant 0 : i32
        %dma_wait3A_696 = tpu.memref_slice %arg4[%dma_wait3A_694, %dma_wait3A_695] : memref<1015808x16xf32, #tpu.memory_space<hbm>> -> memref<16x16xf32, #tpu.memory_space<hbm>>
        %dma_wait3A_697 = arith.constant 0 : i32
        %dma_wait3A_698 = arith.constant 0 : i32
        %dma_wait3A_699 = tpu.memref_slice %arg8[%dma_wait3A, %dma_wait3A_689, %dma_wait3A_697, %dma_wait3A_698] : memref<2x13x16x16xf32, #tpu.memory_space<vmem>> -> memref<1x1x16x16xf32, #tpu.memory_space<vmem>>
        %dma_wait3A_700 = tpu.memref_squeeze %dma_wait3A_699 : memref<1x1x16x16xf32, #tpu.memory_space<vmem>> -> memref<16x16xf32, #tpu.memory_space<vmem>>
        %dma_wait3A_701 = arith.constant 0 : i32
        %dma_wait3A_702 = arith.constant 0 : i32
        %dma_wait3A_703 = tpu.memref_slice %arg4[%dma_wait3A_701, %dma_wait3A_702] : memref<1015808x16xf32, #tpu.memory_space<hbm>> -> memref<16x16xf32, #tpu.memory_space<hbm>>
        tpu.wait_dma2 semaphore(%arg10 : memref<!tpu.dma_semaphore, #tpu.memory_space<semaphore_mem>>) src(%dma_wait3A_703 : memref<16x16xf32, #tpu.memory_space<hbm>>) dst(%dma_wait3A_700 : memref<16x16xf32, #tpu.memory_space<vmem>>)
      }
      %jit3A_434 = arith.constant 16 : i32
      %div3A_435 = arith.divsi %scan3A_309, %jit3A_434 : i32
      %sign3A_436 = arith.constant 0 : i32
      %sign3A_437 = arith.cmpi sgt, %scan3A_309, %sign3A_436 : i32
      %sign3A_438 = arith.extui %sign3A_437 : i1 to i32
      %sign3A_439 = arith.constant 0 : i32
      %sign3A_440 = arith.cmpi slt, %scan3A_309, %sign3A_439 : i32
      %sign3A_441 = arith.extui %sign3A_440 : i1 to i32
      %sign3A_442 = arith.subi %sign3A_438, %sign3A_441 : i32
      %sign3A_443 = arith.constant 0 : i32
      %sign3A_444 = arith.cmpi sgt, %jit3A_434, %sign3A_443 : i32
      %sign3A_445 = arith.extui %sign3A_444 : i1 to i32
      %sign3A_446 = arith.constant 0 : i32
      %sign3A_447 = arith.cmpi slt, %jit3A_434, %sign3A_446 : i32
      %sign3A_448 = arith.extui %sign3A_447 : i1 to i32
      %sign3A_449 = arith.subi %sign3A_445, %sign3A_448 : i32
      %ne3A_450 = arith.cmpi ne, %sign3A_442, %sign3A_449 : i32
      %rem3A_451 = arith.remsi %scan3A_309, %jit3A_434 : i32
      %ne3A_452 = arith.constant 0 : i32
      %ne3A_453 = arith.cmpi ne, %rem3A_451, %ne3A_452 : i32
      %and3A_454 = arith.andi %ne3A_450, %ne3A_453 : i1
      %sub3A_455 = arith.constant 1 : i32
      %sub3A_456 = arith.subi %div3A_435, %sub3A_455 : i32
      %select_n3A_457 = arith.select %and3A_454, %sub3A_456, %div3A_435 : i32
      %min3A_458 = arith.constant 12 : i32
      %min3A_459 = arith.minsi %select_n3A_457, %min3A_458 : i32
      %ge3A_460 = arith.constant 192 : i32
      %ge3A_461 = arith.cmpi sge, %scan3A_309, %ge3A_460 : i32
      %jit3A_462 = arith.constant 8 : i32
      %jit3A_463 = arith.constant 0 : i32
      %select_n3A_464 = arith.select %ge3A_461, %jit3A_462, %jit3A_463 : i32
      %mul3A_465 = arith.constant 16 : i32
      %mul3A_466 = arith.muli %min3A_459, %mul3A_465 : i32
      %sub3A_467 = arith.subi %scan3A_309, %mul3A_466 : i32
      %while3A_468 = arith.constant 0 : i32
      %while3A_469 = arith.subi %min3A_459, %while3A_468 : i32
      %while3A_470 = arith.addi %while3A_468, %while3A_469 : i32
      %while3A_471 = arith.constant 1 : i32
      %while3A_472 = arith.divsi %while3A_469, %while3A_471 : i32
      %while3A_473 = arith.muli %while3A_472, %while3A_471 : i32
      %while3A_474 = arith.addi %while3A_468, %while3A_473 : i32
      %while3A_475 = arith.constant 1 : i32
      %while3A_476 = scf.for %while3A_688 = %while3A_468 to %while3A_474 step %while3A_475 iter_args(%while3A_689 = %broadcast_in_dim3A_3) -> (vector<16xf32>)  : i32 {
        %get3A_690 = arith.constant 0 : i32
        %get3A_691 = arith.constant 0 : i32
        %get3A_692 = arith.index_cast %get3A_690 : i32 to index
        %get3A_693 = arith.index_cast %while3A_688 : i32 to index
        %get3A_694 = arith.index_cast %get3A_691 : i32 to index
        %get3A_695 = arith.constant 0 : index
        %get3A_696 = tpu.vector_load %arg8[%get3A_692, %get3A_693, %get3A_694, %get3A_695] {strides = array<i32>} : memref<2x13x16x16xf32, #tpu.memory_space<vmem>>, vector<16xf32>,
        %add3A_697 = arith.addf %while3A_689, %get3A_696 : vector<16xf32>
        %get3A_698 = arith.constant 0 : i32
        %get3A_699 = arith.constant 1 : i32
        %get3A_700 = arith.index_cast %get3A_698 : i32 to index
        %get3A_701 = arith.index_cast %while3A_688 : i32 to index
        %get3A_702 = arith.index_cast %get3A_699 : i32 to index
        %get3A_703 = arith.constant 0 : index
        %get3A_704 = tpu.vector_load %arg8[%get3A_700, %get3A_701, %get3A_702, %get3A_703] {strides = array<i32>} : memref<2x13x16x16xf32, #tpu.memory_space<vmem>>, vector<16xf32>,
        %add3A_705 = arith.addf %add3A_697, %get3A_704 : vector<16xf32>
        %get3A_706 = arith.constant 0 : i32
        %get3A_707 = arith.constant 2 : i32
        %get3A_708 = arith.index_cast %get3A_706 : i32 to index
        %get3A_709 = arith.index_cast %while3A_688 : i32 to index
        %get3A_710 = arith.index_cast %get3A_707 : i32 to index
        %get3A_711 = arith.constant 0 : index
        %get3A_712 = tpu.vector_load %arg8[%get3A_708, %get3A_709, %get3A_710, %get3A_711] {strides = array<i32>} : memref<2x13x16x16xf32, #tpu.memory_space<vmem>>, vector<16xf32>,
        %add3A_713 = arith.addf %add3A_705, %get3A_712 : vector<16xf32>
        %get3A_714 = arith.constant 0 : i32
        %get3A_715 = arith.constant 3 : i32
        %get3A_716 = arith.index_cast %get3A_714 : i32 to index
        %get3A_717 = arith.index_cast %while3A_688 : i32 to index
        %get3A_718 = arith.index_cast %get3A_715 : i32 to index
        %get3A_719 = arith.constant 0 : index
        %get3A_720 = tpu.vector_load %arg8[%get3A_716, %get3A_717, %get3A_718, %get3A_719] {strides = array<i32>} : memref<2x13x16x16xf32, #tpu.memory_space<vmem>>, vector<16xf32>,
        %add3A_721 = arith.addf %add3A_713, %get3A_720 : vector<16xf32>
        %get3A_722 = arith.constant 0 : i32
        %get3A_723 = arith.constant 4 : i32
        %get3A_724 = arith.index_cast %get3A_722 : i32 to index
        %get3A_725 = arith.index_cast %while3A_688 : i32 to index
        %get3A_726 = arith.index_cast %get3A_723 : i32 to index
        %get3A_727 = arith.constant 0 : index
        %get3A_728 = tpu.vector_load %arg8[%get3A_724, %get3A_725, %get3A_726, %get3A_727] {strides = array<i32>} : memref<2x13x16x16xf32, #tpu.memory_space<vmem>>, vector<16xf32>,
        %add3A_729 = arith.addf %add3A_721, %get3A_728 : vector<16xf32>
        %get3A_730 = arith.constant 0 : i32
        %get3A_731 = arith.constant 5 : i32
        %get3A_732 = arith.index_cast %get3A_730 : i32 to index
        %get3A_733 = arith.index_cast %while3A_688 : i32 to index
        %get3A_734 = arith.index_cast %get3A_731 : i32 to index
        %get3A_735 = arith.constant 0 : index
        %get3A_736 = tpu.vector_load %arg8[%get3A_732, %get3A_733, %get3A_734, %get3A_735] {strides = array<i32>} : memref<2x13x16x16xf32, #tpu.memory_space<vmem>>, vector<16xf32>,
        %add3A_737 = arith.addf %add3A_729, %get3A_736 : vector<16xf32>
        %get3A_738 = arith.constant 0 : i32
        %get3A_739 = arith.constant 6 : i32
        %get3A_740 = arith.index_cast %get3A_738 : i32 to index
        %get3A_741 = arith.index_cast %while3A_688 : i32 to index
        %get3A_742 = arith.index_cast %get3A_739 : i32 to index
        %get3A_743 = arith.constant 0 : index
        %get3A_744 = tpu.vector_load %arg8[%get3A_740, %get3A_741, %get3A_742, %get3A_743] {strides = array<i32>} : memref<2x13x16x16xf32, #tpu.memory_space<vmem>>, vector<16xf32>,
        %add3A_745 = arith.addf %add3A_737, %get3A_744 : vector<16xf32>
        %get3A_746 = arith.constant 0 : i32
        %get3A_747 = arith.constant 7 : i32
        %get3A_748 = arith.index_cast %get3A_746 : i32 to index
        %get3A_749 = arith.index_cast %while3A_688 : i32 to index
        %get3A_750 = arith.index_cast %get3A_747 : i32 to index
        %get3A_751 = arith.constant 0 : index
        %get3A_752 = tpu.vector_load %arg8[%get3A_748, %get3A_749, %get3A_750, %get3A_751] {strides = array<i32>} : memref<2x13x16x16xf32, #tpu.memory_space<vmem>>, vector<16xf32>,
        %add3A_753 = arith.addf %add3A_745, %get3A_752 : vector<16xf32>
        %get3A_754 = arith.constant 0 : i32
        %get3A_755 = arith.constant 8 : i32
        %get3A_756 = arith.index_cast %get3A_754 : i32 to index
        %get3A_757 = arith.index_cast %while3A_688 : i32 to index
        %get3A_758 = arith.index_cast %get3A_755 : i32 to index
        %get3A_759 = arith.constant 0 : index
        %get3A_760 = tpu.vector_load %arg8[%get3A_756, %get3A_757, %get3A_758, %get3A_759] {strides = array<i32>} : memref<2x13x16x16xf32, #tpu.memory_space<vmem>>, vector<16xf32>,
        %add3A_761 = arith.addf %add3A_753, %get3A_760 : vector<16xf32>
        %get3A_762 = arith.constant 0 : i32
        %get3A_763 = arith.constant 9 : i32
        %get3A_764 = arith.index_cast %get3A_762 : i32 to index
        %get3A_765 = arith.index_cast %while3A_688 : i32 to index
        %get3A_766 = arith.index_cast %get3A_763 : i32 to index
        %get3A_767 = arith.constant 0 : index
        %get3A_768 = tpu.vector_load %arg8[%get3A_764, %get3A_765, %get3A_766, %get3A_767] {strides = array<i32>} : memref<2x13x16x16xf32, #tpu.memory_space<vmem>>, vector<16xf32>,
        %add3A_769 = arith.addf %add3A_761, %get3A_768 : vector<16xf32>
        %get3A_770 = arith.constant 0 : i32
        %get3A_771 = arith.constant 10 : i32
        %get3A_772 = arith.index_cast %get3A_770 : i32 to index
        %get3A_773 = arith.index_cast %while3A_688 : i32 to index
        %get3A_774 = arith.index_cast %get3A_771 : i32 to index
        %get3A_775 = arith.constant 0 : index
        %get3A_776 = tpu.vector_load %arg8[%get3A_772, %get3A_773, %get3A_774, %get3A_775] {strides = array<i32>} : memref<2x13x16x16xf32, #tpu.memory_space<vmem>>, vector<16xf32>,
        %add3A_777 = arith.addf %add3A_769, %get3A_776 : vector<16xf32>
        %get3A_778 = arith.constant 0 : i32
        %get3A_779 = arith.constant 11 : i32
        %get3A_780 = arith.index_cast %get3A_778 : i32 to index
        %get3A_781 = arith.index_cast %while3A_688 : i32 to index
        %get3A_782 = arith.index_cast %get3A_779 : i32 to index
        %get3A_783 = arith.constant 0 : index
        %get3A_784 = tpu.vector_load %arg8[%get3A_780, %get3A_781, %get3A_782, %get3A_783] {strides = array<i32>} : memref<2x13x16x16xf32, #tpu.memory_space<vmem>>, vector<16xf32>,
        %add3A_785 = arith.addf %add3A_777, %get3A_784 : vector<16xf32>
        %get3A_786 = arith.constant 0 : i32
        %get3A_787 = arith.constant 12 : i32
        %get3A_788 = arith.index_cast %get3A_786 : i32 to index
        %get3A_789 = arith.index_cast %while3A_688 : i32 to index
        %get3A_790 = arith.index_cast %get3A_787 : i32 to index
        %get3A_791 = arith.constant 0 : index
        %get3A_792 = tpu.vector_load %arg8[%get3A_788, %get3A_789, %get3A_790, %get3A_791] {strides = array<i32>} : memref<2x13x16x16xf32, #tpu.memory_space<vmem>>, vector<16xf32>,
        %add3A_793 = arith.addf %add3A_785, %get3A_792 : vector<16xf32>
        %get3A_794 = arith.constant 0 : i32
        %get3A_795 = arith.constant 13 : i32
        %get3A_796 = arith.index_cast %get3A_794 : i32 to index
        %get3A_797 = arith.index_cast %while3A_688 : i32 to index
        %get3A_798 = arith.index_cast %get3A_795 : i32 to index
        %get3A_799 = arith.constant 0 : index
        %get3A_800 = tpu.vector_load %arg8[%get3A_796, %get3A_797, %get3A_798, %get3A_799] {strides = array<i32>} : memref<2x13x16x16xf32, #tpu.memory_space<vmem>>, vector<16xf32>,
        %add3A_801 = arith.addf %add3A_793, %get3A_800 : vector<16xf32>
        %get3A_802 = arith.constant 0 : i32
        %get3A_803 = arith.constant 14 : i32
        %get3A_804 = arith.index_cast %get3A_802 : i32 to index
        %get3A_805 = arith.index_cast %while3A_688 : i32 to index
        %get3A_806 = arith.index_cast %get3A_803 : i32 to index
        %get3A_807 = arith.constant 0 : index
        %get3A_808 = tpu.vector_load %arg8[%get3A_804, %get3A_805, %get3A_806, %get3A_807] {strides = array<i32>} : memref<2x13x16x16xf32, #tpu.memory_space<vmem>>, vector<16xf32>,
        %add3A_809 = arith.addf %add3A_801, %get3A_808 : vector<16xf32>
        %get3A_810 = arith.constant 0 : i32
        %get3A_811 = arith.constant 15 : i32
        %get3A_812 = arith.index_cast %get3A_810 : i32 to index
        %get3A_813 = arith.index_cast %while3A_688 : i32 to index
        %get3A_814 = arith.index_cast %get3A_811 : i32 to index
        %get3A_815 = arith.constant 0 : index
        %get3A_816 = tpu.vector_load %arg8[%get3A_812, %get3A_813, %get3A_814, %get3A_815] {strides = array<i32>} : memref<2x13x16x16xf32, #tpu.memory_space<vmem>>, vector<16xf32>,
        %add3A_817 = arith.addf %add3A_809, %get3A_816 : vector<16xf32>
        scf.yield %add3A_817 : vector<16xf32>
      }
      %while3A_477 = arith.constant 1 : i32
      %while3A_478 = scf.for %while3A_688 = %while3A_474 to %while3A_470 step %while3A_477 iter_args(%while3A_689 = %while3A_476) -> (vector<16xf32>)  : i32 {
        %get3A_690 = arith.constant 0 : i32
        %get3A_691 = arith.constant 0 : i32
        %get3A_692 = arith.index_cast %get3A_690 : i32 to index
        %get3A_693 = arith.index_cast %while3A_688 : i32 to index
        %get3A_694 = arith.index_cast %get3A_691 : i32 to index
        %get3A_695 = arith.constant 0 : index
        %get3A_696 = tpu.vector_load %arg8[%get3A_692, %get3A_693, %get3A_694, %get3A_695] {strides = array<i32>} : memref<2x13x16x16xf32, #tpu.memory_space<vmem>>, vector<16xf32>,
        %add3A_697 = arith.addf %while3A_689, %get3A_696 : vector<16xf32>
        %get3A_698 = arith.constant 0 : i32
        %get3A_699 = arith.constant 1 : i32
        %get3A_700 = arith.index_cast %get3A_698 : i32 to index
        %get3A_701 = arith.index_cast %while3A_688 : i32 to index
        %get3A_702 = arith.index_cast %get3A_699 : i32 to index
        %get3A_703 = arith.constant 0 : index
        %get3A_704 = tpu.vector_load %arg8[%get3A_700, %get3A_701, %get3A_702, %get3A_703] {strides = array<i32>} : memref<2x13x16x16xf32, #tpu.memory_space<vmem>>, vector<16xf32>,
        %add3A_705 = arith.addf %add3A_697, %get3A_704 : vector<16xf32>
        %get3A_706 = arith.constant 0 : i32
        %get3A_707 = arith.constant 2 : i32
        %get3A_708 = arith.index_cast %get3A_706 : i32 to index
        %get3A_709 = arith.index_cast %while3A_688 : i32 to index
        %get3A_710 = arith.index_cast %get3A_707 : i32 to index
        %get3A_711 = arith.constant 0 : index
        %get3A_712 = tpu.vector_load %arg8[%get3A_708, %get3A_709, %get3A_710, %get3A_711] {strides = array<i32>} : memref<2x13x16x16xf32, #tpu.memory_space<vmem>>, vector<16xf32>,
        %add3A_713 = arith.addf %add3A_705, %get3A_712 : vector<16xf32>
        %get3A_714 = arith.constant 0 : i32
        %get3A_715 = arith.constant 3 : i32
        %get3A_716 = arith.index_cast %get3A_714 : i32 to index
        %get3A_717 = arith.index_cast %while3A_688 : i32 to index
        %get3A_718 = arith.index_cast %get3A_715 : i32 to index
        %get3A_719 = arith.constant 0 : index
        %get3A_720 = tpu.vector_load %arg8[%get3A_716, %get3A_717, %get3A_718, %get3A_719] {strides = array<i32>} : memref<2x13x16x16xf32, #tpu.memory_space<vmem>>, vector<16xf32>,
        %add3A_721 = arith.addf %add3A_713, %get3A_720 : vector<16xf32>
        %get3A_722 = arith.constant 0 : i32
        %get3A_723 = arith.constant 4 : i32
        %get3A_724 = arith.index_cast %get3A_722 : i32 to index
        %get3A_725 = arith.index_cast %while3A_688 : i32 to index
        %get3A_726 = arith.index_cast %get3A_723 : i32 to index
        %get3A_727 = arith.constant 0 : index
        %get3A_728 = tpu.vector_load %arg8[%get3A_724, %get3A_725, %get3A_726, %get3A_727] {strides = array<i32>} : memref<2x13x16x16xf32, #tpu.memory_space<vmem>>, vector<16xf32>,
        %add3A_729 = arith.addf %add3A_721, %get3A_728 : vector<16xf32>
        %get3A_730 = arith.constant 0 : i32
        %get3A_731 = arith.constant 5 : i32
        %get3A_732 = arith.index_cast %get3A_730 : i32 to index
        %get3A_733 = arith.index_cast %while3A_688 : i32 to index
        %get3A_734 = arith.index_cast %get3A_731 : i32 to index
        %get3A_735 = arith.constant 0 : index
        %get3A_736 = tpu.vector_load %arg8[%get3A_732, %get3A_733, %get3A_734, %get3A_735] {strides = array<i32>} : memref<2x13x16x16xf32, #tpu.memory_space<vmem>>, vector<16xf32>,
        %add3A_737 = arith.addf %add3A_729, %get3A_736 : vector<16xf32>
        %get3A_738 = arith.constant 0 : i32
        %get3A_739 = arith.constant 6 : i32
        %get3A_740 = arith.index_cast %get3A_738 : i32 to index
        %get3A_741 = arith.index_cast %while3A_688 : i32 to index
        %get3A_742 = arith.index_cast %get3A_739 : i32 to index
        %get3A_743 = arith.constant 0 : index
        %get3A_744 = tpu.vector_load %arg8[%get3A_740, %get3A_741, %get3A_742, %get3A_743] {strides = array<i32>} : memref<2x13x16x16xf32, #tpu.memory_space<vmem>>, vector<16xf32>,
        %add3A_745 = arith.addf %add3A_737, %get3A_744 : vector<16xf32>
        %get3A_746 = arith.constant 0 : i32
        %get3A_747 = arith.constant 7 : i32
        %get3A_748 = arith.index_cast %get3A_746 : i32 to index
        %get3A_749 = arith.index_cast %while3A_688 : i32 to index
        %get3A_750 = arith.index_cast %get3A_747 : i32 to index
        %get3A_751 = arith.constant 0 : index
        %get3A_752 = tpu.vector_load %arg8[%get3A_748, %get3A_749, %get3A_750, %get3A_751] {strides = array<i32>} : memref<2x13x16x16xf32, #tpu.memory_space<vmem>>, vector<16xf32>,
        %add3A_753 = arith.addf %add3A_745, %get3A_752 : vector<16xf32>
        %get3A_754 = arith.constant 0 : i32
        %get3A_755 = arith.constant 8 : i32
        %get3A_756 = arith.index_cast %get3A_754 : i32 to index
        %get3A_757 = arith.index_cast %while3A_688 : i32 to index
        %get3A_758 = arith.index_cast %get3A_755 : i32 to index
        %get3A_759 = arith.constant 0 : index
        %get3A_760 = tpu.vector_load %arg8[%get3A_756, %get3A_757, %get3A_758, %get3A_759] {strides = array<i32>} : memref<2x13x16x16xf32, #tpu.memory_space<vmem>>, vector<16xf32>,
        %add3A_761 = arith.addf %add3A_753, %get3A_760 : vector<16xf32>
        %get3A_762 = arith.constant 0 : i32
        %get3A_763 = arith.constant 9 : i32
        %get3A_764 = arith.index_cast %get3A_762 : i32 to index
        %get3A_765 = arith.index_cast %while3A_688 : i32 to index
        %get3A_766 = arith.index_cast %get3A_763 : i32 to index
        %get3A_767 = arith.constant 0 : index
        %get3A_768 = tpu.vector_load %arg8[%get3A_764, %get3A_765, %get3A_766, %get3A_767] {strides = array<i32>} : memref<2x13x16x16xf32, #tpu.memory_space<vmem>>, vector<16xf32>,
        %add3A_769 = arith.addf %add3A_761, %get3A_768 : vector<16xf32>
        %get3A_770 = arith.constant 0 : i32
        %get3A_771 = arith.constant 10 : i32
        %get3A_772 = arith.index_cast %get3A_770 : i32 to index
        %get3A_773 = arith.index_cast %while3A_688 : i32 to index
        %get3A_774 = arith.index_cast %get3A_771 : i32 to index
        %get3A_775 = arith.constant 0 : index
        %get3A_776 = tpu.vector_load %arg8[%get3A_772, %get3A_773, %get3A_774, %get3A_775] {strides = array<i32>} : memref<2x13x16x16xf32, #tpu.memory_space<vmem>>, vector<16xf32>,
        %add3A_777 = arith.addf %add3A_769, %get3A_776 : vector<16xf32>
        %get3A_778 = arith.constant 0 : i32
        %get3A_779 = arith.constant 11 : i32
        %get3A_780 = arith.index_cast %get3A_778 : i32 to index
        %get3A_781 = arith.index_cast %while3A_688 : i32 to index
        %get3A_782 = arith.index_cast %get3A_779 : i32 to index
        %get3A_783 = arith.constant 0 : index
        %get3A_784 = tpu.vector_load %arg8[%get3A_780, %get3A_781, %get3A_782, %get3A_783] {strides = array<i32>} : memref<2x13x16x16xf32, #tpu.memory_space<vmem>>, vector<16xf32>,
        %add3A_785 = arith.addf %add3A_777, %get3A_784 : vector<16xf32>
        %get3A_786 = arith.constant 0 : i32
        %get3A_787 = arith.constant 12 : i32
        %get3A_788 = arith.index_cast %get3A_786 : i32 to index
        %get3A_789 = arith.index_cast %while3A_688 : i32 to index
        %get3A_790 = arith.index_cast %get3A_787 : i32 to index
        %get3A_791 = arith.constant 0 : index
        %get3A_792 = tpu.vector_load %arg8[%get3A_788, %get3A_789, %get3A_790, %get3A_791] {strides = array<i32>} : memref<2x13x16x16xf32, #tpu.memory_space<vmem>>, vector<16xf32>,
        %add3A_793 = arith.addf %add3A_785, %get3A_792 : vector<16xf32>
        %get3A_794 = arith.constant 0 : i32
        %get3A_795 = arith.constant 13 : i32
        %get3A_796 = arith.index_cast %get3A_794 : i32 to index
        %get3A_797 = arith.index_cast %while3A_688 : i32 to index
        %get3A_798 = arith.index_cast %get3A_795 : i32 to index
        %get3A_799 = arith.constant 0 : index
        %get3A_800 = tpu.vector_load %arg8[%get3A_796, %get3A_797, %get3A_798, %get3A_799] {strides = array<i32>} : memref<2x13x16x16xf32, #tpu.memory_space<vmem>>, vector<16xf32>,
        %add3A_801 = arith.addf %add3A_793, %get3A_800 : vector<16xf32>
        %get3A_802 = arith.constant 0 : i32
        %get3A_803 = arith.constant 14 : i32
        %get3A_804 = arith.index_cast %get3A_802 : i32 to index
        %get3A_805 = arith.index_cast %while3A_688 : i32 to index
        %get3A_806 = arith.index_cast %get3A_803 : i32 to index
        %get3A_807 = arith.constant 0 : index
        %get3A_808 = tpu.vector_load %arg8[%get3A_804, %get3A_805, %get3A_806, %get3A_807] {strides = array<i32>} : memref<2x13x16x16xf32, #tpu.memory_space<vmem>>, vector<16xf32>,
        %add3A_809 = arith.addf %add3A_801, %get3A_808 : vector<16xf32>
        %get3A_810 = arith.constant 0 : i32
        %get3A_811 = arith.constant 15 : i32
        %get3A_812 = arith.index_cast %get3A_810 : i32 to index
        %get3A_813 = arith.index_cast %while3A_688 : i32 to index
        %get3A_814 = arith.index_cast %get3A_811 : i32 to index
        %get3A_815 = arith.constant 0 : index
        %get3A_816 = tpu.vector_load %arg8[%get3A_812, %get3A_813, %get3A_814, %get3A_815] {strides = array<i32>} : memref<2x13x16x16xf32, #tpu.memory_space<vmem>>, vector<16xf32>,
        %add3A_817 = arith.addf %add3A_809, %get3A_816 : vector<16xf32>
        scf.yield %add3A_817 : vector<16xf32>
      }
      %while3A_479 = arith.constant 0 : i32
      %while3A_480 = arith.subi %sub3A_467, %while3A_479 : i32
      %while3A_481 = arith.addi %while3A_479, %while3A_480 : i32
      %while3A_482 = arith.constant 1 : i32
      %while3A_483 = arith.divsi %while3A_480, %while3A_482 : i32
      %while3A_484 = arith.muli %while3A_483, %while3A_482 : i32
      %while3A_485 = arith.addi %while3A_479, %while3A_484 : i32
      %while3A_486 = arith.constant 1 : i32
      %while3A_487 = scf.for %while3A_688 = %while3A_479 to %while3A_485 step %while3A_486 iter_args(%while3A_689 = %while3A_478) -> (vector<16xf32>)  : i32 {
        %add3A_690 = arith.addi %select_n3A_464, %while3A_688 : i32
        %get3A_691 = arith.constant 0 : i32
        %get3A_692 = arith.index_cast %get3A_691 : i32 to index
        %get3A_693 = arith.index_cast %min3A_459 : i32 to index
        %get3A_694 = arith.index_cast %add3A_690 : i32 to index
        %get3A_695 = arith.constant 0 : index
        %get3A_696 = tpu.vector_load %arg8[%get3A_692, %get3A_693, %get3A_694, %get3A_695] {strides = array<i32>} : memref<2x13x16x16xf32, #tpu.memory_space<vmem>>, vector<16xf32>,
        %add3A_697 = arith.addf %while3A_689, %get3A_696 : vector<16xf32>
        scf.yield %add3A_697 : vector<16xf32>
      }
      %while3A_488 = arith.constant 1 : i32
      %while3A_489 = scf.for %while3A_688 = %while3A_485 to %while3A_481 step %while3A_488 iter_args(%while3A_689 = %while3A_487) -> (vector<16xf32>)  : i32 {
        %add3A_690 = arith.addi %select_n3A_464, %while3A_688 : i32
        %get3A_691 = arith.constant 0 : i32
        %get3A_692 = arith.index_cast %get3A_691 : i32 to index
        %get3A_693 = arith.index_cast %min3A_459 : i32 to index
        %get3A_694 = arith.index_cast %add3A_690 : i32 to index
        %get3A_695 = arith.constant 0 : index
        %get3A_696 = tpu.vector_load %arg8[%get3A_692, %get3A_693, %get3A_694, %get3A_695] {strides = array<i32>} : memref<2x13x16x16xf32, #tpu.memory_space<vmem>>, vector<16xf32>,
        %add3A_697 = arith.addf %while3A_689, %get3A_696 : vector<16xf32>
        scf.yield %add3A_697 : vector<16xf32>
      }
      %broadcast_in_dim3A_490 = vector.broadcast %scan3A_309 : i32 to vector<16xi32>
      %max3A_491 = arith.constant 1 : i32
      %max3A_492 = vector.broadcast %max3A_491 : i32 to vector<16xi32>
      %max3A_493 = arith.maxsi %broadcast_in_dim3A_490, %max3A_492 : vector<16xi32>
      %convert_element_type3A_494 = arith.sitofp %max3A_493 : vector<16xi32> to vector<16xf32>
      %div3A_495 = arith.divf %while3A_489, %convert_element_type3A_494 : vector<16xf32>
      %swap3A_496 = arith.index_cast %mul3A_311 : i32 to index
      %swap3A_497 = arith.constant 0 : index
      %swap3A_498 = tpu.vector_load %arg9[%swap3A_496, %swap3A_497] {strides = array<i32>} : memref<128x16xf32, #tpu.memory_space<vmem>>, vector<16xf32>,
      tpu.vector_store %arg9[%swap3A_496, %swap3A_497], %div3A_495 {strides = array<i32>} : memref<128x16xf32, #tpu.memory_space<vmem>>, vector<16xf32>,
      %add3A_499 = arith.constant 2 : i32
      %add3A_500 = arith.addi %mul3A_311, %add3A_499 : i32
      %jit3A_501 = arith.constant 16 : i32
      %div3A_502 = arith.divsi %add3A_500, %jit3A_501 : i32
      %sign3A_503 = arith.constant 0 : i32
      %sign3A_504 = arith.cmpi sgt, %add3A_500, %sign3A_503 : i32
      %sign3A_505 = arith.extui %sign3A_504 : i1 to i32
      %sign3A_506 = arith.constant 0 : i32
      %sign3A_507 = arith.cmpi slt, %add3A_500, %sign3A_506 : i32
      %sign3A_508 = arith.extui %sign3A_507 : i1 to i32
      %sign3A_509 = arith.subi %sign3A_505, %sign3A_508 : i32
      %sign3A_510 = arith.constant 0 : i32
      %sign3A_511 = arith.cmpi sgt, %jit3A_501, %sign3A_510 : i32
      %sign3A_512 = arith.extui %sign3A_511 : i1 to i32
      %sign3A_513 = arith.constant 0 : i32
      %sign3A_514 = arith.cmpi slt, %jit3A_501, %sign3A_513 : i32
      %sign3A_515 = arith.extui %sign3A_514 : i1 to i32
      %sign3A_516 = arith.subi %sign3A_512, %sign3A_515 : i32
      %ne3A_517 = arith.cmpi ne, %sign3A_509, %sign3A_516 : i32
      %rem3A_518 = arith.remsi %add3A_500, %jit3A_501 : i32
      %ne3A_519 = arith.constant 0 : i32
      %ne3A_520 = arith.cmpi ne, %rem3A_518, %ne3A_519 : i32
      %and3A_521 = arith.andi %ne3A_517, %ne3A_520 : i1
      %sub3A_522 = arith.constant 1 : i32
      %sub3A_523 = arith.subi %div3A_502, %sub3A_522 : i32
      %select_n3A_524 = arith.select %and3A_521, %sub3A_523, %div3A_502 : i32
      %mul3A_525 = arith.constant 16 : i32
      %mul3A_526 = arith.muli %select_n3A_524, %mul3A_525 : i32
      %sub3A_527 = arith.subi %add3A_500, %mul3A_526 : i32
      %mul3A_528 = arith.constant 16 : i32
      %mul3A_529 = arith.muli %select_n3A_524, %mul3A_528 : i32
      %get3A_530 = arith.index_cast %mul3A_529 : i32 to index
      %get3A_531 = tpu.vector_load %arg7[%get3A_530] {strides = array<i32>} : memref<128xi32, #tpu.memory_space<vmem>>, vector<16xi32>,
      %eq3A_532 = vector.broadcast %sub3A_527 : i32 to vector<16xi32>
      %eq3A_533 = arith.cmpi eq, %iota3A, %eq3A_532 : vector<16xi32>
      %jit3A_534 = arith.constant 0 : i32
      %broadcast_in_dim3A_535 = vector.broadcast %jit3A_534 : i32 to vector<16xi32>
      %select_n3A_536 = arith.select %eq3A_533, %get3A_531, %broadcast_in_dim3A_535 : vector<16xi1>, vector<16xi32>
      %reduce_max3A_537 = arith.constant true
      %reduce_max3A_538 = vector.broadcast %reduce_max3A_537 : i1 to vector<16xi1>
      %reduce_max3A_539 = arith.constant -2147483648 : i32
      %reduce_max3A_540 = vector.broadcast %reduce_max3A_539 : i32 to vector<16xi32>
      %reduce_max3A_541 = arith.xori %select_n3A_536, %reduce_max3A_540 : vector<16xi32>
      %reduce_max3A_542 = tpu.scan <max>, %reduce_max3A_541 masked %reduce_max3A_538 : vector<16xi32>, vector<16xi1> -> vector<16xi32>
      %reduce_max3A_543 = arith.xori %reduce_max3A_542, %reduce_max3A_540 : vector<16xi32>
      %reduce_max3A_544 = vector.extract %reduce_max3A_543[15] : i32 from vector<16xi32>
      %add3A_545 = arith.constant 16 : i32
      %add3A_546 = arith.addi %reduce_max3A_544, %add3A_545 : i32
      %sub3A_547 = arith.constant 1 : i32
      %sub3A_548 = arith.subi %add3A_546, %sub3A_547 : i32
      %jit3A_549 = arith.constant 16 : i32
      %div3A_550 = arith.divsi %sub3A_548, %jit3A_549 : i32
      %sign3A_551 = arith.constant 0 : i32
      %sign3A_552 = arith.cmpi sgt, %sub3A_548, %sign3A_551 : i32
      %sign3A_553 = arith.extui %sign3A_552 : i1 to i32
      %sign3A_554 = arith.constant 0 : i32
      %sign3A_555 = arith.cmpi slt, %sub3A_548, %sign3A_554 : i32
      %sign3A_556 = arith.extui %sign3A_555 : i1 to i32
      %sign3A_557 = arith.subi %sign3A_553, %sign3A_556 : i32
      %sign3A_558 = arith.constant 0 : i32
      %sign3A_559 = arith.cmpi sgt, %jit3A_549, %sign3A_558 : i32
      %sign3A_560 = arith.extui %sign3A_559 : i1 to i32
      %sign3A_561 = arith.constant 0 : i32
      %sign3A_562 = arith.cmpi slt, %jit3A_549, %sign3A_561 : i32
      %sign3A_563 = arith.extui %sign3A_562 : i1 to i32
      %sign3A_564 = arith.subi %sign3A_560, %sign3A_563 : i32
      %ne3A_565 = arith.cmpi ne, %sign3A_557, %sign3A_564 : i32
      %rem3A_566 = arith.remsi %sub3A_548, %jit3A_549 : i32
      %ne3A_567 = arith.constant 0 : i32
      %ne3A_568 = arith.cmpi ne, %rem3A_566, %ne3A_567 : i32
      %and3A_569 = arith.andi %ne3A_565, %ne3A_568 : i1
      %sub3A_570 = arith.constant 1 : i32
      %sub3A_571 = arith.subi %div3A_550, %sub3A_570 : i32
      %select_n3A_572 = arith.select %and3A_569, %sub3A_571, %div3A_550 : i32
      %while3A_573 = arith.constant 0 : i32
      %while3A_574 = arith.constant 0 : i32
      %while3A_575 = arith.subi %select_n3A_572, %while3A_574 : i32
      %while3A_576 = arith.addi %while3A_574, %while3A_575 : i32
      %while3A_577 = arith.constant 1 : i32
      %while3A_578 = arith.divsi %while3A_575, %while3A_577 : i32
      %while3A_579 = arith.muli %while3A_578, %while3A_577 : i32
      %while3A_580 = arith.addi %while3A_574, %while3A_579 : i32
      %while3A_581 = arith.constant 1 : i32
      scf.for %while3A_688 = %while3A_574 to %while3A_580 step %while3A_581  : i32 {
        %mul3A_689 = arith.constant 16 : i32
        %mul3A_690 = arith.muli %while3A_688, %mul3A_689 : i32
        %min3A_691 = arith.constant 184 : i32
        %min3A_692 = arith.minsi %mul3A_690, %min3A_691 : i32
        %get3A_693 = arith.index_cast %add3A_500 : i32 to index
        %get3A_694 = arith.index_cast %min3A_692 : i32 to index
        %get3A_695 = tpu.vector_load %arg6[%get3A_693, %get3A_694] {strides = array<i32>} : memref<128x200xi32, #tpu.memory_space<vmem>>, vector<16xi32>,
        %shift_right_arithmetic3A = arith.constant 15 : i32
        %shift_right_arithmetic3A_696 = vector.broadcast %shift_right_arithmetic3A : i32 to vector<16xi32>
        %shift_right_arithmetic3A_697 = arith.shrsi %get3A_695, %shift_right_arithmetic3A_696 : vector<16xi32>
        %shift_left3A = arith.constant 15 : i32
        %shift_left3A_698 = vector.broadcast %shift_left3A : i32 to vector<16xi32>
        %shift_left3A_699 = arith.shli %shift_right_arithmetic3A_697, %shift_left3A_698 : vector<16xi32>
        %and3A_700 = arith.constant 4095 : i32
        %and3A_701 = vector.broadcast %and3A_700 : i32 to vector<16xi32>
        %and3A_702 = arith.andi %get3A_695, %and3A_701 : vector<16xi32>
        %shift_left3A_703 = arith.constant 3 : i32
        %shift_left3A_704 = vector.broadcast %shift_left3A_703 : i32 to vector<16xi32>
        %shift_left3A_705 = arith.shli %and3A_702, %shift_left3A_704 : vector<16xi32>
        %or3A = arith.ori %shift_left3A_699, %shift_left3A_705 : vector<16xi32>
        %and3A_706 = arith.constant 32767 : i32
        %and3A_707 = vector.broadcast %and3A_706 : i32 to vector<16xi32>
        %and3A_708 = arith.andi %get3A_695, %and3A_707 : vector<16xi32>
        %shift_right_arithmetic3A_709 = arith.constant 12 : i32
        %shift_right_arithmetic3A_710 = vector.broadcast %shift_right_arithmetic3A_709 : i32 to vector<16xi32>
        %shift_right_arithmetic3A_711 = arith.shrsi %and3A_708, %shift_right_arithmetic3A_710 : vector<16xi32>
        %or3A_712 = arith.ori %or3A, %shift_right_arithmetic3A_711 : vector<16xi32>
        %dma_start3A = arith.constant 0 : i32
        %dma_start3A_713 = arith.constant 0 : i32
        %dma_start3A_714 = arith.constant 0 : i32
        %dma_start3A_715 = tpu.memref_slice %arg8[%dma_start3A, %while3A_688, %dma_start3A_713, %dma_start3A_714] : memref<2x13x16x16xf32, #tpu.memory_space<vmem>> -> memref<1x1x16x16xf32, #tpu.memory_space<vmem>>
        %dma_start3A_716 = tpu.memref_squeeze %dma_start3A_715 : memref<1x1x16x16xf32, #tpu.memory_space<vmem>> -> memref<16x16xf32, #tpu.memory_space<vmem>>
        %dma_start3A_717 = arith.constant 0 : i32
        %dma_start3A_718 = arith.constant 0 : i32
        %dma_start3A_719 = tpu.memref_slice %arg4[%dma_start3A_717, %dma_start3A_718] : memref<1015808x16xf32, #tpu.memory_space<hbm>> -> memref<1015808x16xf32, #tpu.memory_space<hbm>>
        tpu.enqueue_indirect_dma source(%dma_start3A_719 : memref<1015808x16xf32, #tpu.memory_space<hbm>>) target(%dma_start3A_716 : memref<16x16xf32, #tpu.memory_space<vmem>>) offsets(%or3A_712 : vector<16xi32>) semaphore(%arg10 : memref<!tpu.dma_semaphore, #tpu.memory_space<semaphore_mem>>)
      }
      %while3A_582 = arith.constant 1 : i32
      scf.for %while3A_688 = %while3A_580 to %while3A_576 step %while3A_582  : i32 {
        %mul3A_689 = arith.constant 16 : i32
        %mul3A_690 = arith.muli %while3A_688, %mul3A_689 : i32
        %min3A_691 = arith.constant 184 : i32
        %min3A_692 = arith.minsi %mul3A_690, %min3A_691 : i32
        %get3A_693 = arith.index_cast %add3A_500 : i32 to index
        %get3A_694 = arith.index_cast %min3A_692 : i32 to index
        %get3A_695 = tpu.vector_load %arg6[%get3A_693, %get3A_694] {strides = array<i32>} : memref<128x200xi32, #tpu.memory_space<vmem>>, vector<16xi32>,
        %shift_right_arithmetic3A = arith.constant 15 : i32
        %shift_right_arithmetic3A_696 = vector.broadcast %shift_right_arithmetic3A : i32 to vector<16xi32>
        %shift_right_arithmetic3A_697 = arith.shrsi %get3A_695, %shift_right_arithmetic3A_696 : vector<16xi32>
        %shift_left3A = arith.constant 15 : i32
        %shift_left3A_698 = vector.broadcast %shift_left3A : i32 to vector<16xi32>
        %shift_left3A_699 = arith.shli %shift_right_arithmetic3A_697, %shift_left3A_698 : vector<16xi32>
        %and3A_700 = arith.constant 4095 : i32
        %and3A_701 = vector.broadcast %and3A_700 : i32 to vector<16xi32>
        %and3A_702 = arith.andi %get3A_695, %and3A_701 : vector<16xi32>
        %shift_left3A_703 = arith.constant 3 : i32
        %shift_left3A_704 = vector.broadcast %shift_left3A_703 : i32 to vector<16xi32>
        %shift_left3A_705 = arith.shli %and3A_702, %shift_left3A_704 : vector<16xi32>
        %or3A = arith.ori %shift_left3A_699, %shift_left3A_705 : vector<16xi32>
        %and3A_706 = arith.constant 32767 : i32
        %and3A_707 = vector.broadcast %and3A_706 : i32 to vector<16xi32>
        %and3A_708 = arith.andi %get3A_695, %and3A_707 : vector<16xi32>
        %shift_right_arithmetic3A_709 = arith.constant 12 : i32
        %shift_right_arithmetic3A_710 = vector.broadcast %shift_right_arithmetic3A_709 : i32 to vector<16xi32>
        %shift_right_arithmetic3A_711 = arith.shrsi %and3A_708, %shift_right_arithmetic3A_710 : vector<16xi32>
        %or3A_712 = arith.ori %or3A, %shift_right_arithmetic3A_711 : vector<16xi32>
        %dma_start3A = arith.constant 0 : i32
        %dma_start3A_713 = arith.constant 0 : i32
        %dma_start3A_714 = arith.constant 0 : i32
        %dma_start3A_715 = tpu.memref_slice %arg8[%dma_start3A, %while3A_688, %dma_start3A_713, %dma_start3A_714] : memref<2x13x16x16xf32, #tpu.memory_space<vmem>> -> memref<1x1x16x16xf32, #tpu.memory_space<vmem>>
        %dma_start3A_716 = tpu.memref_squeeze %dma_start3A_715 : memref<1x1x16x16xf32, #tpu.memory_space<vmem>> -> memref<16x16xf32, #tpu.memory_space<vmem>>
        %dma_start3A_717 = arith.constant 0 : i32
        %dma_start3A_718 = arith.constant 0 : i32
        %dma_start3A_719 = tpu.memref_slice %arg4[%dma_start3A_717, %dma_start3A_718] : memref<1015808x16xf32, #tpu.memory_space<hbm>> -> memref<1015808x16xf32, #tpu.memory_space<hbm>>
        tpu.enqueue_indirect_dma source(%dma_start3A_719 : memref<1015808x16xf32, #tpu.memory_space<hbm>>) target(%dma_start3A_716 : memref<16x16xf32, #tpu.memory_space<vmem>>) offsets(%or3A_712 : vector<16xi32>) semaphore(%arg10 : memref<!tpu.dma_semaphore, #tpu.memory_space<semaphore_mem>>)
      }
      %add3A_583 = arith.constant 1 : i32
      %add3A_584 = arith.addi %mul3A_311, %add3A_583 : i32
      %add3A_585 = arith.constant 16 : i32
      %add3A_586 = arith.addi %reduce_max3A_357, %add3A_585 : i32
      %sub3A_587 = arith.constant 1 : i32
      %sub3A_588 = arith.subi %add3A_586, %sub3A_587 : i32
      %jit3A_589 = arith.constant 16 : i32
      %div3A_590 = arith.divsi %sub3A_588, %jit3A_589 : i32
      %sign3A_591 = arith.constant 0 : i32
      %sign3A_592 = arith.cmpi sgt, %sub3A_588, %sign3A_591 : i32
      %sign3A_593 = arith.extui %sign3A_592 : i1 to i32
      %sign3A_594 = arith.constant 0 : i32
      %sign3A_595 = arith.cmpi slt, %sub3A_588, %sign3A_594 : i32
      %sign3A_596 = arith.extui %sign3A_595 : i1 to i32
      %sign3A_597 = arith.subi %sign3A_593, %sign3A_596 : i32
      %sign3A_598 = arith.constant 0 : i32
      %sign3A_599 = arith.cmpi sgt, %jit3A_589, %sign3A_598 : i32
      %sign3A_600 = arith.extui %sign3A_599 : i1 to i32
      %sign3A_601 = arith.constant 0 : i32
      %sign3A_602 = arith.cmpi slt, %jit3A_589, %sign3A_601 : i32
      %sign3A_603 = arith.extui %sign3A_602 : i1 to i32
      %sign3A_604 = arith.subi %sign3A_600, %sign3A_603 : i32
      %ne3A_605 = arith.cmpi ne, %sign3A_597, %sign3A_604 : i32
      %rem3A_606 = arith.remsi %sub3A_588, %jit3A_589 : i32
      %ne3A_607 = arith.constant 0 : i32
      %ne3A_608 = arith.cmpi ne, %rem3A_606, %ne3A_607 : i32
      %and3A_609 = arith.andi %ne3A_605, %ne3A_608 : i1
      %sub3A_610 = arith.constant 1 : i32
      %sub3A_611 = arith.subi %div3A_590, %sub3A_610 : i32
      %select_n3A_612 = arith.select %and3A_609, %sub3A_611, %div3A_590 : i32
      %while3A_613 = arith.constant 0 : i32
      %while3A_614 = arith.constant 0 : i32
      %while3A_615 = arith.subi %select_n3A_612, %while3A_614 : i32
      %while3A_616 = arith.addi %while3A_614, %while3A_615 : i32
      %while3A_617 = arith.constant 1 : i32
      %while3A_618 = arith.divsi %while3A_615, %while3A_617 : i32
      %while3A_619 = arith.muli %while3A_618, %while3A_617 : i32
      %while3A_620 = arith.addi %while3A_614, %while3A_619 : i32
      %while3A_621 = arith.constant 1 : i32
      scf.for %while3A_688 = %while3A_614 to %while3A_620 step %while3A_621  : i32 {
        %dma_wait3A = arith.constant 1 : i32
        %dma_wait3A_689 = arith.constant 0 : i32
        %dma_wait3A_690 = arith.constant 0 : i32
        %dma_wait3A_691 = arith.constant 0 : i32
        %dma_wait3A_692 = tpu.memref_slice %arg8[%dma_wait3A, %dma_wait3A_689, %dma_wait3A_690, %dma_wait3A_691] : memref<2x13x16x16xf32, #tpu.memory_space<vmem>> -> memref<1x1x16x16xf32, #tpu.memory_space<vmem>>
        %dma_wait3A_693 = tpu.memref_squeeze %dma_wait3A_692 : memref<1x1x16x16xf32, #tpu.memory_space<vmem>> -> memref<16x16xf32, #tpu.memory_space<vmem>>
        %dma_wait3A_694 = arith.constant 0 : i32
        %dma_wait3A_695 = arith.constant 0 : i32
        %dma_wait3A_696 = tpu.memref_slice %arg4[%dma_wait3A_694, %dma_wait3A_695] : memref<1015808x16xf32, #tpu.memory_space<hbm>> -> memref<16x16xf32, #tpu.memory_space<hbm>>
        %dma_wait3A_697 = arith.constant 0 : i32
        %dma_wait3A_698 = arith.constant 0 : i32
        %dma_wait3A_699 = tpu.memref_slice %arg8[%dma_wait3A, %dma_wait3A_689, %dma_wait3A_697, %dma_wait3A_698] : memref<2x13x16x16xf32, #tpu.memory_space<vmem>> -> memref<1x1x16x16xf32, #tpu.memory_space<vmem>>
        %dma_wait3A_700 = tpu.memref_squeeze %dma_wait3A_699 : memref<1x1x16x16xf32, #tpu.memory_space<vmem>> -> memref<16x16xf32, #tpu.memory_space<vmem>>
        %dma_wait3A_701 = arith.constant 0 : i32
        %dma_wait3A_702 = arith.constant 0 : i32
        %dma_wait3A_703 = tpu.memref_slice %arg4[%dma_wait3A_701, %dma_wait3A_702] : memref<1015808x16xf32, #tpu.memory_space<hbm>> -> memref<16x16xf32, #tpu.memory_space<hbm>>
        tpu.wait_dma2 semaphore(%arg11 : memref<!tpu.dma_semaphore, #tpu.memory_space<semaphore_mem>>) src(%dma_wait3A_703 : memref<16x16xf32, #tpu.memory_space<hbm>>) dst(%dma_wait3A_700 : memref<16x16xf32, #tpu.memory_space<vmem>>)
      }
      %while3A_622 = arith.constant 1 : i32
      scf.for %while3A_688 = %while3A_620 to %while3A_616 step %while3A_622  : i32 {
        %dma_wait3A = arith.constant 1 : i32
        %dma_wait3A_689 = arith.constant 0 : i32
        %dma_wait3A_690 = arith.constant 0 : i32
        %dma_wait3A_691 = arith.constant 0 : i32
        %dma_wait3A_692 = tpu.memref_slice %arg8[%dma_wait3A, %dma_wait3A_689, %dma_wait3A_690, %dma_wait3A_691] : memref<2x13x16x16xf32, #tpu.memory_space<vmem>> -> memref<1x1x16x16xf32, #tpu.memory_space<vmem>>
        %dma_wait3A_693 = tpu.memref_squeeze %dma_wait3A_692 : memref<1x1x16x16xf32, #tpu.memory_space<vmem>> -> memref<16x16xf32, #tpu.memory_space<vmem>>
        %dma_wait3A_694 = arith.constant 0 : i32
        %dma_wait3A_695 = arith.constant 0 : i32
        %dma_wait3A_696 = tpu.memref_slice %arg4[%dma_wait3A_694, %dma_wait3A_695] : memref<1015808x16xf32, #tpu.memory_space<hbm>> -> memref<16x16xf32, #tpu.memory_space<hbm>>
        %dma_wait3A_697 = arith.constant 0 : i32
        %dma_wait3A_698 = arith.constant 0 : i32
        %dma_wait3A_699 = tpu.memref_slice %arg8[%dma_wait3A, %dma_wait3A_689, %dma_wait3A_697, %dma_wait3A_698] : memref<2x13x16x16xf32, #tpu.memory_space<vmem>> -> memref<1x1x16x16xf32, #tpu.memory_space<vmem>>
        %dma_wait3A_700 = tpu.memref_squeeze %dma_wait3A_699 : memref<1x1x16x16xf32, #tpu.memory_space<vmem>> -> memref<16x16xf32, #tpu.memory_space<vmem>>
        %dma_wait3A_701 = arith.constant 0 : i32
        %dma_wait3A_702 = arith.constant 0 : i32
        %dma_wait3A_703 = tpu.memref_slice %arg4[%dma_wait3A_701, %dma_wait3A_702] : memref<1015808x16xf32, #tpu.memory_space<hbm>> -> memref<16x16xf32, #tpu.memory_space<hbm>>
        tpu.wait_dma2 semaphore(%arg11 : memref<!tpu.dma_semaphore, #tpu.memory_space<semaphore_mem>>) src(%dma_wait3A_703 : memref<16x16xf32, #tpu.memory_space<hbm>>) dst(%dma_wait3A_700 : memref<16x16xf32, #tpu.memory_space<vmem>>)
      }
      %jit3A_623 = arith.constant 16 : i32
      %div3A_624 = arith.divsi %reduce_max3A_357, %jit3A_623 : i32
      %sign3A_625 = arith.constant 0 : i32
      %sign3A_626 = arith.cmpi sgt, %reduce_max3A_357, %sign3A_625 : i32
      %sign3A_627 = arith.extui %sign3A_626 : i1 to i32
      %sign3A_628 = arith.constant 0 : i32
      %sign3A_629 = arith.cmpi slt, %reduce_max3A_357, %sign3A_628 : i32
      %sign3A_630 = arith.extui %sign3A_629 : i1 to i32
      %sign3A_631 = arith.subi %sign3A_627, %sign3A_630 : i32
      %sign3A_632 = arith.constant 0 : i32
      %sign3A_633 = arith.cmpi sgt, %jit3A_623, %sign3A_632 : i32
      %sign3A_634 = arith.extui %sign3A_633 : i1 to i32
      %sign3A_635 = arith.constant 0 : i32
      %sign3A_636 = arith.cmpi slt, %jit3A_623, %sign3A_635 : i32
      %sign3A_637 = arith.extui %sign3A_636 : i1 to i32
      %sign3A_638 = arith.subi %sign3A_634, %sign3A_637 : i32
      %ne3A_639 = arith.cmpi ne, %sign3A_631, %sign3A_638 : i32
      %rem3A_640 = arith.remsi %reduce_max3A_357, %jit3A_623 : i32
      %ne3A_641 = arith.constant 0 : i32
      %ne3A_642 = arith.cmpi ne, %rem3A_640, %ne3A_641 : i32
      %and3A_643 = arith.andi %ne3A_639, %ne3A_642 : i1
      %sub3A_644 = arith.constant 1 : i32
      %sub3A_645 = arith.subi %div3A_624, %sub3A_644 : i32
      %select_n3A_646 = arith.select %and3A_643, %sub3A_645, %div3A_624 : i32
      %min3A_647 = arith.constant 12 : i32
      %min3A_648 = arith.minsi %select_n3A_646, %min3A_647 : i32
      %ge3A_649 = arith.constant 192 : i32
      %ge3A_650 = arith.cmpi sge, %reduce_max3A_357, %ge3A_649 : i32
      %jit3A_651 = arith.constant 8 : i32
      %jit3A_652 = arith.constant 0 : i32
      %select_n3A_653 = arith.select %ge3A_650, %jit3A_651, %jit3A_652 : i32
      %mul3A_654 = arith.constant 16 : i32
      %mul3A_655 = arith.muli %min3A_648, %mul3A_654 : i32
      %sub3A_656 = arith.subi %reduce_max3A_357, %mul3A_655 : i32
      %while3A_657 = arith.constant 0 : i32
      %while3A_658 = arith.subi %min3A_648, %while3A_657 : i32
      %while3A_659 = arith.addi %while3A_657, %while3A_658 : i32
      %while3A_660 = arith.constant 1 : i32
      %while3A_661 = arith.divsi %while3A_658, %while3A_660 : i32
      %while3A_662 = arith.muli %while3A_661, %while3A_660 : i32
      %while3A_663 = arith.addi %while3A_657, %while3A_662 : i32
      %while3A_664 = arith.constant 1 : i32
      %while3A_665 = scf.for %while3A_688 = %while3A_657 to %while3A_663 step %while3A_664 iter_args(%while3A_689 = %broadcast_in_dim3A_3) -> (vector<16xf32>)  : i32 {
        %get3A_690 = arith.constant 1 : i32
        %get3A_691 = arith.constant 0 : i32
        %get3A_692 = arith.index_cast %get3A_690 : i32 to index
        %get3A_693 = arith.index_cast %while3A_688 : i32 to index
        %get3A_694 = arith.index_cast %get3A_691 : i32 to index
        %get3A_695 = arith.constant 0 : index
        %get3A_696 = tpu.vector_load %arg8[%get3A_692, %get3A_693, %get3A_694, %get3A_695] {strides = array<i32>} : memref<2x13x16x16xf32, #tpu.memory_space<vmem>>, vector<16xf32>,
        %add3A_697 = arith.addf %while3A_689, %get3A_696 : vector<16xf32>
        %get3A_698 = arith.constant 1 : i32
        %get3A_699 = arith.constant 1 : i32
        %get3A_700 = arith.index_cast %get3A_698 : i32 to index
        %get3A_701 = arith.index_cast %while3A_688 : i32 to index
        %get3A_702 = arith.index_cast %get3A_699 : i32 to index
        %get3A_703 = arith.constant 0 : index
        %get3A_704 = tpu.vector_load %arg8[%get3A_700, %get3A_701, %get3A_702, %get3A_703] {strides = array<i32>} : memref<2x13x16x16xf32, #tpu.memory_space<vmem>>, vector<16xf32>,
        %add3A_705 = arith.addf %add3A_697, %get3A_704 : vector<16xf32>
        %get3A_706 = arith.constant 1 : i32
        %get3A_707 = arith.constant 2 : i32
        %get3A_708 = arith.index_cast %get3A_706 : i32 to index
        %get3A_709 = arith.index_cast %while3A_688 : i32 to index
        %get3A_710 = arith.index_cast %get3A_707 : i32 to index
        %get3A_711 = arith.constant 0 : index
        %get3A_712 = tpu.vector_load %arg8[%get3A_708, %get3A_709, %get3A_710, %get3A_711] {strides = array<i32>} : memref<2x13x16x16xf32, #tpu.memory_space<vmem>>, vector<16xf32>,
        %add3A_713 = arith.addf %add3A_705, %get3A_712 : vector<16xf32>
        %get3A_714 = arith.constant 1 : i32
        %get3A_715 = arith.constant 3 : i32
        %get3A_716 = arith.index_cast %get3A_714 : i32 to index
        %get3A_717 = arith.index_cast %while3A_688 : i32 to index
        %get3A_718 = arith.index_cast %get3A_715 : i32 to index
        %get3A_719 = arith.constant 0 : index
        %get3A_720 = tpu.vector_load %arg8[%get3A_716, %get3A_717, %get3A_718, %get3A_719] {strides = array<i32>} : memref<2x13x16x16xf32, #tpu.memory_space<vmem>>, vector<16xf32>,
        %add3A_721 = arith.addf %add3A_713, %get3A_720 : vector<16xf32>
        %get3A_722 = arith.constant 1 : i32
        %get3A_723 = arith.constant 4 : i32
        %get3A_724 = arith.index_cast %get3A_722 : i32 to index
        %get3A_725 = arith.index_cast %while3A_688 : i32 to index
        %get3A_726 = arith.index_cast %get3A_723 : i32 to index
        %get3A_727 = arith.constant 0 : index
        %get3A_728 = tpu.vector_load %arg8[%get3A_724, %get3A_725, %get3A_726, %get3A_727] {strides = array<i32>} : memref<2x13x16x16xf32, #tpu.memory_space<vmem>>, vector<16xf32>,
        %add3A_729 = arith.addf %add3A_721, %get3A_728 : vector<16xf32>
        %get3A_730 = arith.constant 1 : i32
        %get3A_731 = arith.constant 5 : i32
        %get3A_732 = arith.index_cast %get3A_730 : i32 to index
        %get3A_733 = arith.index_cast %while3A_688 : i32 to index
        %get3A_734 = arith.index_cast %get3A_731 : i32 to index
        %get3A_735 = arith.constant 0 : index
        %get3A_736 = tpu.vector_load %arg8[%get3A_732, %get3A_733, %get3A_734, %get3A_735] {strides = array<i32>} : memref<2x13x16x16xf32, #tpu.memory_space<vmem>>, vector<16xf32>,
        %add3A_737 = arith.addf %add3A_729, %get3A_736 : vector<16xf32>
        %get3A_738 = arith.constant 1 : i32
        %get3A_739 = arith.constant 6 : i32
        %get3A_740 = arith.index_cast %get3A_738 : i32 to index
        %get3A_741 = arith.index_cast %while3A_688 : i32 to index
        %get3A_742 = arith.index_cast %get3A_739 : i32 to index
        %get3A_743 = arith.constant 0 : index
        %get3A_744 = tpu.vector_load %arg8[%get3A_740, %get3A_741, %get3A_742, %get3A_743] {strides = array<i32>} : memref<2x13x16x16xf32, #tpu.memory_space<vmem>>, vector<16xf32>,
        %add3A_745 = arith.addf %add3A_737, %get3A_744 : vector<16xf32>
        %get3A_746 = arith.constant 1 : i32
        %get3A_747 = arith.constant 7 : i32
        %get3A_748 = arith.index_cast %get3A_746 : i32 to index
        %get3A_749 = arith.index_cast %while3A_688 : i32 to index
        %get3A_750 = arith.index_cast %get3A_747 : i32 to index
        %get3A_751 = arith.constant 0 : index
        %get3A_752 = tpu.vector_load %arg8[%get3A_748, %get3A_749, %get3A_750, %get3A_751] {strides = array<i32>} : memref<2x13x16x16xf32, #tpu.memory_space<vmem>>, vector<16xf32>,
        %add3A_753 = arith.addf %add3A_745, %get3A_752 : vector<16xf32>
        %get3A_754 = arith.constant 1 : i32
        %get3A_755 = arith.constant 8 : i32
        %get3A_756 = arith.index_cast %get3A_754 : i32 to index
        %get3A_757 = arith.index_cast %while3A_688 : i32 to index
        %get3A_758 = arith.index_cast %get3A_755 : i32 to index
        %get3A_759 = arith.constant 0 : index
        %get3A_760 = tpu.vector_load %arg8[%get3A_756, %get3A_757, %get3A_758, %get3A_759] {strides = array<i32>} : memref<2x13x16x16xf32, #tpu.memory_space<vmem>>, vector<16xf32>,
        %add3A_761 = arith.addf %add3A_753, %get3A_760 : vector<16xf32>
        %get3A_762 = arith.constant 1 : i32
        %get3A_763 = arith.constant 9 : i32
        %get3A_764 = arith.index_cast %get3A_762 : i32 to index
        %get3A_765 = arith.index_cast %while3A_688 : i32 to index
        %get3A_766 = arith.index_cast %get3A_763 : i32 to index
        %get3A_767 = arith.constant 0 : index
        %get3A_768 = tpu.vector_load %arg8[%get3A_764, %get3A_765, %get3A_766, %get3A_767] {strides = array<i32>} : memref<2x13x16x16xf32, #tpu.memory_space<vmem>>, vector<16xf32>,
        %add3A_769 = arith.addf %add3A_761, %get3A_768 : vector<16xf32>
        %get3A_770 = arith.constant 1 : i32
        %get3A_771 = arith.constant 10 : i32
        %get3A_772 = arith.index_cast %get3A_770 : i32 to index
        %get3A_773 = arith.index_cast %while3A_688 : i32 to index
        %get3A_774 = arith.index_cast %get3A_771 : i32 to index
        %get3A_775 = arith.constant 0 : index
        %get3A_776 = tpu.vector_load %arg8[%get3A_772, %get3A_773, %get3A_774, %get3A_775] {strides = array<i32>} : memref<2x13x16x16xf32, #tpu.memory_space<vmem>>, vector<16xf32>,
        %add3A_777 = arith.addf %add3A_769, %get3A_776 : vector<16xf32>
        %get3A_778 = arith.constant 1 : i32
        %get3A_779 = arith.constant 11 : i32
        %get3A_780 = arith.index_cast %get3A_778 : i32 to index
        %get3A_781 = arith.index_cast %while3A_688 : i32 to index
        %get3A_782 = arith.index_cast %get3A_779 : i32 to index
        %get3A_783 = arith.constant 0 : index
        %get3A_784 = tpu.vector_load %arg8[%get3A_780, %get3A_781, %get3A_782, %get3A_783] {strides = array<i32>} : memref<2x13x16x16xf32, #tpu.memory_space<vmem>>, vector<16xf32>,
        %add3A_785 = arith.addf %add3A_777, %get3A_784 : vector<16xf32>
        %get3A_786 = arith.constant 1 : i32
        %get3A_787 = arith.constant 12 : i32
        %get3A_788 = arith.index_cast %get3A_786 : i32 to index
        %get3A_789 = arith.index_cast %while3A_688 : i32 to index
        %get3A_790 = arith.index_cast %get3A_787 : i32 to index
        %get3A_791 = arith.constant 0 : index
        %get3A_792 = tpu.vector_load %arg8[%get3A_788, %get3A_789, %get3A_790, %get3A_791] {strides = array<i32>} : memref<2x13x16x16xf32, #tpu.memory_space<vmem>>, vector<16xf32>,
        %add3A_793 = arith.addf %add3A_785, %get3A_792 : vector<16xf32>
        %get3A_794 = arith.constant 1 : i32
        %get3A_795 = arith.constant 13 : i32
        %get3A_796 = arith.index_cast %get3A_794 : i32 to index
        %get3A_797 = arith.index_cast %while3A_688 : i32 to index
        %get3A_798 = arith.index_cast %get3A_795 : i32 to index
        %get3A_799 = arith.constant 0 : index
        %get3A_800 = tpu.vector_load %arg8[%get3A_796, %get3A_797, %get3A_798, %get3A_799] {strides = array<i32>} : memref<2x13x16x16xf32, #tpu.memory_space<vmem>>, vector<16xf32>,
        %add3A_801 = arith.addf %add3A_793, %get3A_800 : vector<16xf32>
        %get3A_802 = arith.constant 1 : i32
        %get3A_803 = arith.constant 14 : i32
        %get3A_804 = arith.index_cast %get3A_802 : i32 to index
        %get3A_805 = arith.index_cast %while3A_688 : i32 to index
        %get3A_806 = arith.index_cast %get3A_803 : i32 to index
        %get3A_807 = arith.constant 0 : index
        %get3A_808 = tpu.vector_load %arg8[%get3A_804, %get3A_805, %get3A_806, %get3A_807] {strides = array<i32>} : memref<2x13x16x16xf32, #tpu.memory_space<vmem>>, vector<16xf32>,
        %add3A_809 = arith.addf %add3A_801, %get3A_808 : vector<16xf32>
        %get3A_810 = arith.constant 1 : i32
        %get3A_811 = arith.constant 15 : i32
        %get3A_812 = arith.index_cast %get3A_810 : i32 to index
        %get3A_813 = arith.index_cast %while3A_688 : i32 to index
        %get3A_814 = arith.index_cast %get3A_811 : i32 to index
        %get3A_815 = arith.constant 0 : index
        %get3A_816 = tpu.vector_load %arg8[%get3A_812, %get3A_813, %get3A_814, %get3A_815] {strides = array<i32>} : memref<2x13x16x16xf32, #tpu.memory_space<vmem>>, vector<16xf32>,
        %add3A_817 = arith.addf %add3A_809, %get3A_816 : vector<16xf32>
        scf.yield %add3A_817 : vector<16xf32>
      }
      %while3A_666 = arith.constant 1 : i32
      %while3A_667 = scf.for %while3A_688 = %while3A_663 to %while3A_659 step %while3A_666 iter_args(%while3A_689 = %while3A_665) -> (vector<16xf32>)  : i32 {
        %get3A_690 = arith.constant 1 : i32
        %get3A_691 = arith.constant 0 : i32
        %get3A_692 = arith.index_cast %get3A_690 : i32 to index
        %get3A_693 = arith.index_cast %while3A_688 : i32 to index
        %get3A_694 = arith.index_cast %get3A_691 : i32 to index
        %get3A_695 = arith.constant 0 : index
        %get3A_696 = tpu.vector_load %arg8[%get3A_692, %get3A_693, %get3A_694, %get3A_695] {strides = array<i32>} : memref<2x13x16x16xf32, #tpu.memory_space<vmem>>, vector<16xf32>,
        %add3A_697 = arith.addf %while3A_689, %get3A_696 : vector<16xf32>
        %get3A_698 = arith.constant 1 : i32
        %get3A_699 = arith.constant 1 : i32
        %get3A_700 = arith.index_cast %get3A_698 : i32 to index
        %get3A_701 = arith.index_cast %while3A_688 : i32 to index
        %get3A_702 = arith.index_cast %get3A_699 : i32 to index
        %get3A_703 = arith.constant 0 : index
        %get3A_704 = tpu.vector_load %arg8[%get3A_700, %get3A_701, %get3A_702, %get3A_703] {strides = array<i32>} : memref<2x13x16x16xf32, #tpu.memory_space<vmem>>, vector<16xf32>,
        %add3A_705 = arith.addf %add3A_697, %get3A_704 : vector<16xf32>
        %get3A_706 = arith.constant 1 : i32
        %get3A_707 = arith.constant 2 : i32
        %get3A_708 = arith.index_cast %get3A_706 : i32 to index
        %get3A_709 = arith.index_cast %while3A_688 : i32 to index
        %get3A_710 = arith.index_cast %get3A_707 : i32 to index
        %get3A_711 = arith.constant 0 : index
        %get3A_712 = tpu.vector_load %arg8[%get3A_708, %get3A_709, %get3A_710, %get3A_711] {strides = array<i32>} : memref<2x13x16x16xf32, #tpu.memory_space<vmem>>, vector<16xf32>,
        %add3A_713 = arith.addf %add3A_705, %get3A_712 : vector<16xf32>
        %get3A_714 = arith.constant 1 : i32
        %get3A_715 = arith.constant 3 : i32
        %get3A_716 = arith.index_cast %get3A_714 : i32 to index
        %get3A_717 = arith.index_cast %while3A_688 : i32 to index
        %get3A_718 = arith.index_cast %get3A_715 : i32 to index
        %get3A_719 = arith.constant 0 : index
        %get3A_720 = tpu.vector_load %arg8[%get3A_716, %get3A_717, %get3A_718, %get3A_719] {strides = array<i32>} : memref<2x13x16x16xf32, #tpu.memory_space<vmem>>, vector<16xf32>,
        %add3A_721 = arith.addf %add3A_713, %get3A_720 : vector<16xf32>
        %get3A_722 = arith.constant 1 : i32
        %get3A_723 = arith.constant 4 : i32
        %get3A_724 = arith.index_cast %get3A_722 : i32 to index
        %get3A_725 = arith.index_cast %while3A_688 : i32 to index
        %get3A_726 = arith.index_cast %get3A_723 : i32 to index
        %get3A_727 = arith.constant 0 : index
        %get3A_728 = tpu.vector_load %arg8[%get3A_724, %get3A_725, %get3A_726, %get3A_727] {strides = array<i32>} : memref<2x13x16x16xf32, #tpu.memory_space<vmem>>, vector<16xf32>,
        %add3A_729 = arith.addf %add3A_721, %get3A_728 : vector<16xf32>
        %get3A_730 = arith.constant 1 : i32
        %get3A_731 = arith.constant 5 : i32
        %get3A_732 = arith.index_cast %get3A_730 : i32 to index
        %get3A_733 = arith.index_cast %while3A_688 : i32 to index
        %get3A_734 = arith.index_cast %get3A_731 : i32 to index
        %get3A_735 = arith.constant 0 : index
        %get3A_736 = tpu.vector_load %arg8[%get3A_732, %get3A_733, %get3A_734, %get3A_735] {strides = array<i32>} : memref<2x13x16x16xf32, #tpu.memory_space<vmem>>, vector<16xf32>,
        %add3A_737 = arith.addf %add3A_729, %get3A_736 : vector<16xf32>
        %get3A_738 = arith.constant 1 : i32
        %get3A_739 = arith.constant 6 : i32
        %get3A_740 = arith.index_cast %get3A_738 : i32 to index
        %get3A_741 = arith.index_cast %while3A_688 : i32 to index
        %get3A_742 = arith.index_cast %get3A_739 : i32 to index
        %get3A_743 = arith.constant 0 : index
        %get3A_744 = tpu.vector_load %arg8[%get3A_740, %get3A_741, %get3A_742, %get3A_743] {strides = array<i32>} : memref<2x13x16x16xf32, #tpu.memory_space<vmem>>, vector<16xf32>,
        %add3A_745 = arith.addf %add3A_737, %get3A_744 : vector<16xf32>
        %get3A_746 = arith.constant 1 : i32
        %get3A_747 = arith.constant 7 : i32
        %get3A_748 = arith.index_cast %get3A_746 : i32 to index
        %get3A_749 = arith.index_cast %while3A_688 : i32 to index
        %get3A_750 = arith.index_cast %get3A_747 : i32 to index
        %get3A_751 = arith.constant 0 : index
        %get3A_752 = tpu.vector_load %arg8[%get3A_748, %get3A_749, %get3A_750, %get3A_751] {strides = array<i32>} : memref<2x13x16x16xf32, #tpu.memory_space<vmem>>, vector<16xf32>,
        %add3A_753 = arith.addf %add3A_745, %get3A_752 : vector<16xf32>
        %get3A_754 = arith.constant 1 : i32
        %get3A_755 = arith.constant 8 : i32
        %get3A_756 = arith.index_cast %get3A_754 : i32 to index
        %get3A_757 = arith.index_cast %while3A_688 : i32 to index
        %get3A_758 = arith.index_cast %get3A_755 : i32 to index
        %get3A_759 = arith.constant 0 : index
        %get3A_760 = tpu.vector_load %arg8[%get3A_756, %get3A_757, %get3A_758, %get3A_759] {strides = array<i32>} : memref<2x13x16x16xf32, #tpu.memory_space<vmem>>, vector<16xf32>,
        %add3A_761 = arith.addf %add3A_753, %get3A_760 : vector<16xf32>
        %get3A_762 = arith.constant 1 : i32
        %get3A_763 = arith.constant 9 : i32
        %get3A_764 = arith.index_cast %get3A_762 : i32 to index
        %get3A_765 = arith.index_cast %while3A_688 : i32 to index
        %get3A_766 = arith.index_cast %get3A_763 : i32 to index
        %get3A_767 = arith.constant 0 : index
        %get3A_768 = tpu.vector_load %arg8[%get3A_764, %get3A_765, %get3A_766, %get3A_767] {strides = array<i32>} : memref<2x13x16x16xf32, #tpu.memory_space<vmem>>, vector<16xf32>,
        %add3A_769 = arith.addf %add3A_761, %get3A_768 : vector<16xf32>
        %get3A_770 = arith.constant 1 : i32
        %get3A_771 = arith.constant 10 : i32
        %get3A_772 = arith.index_cast %get3A_770 : i32 to index
        %get3A_773 = arith.index_cast %while3A_688 : i32 to index
        %get3A_774 = arith.index_cast %get3A_771 : i32 to index
        %get3A_775 = arith.constant 0 : index
        %get3A_776 = tpu.vector_load %arg8[%get3A_772, %get3A_773, %get3A_774, %get3A_775] {strides = array<i32>} : memref<2x13x16x16xf32, #tpu.memory_space<vmem>>, vector<16xf32>,
        %add3A_777 = arith.addf %add3A_769, %get3A_776 : vector<16xf32>
        %get3A_778 = arith.constant 1 : i32
        %get3A_779 = arith.constant 11 : i32
        %get3A_780 = arith.index_cast %get3A_778 : i32 to index
        %get3A_781 = arith.index_cast %while3A_688 : i32 to index
        %get3A_782 = arith.index_cast %get3A_779 : i32 to index
        %get3A_783 = arith.constant 0 : index
        %get3A_784 = tpu.vector_load %arg8[%get3A_780, %get3A_781, %get3A_782, %get3A_783] {strides = array<i32>} : memref<2x13x16x16xf32, #tpu.memory_space<vmem>>, vector<16xf32>,
        %add3A_785 = arith.addf %add3A_777, %get3A_784 : vector<16xf32>
        %get3A_786 = arith.constant 1 : i32
        %get3A_787 = arith.constant 12 : i32
        %get3A_788 = arith.index_cast %get3A_786 : i32 to index
        %get3A_789 = arith.index_cast %while3A_688 : i32 to index
        %get3A_790 = arith.index_cast %get3A_787 : i32 to index
        %get3A_791 = arith.constant 0 : index
        %get3A_792 = tpu.vector_load %arg8[%get3A_788, %get3A_789, %get3A_790, %get3A_791] {strides = array<i32>} : memref<2x13x16x16xf32, #tpu.memory_space<vmem>>, vector<16xf32>,
        %add3A_793 = arith.addf %add3A_785, %get3A_792 : vector<16xf32>
        %get3A_794 = arith.constant 1 : i32
        %get3A_795 = arith.constant 13 : i32
        %get3A_796 = arith.index_cast %get3A_794 : i32 to index
        %get3A_797 = arith.index_cast %while3A_688 : i32 to index
        %get3A_798 = arith.index_cast %get3A_795 : i32 to index
        %get3A_799 = arith.constant 0 : index
        %get3A_800 = tpu.vector_load %arg8[%get3A_796, %get3A_797, %get3A_798, %get3A_799] {strides = array<i32>} : memref<2x13x16x16xf32, #tpu.memory_space<vmem>>, vector<16xf32>,
        %add3A_801 = arith.addf %add3A_793, %get3A_800 : vector<16xf32>
        %get3A_802 = arith.constant 1 : i32
        %get3A_803 = arith.constant 14 : i32
        %get3A_804 = arith.index_cast %get3A_802 : i32 to index
        %get3A_805 = arith.index_cast %while3A_688 : i32 to index
        %get3A_806 = arith.index_cast %get3A_803 : i32 to index
        %get3A_807 = arith.constant 0 : index
        %get3A_808 = tpu.vector_load %arg8[%get3A_804, %get3A_805, %get3A_806, %get3A_807] {strides = array<i32>} : memref<2x13x16x16xf32, #tpu.memory_space<vmem>>, vector<16xf32>,
        %add3A_809 = arith.addf %add3A_801, %get3A_808 : vector<16xf32>
        %get3A_810 = arith.constant 1 : i32
        %get3A_811 = arith.constant 15 : i32
        %get3A_812 = arith.index_cast %get3A_810 : i32 to index
        %get3A_813 = arith.index_cast %while3A_688 : i32 to index
        %get3A_814 = arith.index_cast %get3A_811 : i32 to index
        %get3A_815 = arith.constant 0 : index
        %get3A_816 = tpu.vector_load %arg8[%get3A_812, %get3A_813, %get3A_814, %get3A_815] {strides = array<i32>} : memref<2x13x16x16xf32, #tpu.memory_space<vmem>>, vector<16xf32>,
        %add3A_817 = arith.addf %add3A_809, %get3A_816 : vector<16xf32>
        scf.yield %add3A_817 : vector<16xf32>
      }
      %while3A_668 = arith.constant 0 : i32
      %while3A_669 = arith.subi %sub3A_656, %while3A_668 : i32
      %while3A_670 = arith.addi %while3A_668, %while3A_669 : i32
      %while3A_671 = arith.constant 1 : i32
      %while3A_672 = arith.divsi %while3A_669, %while3A_671 : i32
      %while3A_673 = arith.muli %while3A_672, %while3A_671 : i32
      %while3A_674 = arith.addi %while3A_668, %while3A_673 : i32
      %while3A_675 = arith.constant 1 : i32
      %while3A_676 = scf.for %while3A_688 = %while3A_668 to %while3A_674 step %while3A_675 iter_args(%while3A_689 = %while3A_667) -> (vector<16xf32>)  : i32 {
        %add3A_690 = arith.addi %select_n3A_653, %while3A_688 : i32
        %get3A_691 = arith.constant 1 : i32
        %get3A_692 = arith.index_cast %get3A_691 : i32 to index
        %get3A_693 = arith.index_cast %min3A_648 : i32 to index
        %get3A_694 = arith.index_cast %add3A_690 : i32 to index
        %get3A_695 = arith.constant 0 : index
        %get3A_696 = tpu.vector_load %arg8[%get3A_692, %get3A_693, %get3A_694, %get3A_695] {strides = array<i32>} : memref<2x13x16x16xf32, #tpu.memory_space<vmem>>, vector<16xf32>,
        %add3A_697 = arith.addf %while3A_689, %get3A_696 : vector<16xf32>
        scf.yield %add3A_697 : vector<16xf32>
      }
      %while3A_677 = arith.constant 1 : i32
      %while3A_678 = scf.for %while3A_688 = %while3A_674 to %while3A_670 step %while3A_677 iter_args(%while3A_689 = %while3A_676) -> (vector<16xf32>)  : i32 {
        %add3A_690 = arith.addi %select_n3A_653, %while3A_688 : i32
        %get3A_691 = arith.constant 1 : i32
        %get3A_692 = arith.index_cast %get3A_691 : i32 to index
        %get3A_693 = arith.index_cast %min3A_648 : i32 to index
        %get3A_694 = arith.index_cast %add3A_690 : i32 to index
        %get3A_695 = arith.constant 0 : index
        %get3A_696 = tpu.vector_load %arg8[%get3A_692, %get3A_693, %get3A_694, %get3A_695] {strides = array<i32>} : memref<2x13x16x16xf32, #tpu.memory_space<vmem>>, vector<16xf32>,
        %add3A_697 = arith.addf %while3A_689, %get3A_696 : vector<16xf32>
        scf.yield %add3A_697 : vector<16xf32>
      }
      %broadcast_in_dim3A_679 = vector.broadcast %reduce_max3A_357 : i32 to vector<16xi32>
      %max3A_680 = arith.constant 1 : i32
      %max3A_681 = vector.broadcast %max3A_680 : i32 to vector<16xi32>
      %max3A_682 = arith.maxsi %broadcast_in_dim3A_679, %max3A_681 : vector<16xi32>
      %convert_element_type3A_683 = arith.sitofp %max3A_682 : vector<16xi32> to vector<16xf32>
      %div3A_684 = arith.divf %while3A_678, %convert_element_type3A_683 : vector<16xf32>
      %swap3A_685 = arith.index_cast %add3A_584 : i32 to index
      %swap3A_686 = arith.constant 0 : index
      %swap3A_687 = tpu.vector_load %arg9[%swap3A_685, %swap3A_686] {strides = array<i32>} : memref<128x16xf32, #tpu.memory_space<vmem>>, vector<16xf32>,
      tpu.vector_store %arg9[%swap3A_685, %swap3A_686], %div3A_684 {strides = array<i32>} : memref<128x16xf32, #tpu.memory_space<vmem>>, vector<16xf32>,
      scf.yield %reduce_max3A_544 : i32
    }
    %scan3A_50 = arith.constant 63 : i32
    %get3A_51 = arith.constant 112 : index
    %get3A_52 = tpu.vector_load %arg7[%get3A_51] {strides = array<i32>} : memref<128xi32, #tpu.memory_space<vmem>>, vector<16xi32>,
    %eq3A_53 = arith.constant 15 : i32
    %eq3A_54 = vector.broadcast %eq3A_53 : i32 to vector<16xi32>
    %eq3A_55 = arith.cmpi eq, %iota3A, %eq3A_54 : vector<16xi32>
    %jit3A_56 = arith.constant 0 : i32
    %broadcast_in_dim3A_57 = vector.broadcast %jit3A_56 : i32 to vector<16xi32>
    %select_n3A_58 = arith.select %eq3A_55, %get3A_52, %broadcast_in_dim3A_57 : vector<16xi1>, vector<16xi32>
    %reduce_max3A_59 = arith.constant true
    %reduce_max3A_60 = vector.broadcast %reduce_max3A_59 : i1 to vector<16xi1>
    %reduce_max3A_61 = arith.constant -2147483648 : i32
    %reduce_max3A_62 = vector.broadcast %reduce_max3A_61 : i32 to vector<16xi32>
    %reduce_max3A_63 = arith.xori %select_n3A_58, %reduce_max3A_62 : vector<16xi32>
    %reduce_max3A_64 = tpu.scan <max>, %reduce_max3A_63 masked %reduce_max3A_60 : vector<16xi32>, vector<16xi1> -> vector<16xi32>
    %reduce_max3A_65 = arith.xori %reduce_max3A_64, %reduce_max3A_62 : vector<16xi32>
    %reduce_max3A_66 = vector.extract %reduce_max3A_65[15] : i32 from vector<16xi32>
    %add3A_67 = arith.constant 16 : i32
    %add3A_68 = arith.addi %reduce_max3A_66, %add3A_67 : i32
    %sub3A_69 = arith.constant 1 : i32
    %sub3A_70 = arith.subi %add3A_68, %sub3A_69 : i32
    %jit3A_71 = arith.constant 16 : i32
    %div3A_72 = arith.divsi %sub3A_70, %jit3A_71 : i32
    %sign3A_73 = arith.constant 0 : i32
    %sign3A_74 = arith.cmpi sgt, %sub3A_70, %sign3A_73 : i32
    %sign3A_75 = arith.extui %sign3A_74 : i1 to i32
    %sign3A_76 = arith.constant 0 : i32
    %sign3A_77 = arith.cmpi slt, %sub3A_70, %sign3A_76 : i32
    %sign3A_78 = arith.extui %sign3A_77 : i1 to i32
    %sign3A_79 = arith.subi %sign3A_75, %sign3A_78 : i32
    %sign3A_80 = arith.constant 0 : i32
    %sign3A_81 = arith.cmpi sgt, %jit3A_71, %sign3A_80 : i32
    %sign3A_82 = arith.extui %sign3A_81 : i1 to i32
    %sign3A_83 = arith.constant 0 : i32
    %sign3A_84 = arith.cmpi slt, %jit3A_71, %sign3A_83 : i32
    %sign3A_85 = arith.extui %sign3A_84 : i1 to i32
    %sign3A_86 = arith.subi %sign3A_82, %sign3A_85 : i32
    %ne3A_87 = arith.cmpi ne, %sign3A_79, %sign3A_86 : i32
    %rem3A_88 = arith.remsi %sub3A_70, %jit3A_71 : i32
    %ne3A_89 = arith.constant 0 : i32
    %ne3A_90 = arith.cmpi ne, %rem3A_88, %ne3A_89 : i32
    %and3A_91 = arith.andi %ne3A_87, %ne3A_90 : i1
    %sub3A_92 = arith.constant 1 : i32
    %sub3A_93 = arith.subi %div3A_72, %sub3A_92 : i32
    %select_n3A_94 = arith.select %and3A_91, %sub3A_93, %div3A_72 : i32
    %while3A_95 = arith.constant 0 : i32
    %while3A_96 = arith.constant 0 : i32
    %while3A_97 = arith.subi %select_n3A_94, %while3A_96 : i32
    %while3A_98 = arith.addi %while3A_96, %while3A_97 : i32
    %while3A_99 = arith.constant 1 : i32
    %while3A_100 = arith.divsi %while3A_97, %while3A_99 : i32
    %while3A_101 = arith.muli %while3A_100, %while3A_99 : i32
    %while3A_102 = arith.addi %while3A_96, %while3A_101 : i32
    %while3A_103 = arith.constant 1 : i32
    scf.for %while3A_308 = %while3A_96 to %while3A_102 step %while3A_103  : i32 {
      %mul3A_309 = arith.constant 16 : i32
      %mul3A_310 = arith.muli %while3A_308, %mul3A_309 : i32
      %min3A_311 = arith.constant 184 : i32
      %min3A_312 = arith.minsi %mul3A_310, %min3A_311 : i32
      %get3A_313 = arith.constant 127 : i32
      %get3A_314 = arith.index_cast %get3A_313 : i32 to index
      %get3A_315 = arith.index_cast %min3A_312 : i32 to index
      %get3A_316 = tpu.vector_load %arg6[%get3A_314, %get3A_315] {strides = array<i32>} : memref<128x200xi32, #tpu.memory_space<vmem>>, vector<16xi32>,
      %shift_right_arithmetic3A = arith.constant 15 : i32
      %shift_right_arithmetic3A_317 = vector.broadcast %shift_right_arithmetic3A : i32 to vector<16xi32>
      %shift_right_arithmetic3A_318 = arith.shrsi %get3A_316, %shift_right_arithmetic3A_317 : vector<16xi32>
      %shift_left3A = arith.constant 15 : i32
      %shift_left3A_319 = vector.broadcast %shift_left3A : i32 to vector<16xi32>
      %shift_left3A_320 = arith.shli %shift_right_arithmetic3A_318, %shift_left3A_319 : vector<16xi32>
      %and3A_321 = arith.constant 4095 : i32
      %and3A_322 = vector.broadcast %and3A_321 : i32 to vector<16xi32>
      %and3A_323 = arith.andi %get3A_316, %and3A_322 : vector<16xi32>
      %shift_left3A_324 = arith.constant 3 : i32
      %shift_left3A_325 = vector.broadcast %shift_left3A_324 : i32 to vector<16xi32>
      %shift_left3A_326 = arith.shli %and3A_323, %shift_left3A_325 : vector<16xi32>
      %or3A = arith.ori %shift_left3A_320, %shift_left3A_326 : vector<16xi32>
      %and3A_327 = arith.constant 32767 : i32
      %and3A_328 = vector.broadcast %and3A_327 : i32 to vector<16xi32>
      %and3A_329 = arith.andi %get3A_316, %and3A_328 : vector<16xi32>
      %shift_right_arithmetic3A_330 = arith.constant 12 : i32
      %shift_right_arithmetic3A_331 = vector.broadcast %shift_right_arithmetic3A_330 : i32 to vector<16xi32>
      %shift_right_arithmetic3A_332 = arith.shrsi %and3A_329, %shift_right_arithmetic3A_331 : vector<16xi32>
      %or3A_333 = arith.ori %or3A, %shift_right_arithmetic3A_332 : vector<16xi32>
      %dma_start3A = arith.constant 1 : i32
      %dma_start3A_334 = arith.constant 0 : i32
      %dma_start3A_335 = arith.constant 0 : i32
      %dma_start3A_336 = tpu.memref_slice %arg8[%dma_start3A, %while3A_308, %dma_start3A_334, %dma_start3A_335] : memref<2x13x16x16xf32, #tpu.memory_space<vmem>> -> memref<1x1x16x16xf32, #tpu.memory_space<vmem>>
      %dma_start3A_337 = tpu.memref_squeeze %dma_start3A_336 : memref<1x1x16x16xf32, #tpu.memory_space<vmem>> -> memref<16x16xf32, #tpu.memory_space<vmem>>
      %dma_start3A_338 = arith.constant 0 : i32
      %dma_start3A_339 = arith.constant 0 : i32
      %dma_start3A_340 = tpu.memref_slice %arg4[%dma_start3A_338, %dma_start3A_339] : memref<1015808x16xf32, #tpu.memory_space<hbm>> -> memref<1015808x16xf32, #tpu.memory_space<hbm>>
      tpu.enqueue_indirect_dma source(%dma_start3A_340 : memref<1015808x16xf32, #tpu.memory_space<hbm>>) target(%dma_start3A_337 : memref<16x16xf32, #tpu.memory_space<vmem>>) offsets(%or3A_333 : vector<16xi32>) semaphore(%arg11 : memref<!tpu.dma_semaphore, #tpu.memory_space<semaphore_mem>>)
    }
    %while3A_104 = arith.constant 1 : i32
    scf.for %while3A_308 = %while3A_102 to %while3A_98 step %while3A_104  : i32 {
      %mul3A_309 = arith.constant 16 : i32
      %mul3A_310 = arith.muli %while3A_308, %mul3A_309 : i32
      %min3A_311 = arith.constant 184 : i32
      %min3A_312 = arith.minsi %mul3A_310, %min3A_311 : i32
      %get3A_313 = arith.constant 127 : i32
      %get3A_314 = arith.index_cast %get3A_313 : i32 to index
      %get3A_315 = arith.index_cast %min3A_312 : i32 to index
      %get3A_316 = tpu.vector_load %arg6[%get3A_314, %get3A_315] {strides = array<i32>} : memref<128x200xi32, #tpu.memory_space<vmem>>, vector<16xi32>,
      %shift_right_arithmetic3A = arith.constant 15 : i32
      %shift_right_arithmetic3A_317 = vector.broadcast %shift_right_arithmetic3A : i32 to vector<16xi32>
      %shift_right_arithmetic3A_318 = arith.shrsi %get3A_316, %shift_right_arithmetic3A_317 : vector<16xi32>
      %shift_left3A = arith.constant 15 : i32
      %shift_left3A_319 = vector.broadcast %shift_left3A : i32 to vector<16xi32>
      %shift_left3A_320 = arith.shli %shift_right_arithmetic3A_318, %shift_left3A_319 : vector<16xi32>
      %and3A_321 = arith.constant 4095 : i32
      %and3A_322 = vector.broadcast %and3A_321 : i32 to vector<16xi32>
      %and3A_323 = arith.andi %get3A_316, %and3A_322 : vector<16xi32>
      %shift_left3A_324 = arith.constant 3 : i32
      %shift_left3A_325 = vector.broadcast %shift_left3A_324 : i32 to vector<16xi32>
      %shift_left3A_326 = arith.shli %and3A_323, %shift_left3A_325 : vector<16xi32>
      %or3A = arith.ori %shift_left3A_320, %shift_left3A_326 : vector<16xi32>
      %and3A_327 = arith.constant 32767 : i32
      %and3A_328 = vector.broadcast %and3A_327 : i32 to vector<16xi32>
      %and3A_329 = arith.andi %get3A_316, %and3A_328 : vector<16xi32>
      %shift_right_arithmetic3A_330 = arith.constant 12 : i32
      %shift_right_arithmetic3A_331 = vector.broadcast %shift_right_arithmetic3A_330 : i32 to vector<16xi32>
      %shift_right_arithmetic3A_332 = arith.shrsi %and3A_329, %shift_right_arithmetic3A_331 : vector<16xi32>
      %or3A_333 = arith.ori %or3A, %shift_right_arithmetic3A_332 : vector<16xi32>
      %dma_start3A = arith.constant 1 : i32
      %dma_start3A_334 = arith.constant 0 : i32
      %dma_start3A_335 = arith.constant 0 : i32
      %dma_start3A_336 = tpu.memref_slice %arg8[%dma_start3A, %while3A_308, %dma_start3A_334, %dma_start3A_335] : memref<2x13x16x16xf32, #tpu.memory_space<vmem>> -> memref<1x1x16x16xf32, #tpu.memory_space<vmem>>
      %dma_start3A_337 = tpu.memref_squeeze %dma_start3A_336 : memref<1x1x16x16xf32, #tpu.memory_space<vmem>> -> memref<16x16xf32, #tpu.memory_space<vmem>>
      %dma_start3A_338 = arith.constant 0 : i32
      %dma_start3A_339 = arith.constant 0 : i32
      %dma_start3A_340 = tpu.memref_slice %arg4[%dma_start3A_338, %dma_start3A_339] : memref<1015808x16xf32, #tpu.memory_space<hbm>> -> memref<1015808x16xf32, #tpu.memory_space<hbm>>
      tpu.enqueue_indirect_dma source(%dma_start3A_340 : memref<1015808x16xf32, #tpu.memory_space<hbm>>) target(%dma_start3A_337 : memref<16x16xf32, #tpu.memory_space<vmem>>) offsets(%or3A_333 : vector<16xi32>) semaphore(%arg11 : memref<!tpu.dma_semaphore, #tpu.memory_space<semaphore_mem>>)
    }
    %add3A_105 = arith.constant 16 : i32
    %add3A_106 = arith.addi %scan3A_49, %add3A_105 : i32
    %sub3A_107 = arith.constant 1 : i32
    %sub3A_108 = arith.subi %add3A_106, %sub3A_107 : i32
    %jit3A_109 = arith.constant 16 : i32
    %div3A_110 = arith.divsi %sub3A_108, %jit3A_109 : i32
    %sign3A_111 = arith.constant 0 : i32
    %sign3A_112 = arith.cmpi sgt, %sub3A_108, %sign3A_111 : i32
    %sign3A_113 = arith.extui %sign3A_112 : i1 to i32
    %sign3A_114 = arith.constant 0 : i32
    %sign3A_115 = arith.cmpi slt, %sub3A_108, %sign3A_114 : i32
    %sign3A_116 = arith.extui %sign3A_115 : i1 to i32
    %sign3A_117 = arith.subi %sign3A_113, %sign3A_116 : i32
    %sign3A_118 = arith.constant 0 : i32
    %sign3A_119 = arith.cmpi sgt, %jit3A_109, %sign3A_118 : i32
    %sign3A_120 = arith.extui %sign3A_119 : i1 to i32
    %sign3A_121 = arith.constant 0 : i32
    %sign3A_122 = arith.cmpi slt, %jit3A_109, %sign3A_121 : i32
    %sign3A_123 = arith.extui %sign3A_122 : i1 to i32
    %sign3A_124 = arith.subi %sign3A_120, %sign3A_123 : i32
    %ne3A_125 = arith.cmpi ne, %sign3A_117, %sign3A_124 : i32
    %rem3A_126 = arith.remsi %sub3A_108, %jit3A_109 : i32
    %ne3A_127 = arith.constant 0 : i32
    %ne3A_128 = arith.cmpi ne, %rem3A_126, %ne3A_127 : i32
    %and3A_129 = arith.andi %ne3A_125, %ne3A_128 : i1
    %sub3A_130 = arith.constant 1 : i32
    %sub3A_131 = arith.subi %div3A_110, %sub3A_130 : i32
    %select_n3A_132 = arith.select %and3A_129, %sub3A_131, %div3A_110 : i32
    %while3A_133 = arith.constant 0 : i32
    %while3A_134 = arith.constant 0 : i32
    %while3A_135 = arith.subi %select_n3A_132, %while3A_134 : i32
    %while3A_136 = arith.addi %while3A_134, %while3A_135 : i32
    %while3A_137 = arith.constant 1 : i32
    %while3A_138 = arith.divsi %while3A_135, %while3A_137 : i32
    %while3A_139 = arith.muli %while3A_138, %while3A_137 : i32
    %while3A_140 = arith.addi %while3A_134, %while3A_139 : i32
    %while3A_141 = arith.constant 1 : i32
    scf.for %while3A_308 = %while3A_134 to %while3A_140 step %while3A_141  : i32 {
      %dma_wait3A = arith.constant 0 : i32
      %dma_wait3A_309 = arith.constant 0 : i32
      %dma_wait3A_310 = arith.constant 0 : i32
      %dma_wait3A_311 = arith.constant 0 : i32
      %dma_wait3A_312 = tpu.memref_slice %arg8[%dma_wait3A, %dma_wait3A_309, %dma_wait3A_310, %dma_wait3A_311] : memref<2x13x16x16xf32, #tpu.memory_space<vmem>> -> memref<1x1x16x16xf32, #tpu.memory_space<vmem>>
      %dma_wait3A_313 = tpu.memref_squeeze %dma_wait3A_312 : memref<1x1x16x16xf32, #tpu.memory_space<vmem>> -> memref<16x16xf32, #tpu.memory_space<vmem>>
      %dma_wait3A_314 = arith.constant 0 : i32
      %dma_wait3A_315 = arith.constant 0 : i32
      %dma_wait3A_316 = tpu.memref_slice %arg4[%dma_wait3A_314, %dma_wait3A_315] : memref<1015808x16xf32, #tpu.memory_space<hbm>> -> memref<16x16xf32, #tpu.memory_space<hbm>>
      %dma_wait3A_317 = arith.constant 0 : i32
      %dma_wait3A_318 = arith.constant 0 : i32
      %dma_wait3A_319 = tpu.memref_slice %arg8[%dma_wait3A, %dma_wait3A_309, %dma_wait3A_317, %dma_wait3A_318] : memref<2x13x16x16xf32, #tpu.memory_space<vmem>> -> memref<1x1x16x16xf32, #tpu.memory_space<vmem>>
      %dma_wait3A_320 = tpu.memref_squeeze %dma_wait3A_319 : memref<1x1x16x16xf32, #tpu.memory_space<vmem>> -> memref<16x16xf32, #tpu.memory_space<vmem>>
      %dma_wait3A_321 = arith.constant 0 : i32
      %dma_wait3A_322 = arith.constant 0 : i32
      %dma_wait3A_323 = tpu.memref_slice %arg4[%dma_wait3A_321, %dma_wait3A_322] : memref<1015808x16xf32, #tpu.memory_space<hbm>> -> memref<16x16xf32, #tpu.memory_space<hbm>>
      tpu.wait_dma2 semaphore(%arg10 : memref<!tpu.dma_semaphore, #tpu.memory_space<semaphore_mem>>) src(%dma_wait3A_323 : memref<16x16xf32, #tpu.memory_space<hbm>>) dst(%dma_wait3A_320 : memref<16x16xf32, #tpu.memory_space<vmem>>)
    }
    %while3A_142 = arith.constant 1 : i32
    scf.for %while3A_308 = %while3A_140 to %while3A_136 step %while3A_142  : i32 {
      %dma_wait3A = arith.constant 0 : i32
      %dma_wait3A_309 = arith.constant 0 : i32
      %dma_wait3A_310 = arith.constant 0 : i32
      %dma_wait3A_311 = arith.constant 0 : i32
      %dma_wait3A_312 = tpu.memref_slice %arg8[%dma_wait3A, %dma_wait3A_309, %dma_wait3A_310, %dma_wait3A_311] : memref<2x13x16x16xf32, #tpu.memory_space<vmem>> -> memref<1x1x16x16xf32, #tpu.memory_space<vmem>>
      %dma_wait3A_313 = tpu.memref_squeeze %dma_wait3A_312 : memref<1x1x16x16xf32, #tpu.memory_space<vmem>> -> memref<16x16xf32, #tpu.memory_space<vmem>>
      %dma_wait3A_314 = arith.constant 0 : i32
      %dma_wait3A_315 = arith.constant 0 : i32
      %dma_wait3A_316 = tpu.memref_slice %arg4[%dma_wait3A_314, %dma_wait3A_315] : memref<1015808x16xf32, #tpu.memory_space<hbm>> -> memref<16x16xf32, #tpu.memory_space<hbm>>
      %dma_wait3A_317 = arith.constant 0 : i32
      %dma_wait3A_318 = arith.constant 0 : i32
      %dma_wait3A_319 = tpu.memref_slice %arg8[%dma_wait3A, %dma_wait3A_309, %dma_wait3A_317, %dma_wait3A_318] : memref<2x13x16x16xf32, #tpu.memory_space<vmem>> -> memref<1x1x16x16xf32, #tpu.memory_space<vmem>>
      %dma_wait3A_320 = tpu.memref_squeeze %dma_wait3A_319 : memref<1x1x16x16xf32, #tpu.memory_space<vmem>> -> memref<16x16xf32, #tpu.memory_space<vmem>>
      %dma_wait3A_321 = arith.constant 0 : i32
      %dma_wait3A_322 = arith.constant 0 : i32
      %dma_wait3A_323 = tpu.memref_slice %arg4[%dma_wait3A_321, %dma_wait3A_322] : memref<1015808x16xf32, #tpu.memory_space<hbm>> -> memref<16x16xf32, #tpu.memory_space<hbm>>
      tpu.wait_dma2 semaphore(%arg10 : memref<!tpu.dma_semaphore, #tpu.memory_space<semaphore_mem>>) src(%dma_wait3A_323 : memref<16x16xf32, #tpu.memory_space<hbm>>) dst(%dma_wait3A_320 : memref<16x16xf32, #tpu.memory_space<vmem>>)
    }
    %jit3A_143 = arith.constant 16 : i32
    %div3A_144 = arith.divsi %scan3A_49, %jit3A_143 : i32
    %sign3A_145 = arith.constant 0 : i32
    %sign3A_146 = arith.cmpi sgt, %scan3A_49, %sign3A_145 : i32
    %sign3A_147 = arith.extui %sign3A_146 : i1 to i32
    %sign3A_148 = arith.constant 0 : i32
    %sign3A_149 = arith.cmpi slt, %scan3A_49, %sign3A_148 : i32
    %sign3A_150 = arith.extui %sign3A_149 : i1 to i32
    %sign3A_151 = arith.subi %sign3A_147, %sign3A_150 : i32
    %sign3A_152 = arith.constant 0 : i32
    %sign3A_153 = arith.cmpi sgt, %jit3A_143, %sign3A_152 : i32
    %sign3A_154 = arith.extui %sign3A_153 : i1 to i32
    %sign3A_155 = arith.constant 0 : i32
    %sign3A_156 = arith.cmpi slt, %jit3A_143, %sign3A_155 : i32
    %sign3A_157 = arith.extui %sign3A_156 : i1 to i32
    %sign3A_158 = arith.subi %sign3A_154, %sign3A_157 : i32
    %ne3A_159 = arith.cmpi ne, %sign3A_151, %sign3A_158 : i32
    %rem3A_160 = arith.remsi %scan3A_49, %jit3A_143 : i32
    %ne3A_161 = arith.constant 0 : i32
    %ne3A_162 = arith.cmpi ne, %rem3A_160, %ne3A_161 : i32
    %and3A_163 = arith.andi %ne3A_159, %ne3A_162 : i1
    %sub3A_164 = arith.constant 1 : i32
    %sub3A_165 = arith.subi %div3A_144, %sub3A_164 : i32
    %select_n3A_166 = arith.select %and3A_163, %sub3A_165, %div3A_144 : i32
    %min3A = arith.constant 12 : i32
    %min3A_167 = arith.minsi %select_n3A_166, %min3A : i32
    %ge3A = arith.constant 192 : i32
    %ge3A_168 = arith.cmpi sge, %scan3A_49, %ge3A : i32
    %jit3A_169 = arith.constant 8 : i32
    %jit3A_170 = arith.constant 0 : i32
    %select_n3A_171 = arith.select %ge3A_168, %jit3A_169, %jit3A_170 : i32
    %mul3A_172 = arith.constant 16 : i32
    %mul3A_173 = arith.muli %min3A_167, %mul3A_172 : i32
    %sub3A_174 = arith.subi %scan3A_49, %mul3A_173 : i32
    %while3A_175 = arith.constant 0 : i32
    %while3A_176 = arith.subi %min3A_167, %while3A_175 : i32
    %while3A_177 = arith.addi %while3A_175, %while3A_176 : i32
    %while3A_178 = arith.constant 1 : i32
    %while3A_179 = arith.divsi %while3A_176, %while3A_178 : i32
    %while3A_180 = arith.muli %while3A_179, %while3A_178 : i32
    %while3A_181 = arith.addi %while3A_175, %while3A_180 : i32
    %while3A_182 = arith.constant 1 : i32
    %while3A_183 = scf.for %while3A_308 = %while3A_175 to %while3A_181 step %while3A_182 iter_args(%while3A_309 = %broadcast_in_dim3A_3) -> (vector<16xf32>)  : i32 {
      %get3A_310 = arith.constant 0 : i32
      %get3A_311 = arith.constant 0 : i32
      %get3A_312 = arith.index_cast %get3A_310 : i32 to index
      %get3A_313 = arith.index_cast %while3A_308 : i32 to index
      %get3A_314 = arith.index_cast %get3A_311 : i32 to index
      %get3A_315 = arith.constant 0 : index
      %get3A_316 = tpu.vector_load %arg8[%get3A_312, %get3A_313, %get3A_314, %get3A_315] {strides = array<i32>} : memref<2x13x16x16xf32, #tpu.memory_space<vmem>>, vector<16xf32>,
      %add3A_317 = arith.addf %while3A_309, %get3A_316 : vector<16xf32>
      %get3A_318 = arith.constant 0 : i32
      %get3A_319 = arith.constant 1 : i32
      %get3A_320 = arith.index_cast %get3A_318 : i32 to index
      %get3A_321 = arith.index_cast %while3A_308 : i32 to index
      %get3A_322 = arith.index_cast %get3A_319 : i32 to index
      %get3A_323 = arith.constant 0 : index
      %get3A_324 = tpu.vector_load %arg8[%get3A_320, %get3A_321, %get3A_322, %get3A_323] {strides = array<i32>} : memref<2x13x16x16xf32, #tpu.memory_space<vmem>>, vector<16xf32>,
      %add3A_325 = arith.addf %add3A_317, %get3A_324 : vector<16xf32>
      %get3A_326 = arith.constant 0 : i32
      %get3A_327 = arith.constant 2 : i32
      %get3A_328 = arith.index_cast %get3A_326 : i32 to index
      %get3A_329 = arith.index_cast %while3A_308 : i32 to index
      %get3A_330 = arith.index_cast %get3A_327 : i32 to index
      %get3A_331 = arith.constant 0 : index
      %get3A_332 = tpu.vector_load %arg8[%get3A_328, %get3A_329, %get3A_330, %get3A_331] {strides = array<i32>} : memref<2x13x16x16xf32, #tpu.memory_space<vmem>>, vector<16xf32>,
      %add3A_333 = arith.addf %add3A_325, %get3A_332 : vector<16xf32>
      %get3A_334 = arith.constant 0 : i32
      %get3A_335 = arith.constant 3 : i32
      %get3A_336 = arith.index_cast %get3A_334 : i32 to index
      %get3A_337 = arith.index_cast %while3A_308 : i32 to index
      %get3A_338 = arith.index_cast %get3A_335 : i32 to index
      %get3A_339 = arith.constant 0 : index
      %get3A_340 = tpu.vector_load %arg8[%get3A_336, %get3A_337, %get3A_338, %get3A_339] {strides = array<i32>} : memref<2x13x16x16xf32, #tpu.memory_space<vmem>>, vector<16xf32>,
      %add3A_341 = arith.addf %add3A_333, %get3A_340 : vector<16xf32>
      %get3A_342 = arith.constant 0 : i32
      %get3A_343 = arith.constant 4 : i32
      %get3A_344 = arith.index_cast %get3A_342 : i32 to index
      %get3A_345 = arith.index_cast %while3A_308 : i32 to index
      %get3A_346 = arith.index_cast %get3A_343 : i32 to index
      %get3A_347 = arith.constant 0 : index
      %get3A_348 = tpu.vector_load %arg8[%get3A_344, %get3A_345, %get3A_346, %get3A_347] {strides = array<i32>} : memref<2x13x16x16xf32, #tpu.memory_space<vmem>>, vector<16xf32>,
      %add3A_349 = arith.addf %add3A_341, %get3A_348 : vector<16xf32>
      %get3A_350 = arith.constant 0 : i32
      %get3A_351 = arith.constant 5 : i32
      %get3A_352 = arith.index_cast %get3A_350 : i32 to index
      %get3A_353 = arith.index_cast %while3A_308 : i32 to index
      %get3A_354 = arith.index_cast %get3A_351 : i32 to index
      %get3A_355 = arith.constant 0 : index
      %get3A_356 = tpu.vector_load %arg8[%get3A_352, %get3A_353, %get3A_354, %get3A_355] {strides = array<i32>} : memref<2x13x16x16xf32, #tpu.memory_space<vmem>>, vector<16xf32>,
      %add3A_357 = arith.addf %add3A_349, %get3A_356 : vector<16xf32>
      %get3A_358 = arith.constant 0 : i32
      %get3A_359 = arith.constant 6 : i32
      %get3A_360 = arith.index_cast %get3A_358 : i32 to index
      %get3A_361 = arith.index_cast %while3A_308 : i32 to index
      %get3A_362 = arith.index_cast %get3A_359 : i32 to index
      %get3A_363 = arith.constant 0 : index
      %get3A_364 = tpu.vector_load %arg8[%get3A_360, %get3A_361, %get3A_362, %get3A_363] {strides = array<i32>} : memref<2x13x16x16xf32, #tpu.memory_space<vmem>>, vector<16xf32>,
      %add3A_365 = arith.addf %add3A_357, %get3A_364 : vector<16xf32>
      %get3A_366 = arith.constant 0 : i32
      %get3A_367 = arith.constant 7 : i32
      %get3A_368 = arith.index_cast %get3A_366 : i32 to index
      %get3A_369 = arith.index_cast %while3A_308 : i32 to index
      %get3A_370 = arith.index_cast %get3A_367 : i32 to index
      %get3A_371 = arith.constant 0 : index
      %get3A_372 = tpu.vector_load %arg8[%get3A_368, %get3A_369, %get3A_370, %get3A_371] {strides = array<i32>} : memref<2x13x16x16xf32, #tpu.memory_space<vmem>>, vector<16xf32>,
      %add3A_373 = arith.addf %add3A_365, %get3A_372 : vector<16xf32>
      %get3A_374 = arith.constant 0 : i32
      %get3A_375 = arith.constant 8 : i32
      %get3A_376 = arith.index_cast %get3A_374 : i32 to index
      %get3A_377 = arith.index_cast %while3A_308 : i32 to index
      %get3A_378 = arith.index_cast %get3A_375 : i32 to index
      %get3A_379 = arith.constant 0 : index
      %get3A_380 = tpu.vector_load %arg8[%get3A_376, %get3A_377, %get3A_378, %get3A_379] {strides = array<i32>} : memref<2x13x16x16xf32, #tpu.memory_space<vmem>>, vector<16xf32>,
      %add3A_381 = arith.addf %add3A_373, %get3A_380 : vector<16xf32>
      %get3A_382 = arith.constant 0 : i32
      %get3A_383 = arith.constant 9 : i32
      %get3A_384 = arith.index_cast %get3A_382 : i32 to index
      %get3A_385 = arith.index_cast %while3A_308 : i32 to index
      %get3A_386 = arith.index_cast %get3A_383 : i32 to index
      %get3A_387 = arith.constant 0 : index
      %get3A_388 = tpu.vector_load %arg8[%get3A_384, %get3A_385, %get3A_386, %get3A_387] {strides = array<i32>} : memref<2x13x16x16xf32, #tpu.memory_space<vmem>>, vector<16xf32>,
      %add3A_389 = arith.addf %add3A_381, %get3A_388 : vector<16xf32>
      %get3A_390 = arith.constant 0 : i32
      %get3A_391 = arith.constant 10 : i32
      %get3A_392 = arith.index_cast %get3A_390 : i32 to index
      %get3A_393 = arith.index_cast %while3A_308 : i32 to index
      %get3A_394 = arith.index_cast %get3A_391 : i32 to index
      %get3A_395 = arith.constant 0 : index
      %get3A_396 = tpu.vector_load %arg8[%get3A_392, %get3A_393, %get3A_394, %get3A_395] {strides = array<i32>} : memref<2x13x16x16xf32, #tpu.memory_space<vmem>>, vector<16xf32>,
      %add3A_397 = arith.addf %add3A_389, %get3A_396 : vector<16xf32>
      %get3A_398 = arith.constant 0 : i32
      %get3A_399 = arith.constant 11 : i32
      %get3A_400 = arith.index_cast %get3A_398 : i32 to index
      %get3A_401 = arith.index_cast %while3A_308 : i32 to index
      %get3A_402 = arith.index_cast %get3A_399 : i32 to index
      %get3A_403 = arith.constant 0 : index
      %get3A_404 = tpu.vector_load %arg8[%get3A_400, %get3A_401, %get3A_402, %get3A_403] {strides = array<i32>} : memref<2x13x16x16xf32, #tpu.memory_space<vmem>>, vector<16xf32>,
      %add3A_405 = arith.addf %add3A_397, %get3A_404 : vector<16xf32>
      %get3A_406 = arith.constant 0 : i32
      %get3A_407 = arith.constant 12 : i32
      %get3A_408 = arith.index_cast %get3A_406 : i32 to index
      %get3A_409 = arith.index_cast %while3A_308 : i32 to index
      %get3A_410 = arith.index_cast %get3A_407 : i32 to index
      %get3A_411 = arith.constant 0 : index
      %get3A_412 = tpu.vector_load %arg8[%get3A_408, %get3A_409, %get3A_410, %get3A_411] {strides = array<i32>} : memref<2x13x16x16xf32, #tpu.memory_space<vmem>>, vector<16xf32>,
      %add3A_413 = arith.addf %add3A_405, %get3A_412 : vector<16xf32>
      %get3A_414 = arith.constant 0 : i32
      %get3A_415 = arith.constant 13 : i32
      %get3A_416 = arith.index_cast %get3A_414 : i32 to index
      %get3A_417 = arith.index_cast %while3A_308 : i32 to index
      %get3A_418 = arith.index_cast %get3A_415 : i32 to index
      %get3A_419 = arith.constant 0 : index
      %get3A_420 = tpu.vector_load %arg8[%get3A_416, %get3A_417, %get3A_418, %get3A_419] {strides = array<i32>} : memref<2x13x16x16xf32, #tpu.memory_space<vmem>>, vector<16xf32>,
      %add3A_421 = arith.addf %add3A_413, %get3A_420 : vector<16xf32>
      %get3A_422 = arith.constant 0 : i32
      %get3A_423 = arith.constant 14 : i32
      %get3A_424 = arith.index_cast %get3A_422 : i32 to index
      %get3A_425 = arith.index_cast %while3A_308 : i32 to index
      %get3A_426 = arith.index_cast %get3A_423 : i32 to index
      %get3A_427 = arith.constant 0 : index
      %get3A_428 = tpu.vector_load %arg8[%get3A_424, %get3A_425, %get3A_426, %get3A_427] {strides = array<i32>} : memref<2x13x16x16xf32, #tpu.memory_space<vmem>>, vector<16xf32>,
      %add3A_429 = arith.addf %add3A_421, %get3A_428 : vector<16xf32>
      %get3A_430 = arith.constant 0 : i32
      %get3A_431 = arith.constant 15 : i32
      %get3A_432 = arith.index_cast %get3A_430 : i32 to index
      %get3A_433 = arith.index_cast %while3A_308 : i32 to index
      %get3A_434 = arith.index_cast %get3A_431 : i32 to index
      %get3A_435 = arith.constant 0 : index
      %get3A_436 = tpu.vector_load %arg8[%get3A_432, %get3A_433, %get3A_434, %get3A_435] {strides = array<i32>} : memref<2x13x16x16xf32, #tpu.memory_space<vmem>>, vector<16xf32>,
      %add3A_437 = arith.addf %add3A_429, %get3A_436 : vector<16xf32>
      scf.yield %add3A_437 : vector<16xf32>
    }
    %while3A_184 = arith.constant 1 : i32
    %while3A_185 = scf.for %while3A_308 = %while3A_181 to %while3A_177 step %while3A_184 iter_args(%while3A_309 = %while3A_183) -> (vector<16xf32>)  : i32 {
      %get3A_310 = arith.constant 0 : i32
      %get3A_311 = arith.constant 0 : i32
      %get3A_312 = arith.index_cast %get3A_310 : i32 to index
      %get3A_313 = arith.index_cast %while3A_308 : i32 to index
      %get3A_314 = arith.index_cast %get3A_311 : i32 to index
      %get3A_315 = arith.constant 0 : index
      %get3A_316 = tpu.vector_load %arg8[%get3A_312, %get3A_313, %get3A_314, %get3A_315] {strides = array<i32>} : memref<2x13x16x16xf32, #tpu.memory_space<vmem>>, vector<16xf32>,
      %add3A_317 = arith.addf %while3A_309, %get3A_316 : vector<16xf32>
      %get3A_318 = arith.constant 0 : i32
      %get3A_319 = arith.constant 1 : i32
      %get3A_320 = arith.index_cast %get3A_318 : i32 to index
      %get3A_321 = arith.index_cast %while3A_308 : i32 to index
      %get3A_322 = arith.index_cast %get3A_319 : i32 to index
      %get3A_323 = arith.constant 0 : index
      %get3A_324 = tpu.vector_load %arg8[%get3A_320, %get3A_321, %get3A_322, %get3A_323] {strides = array<i32>} : memref<2x13x16x16xf32, #tpu.memory_space<vmem>>, vector<16xf32>,
      %add3A_325 = arith.addf %add3A_317, %get3A_324 : vector<16xf32>
      %get3A_326 = arith.constant 0 : i32
      %get3A_327 = arith.constant 2 : i32
      %get3A_328 = arith.index_cast %get3A_326 : i32 to index
      %get3A_329 = arith.index_cast %while3A_308 : i32 to index
      %get3A_330 = arith.index_cast %get3A_327 : i32 to index
      %get3A_331 = arith.constant 0 : index
      %get3A_332 = tpu.vector_load %arg8[%get3A_328, %get3A_329, %get3A_330, %get3A_331] {strides = array<i32>} : memref<2x13x16x16xf32, #tpu.memory_space<vmem>>, vector<16xf32>,
      %add3A_333 = arith.addf %add3A_325, %get3A_332 : vector<16xf32>
      %get3A_334 = arith.constant 0 : i32
      %get3A_335 = arith.constant 3 : i32
      %get3A_336 = arith.index_cast %get3A_334 : i32 to index
      %get3A_337 = arith.index_cast %while3A_308 : i32 to index
      %get3A_338 = arith.index_cast %get3A_335 : i32 to index
      %get3A_339 = arith.constant 0 : index
      %get3A_340 = tpu.vector_load %arg8[%get3A_336, %get3A_337, %get3A_338, %get3A_339] {strides = array<i32>} : memref<2x13x16x16xf32, #tpu.memory_space<vmem>>, vector<16xf32>,
      %add3A_341 = arith.addf %add3A_333, %get3A_340 : vector<16xf32>
      %get3A_342 = arith.constant 0 : i32
      %get3A_343 = arith.constant 4 : i32
      %get3A_344 = arith.index_cast %get3A_342 : i32 to index
      %get3A_345 = arith.index_cast %while3A_308 : i32 to index
      %get3A_346 = arith.index_cast %get3A_343 : i32 to index
      %get3A_347 = arith.constant 0 : index
      %get3A_348 = tpu.vector_load %arg8[%get3A_344, %get3A_345, %get3A_346, %get3A_347] {strides = array<i32>} : memref<2x13x16x16xf32, #tpu.memory_space<vmem>>, vector<16xf32>,
      %add3A_349 = arith.addf %add3A_341, %get3A_348 : vector<16xf32>
      %get3A_350 = arith.constant 0 : i32
      %get3A_351 = arith.constant 5 : i32
      %get3A_352 = arith.index_cast %get3A_350 : i32 to index
      %get3A_353 = arith.index_cast %while3A_308 : i32 to index
      %get3A_354 = arith.index_cast %get3A_351 : i32 to index
      %get3A_355 = arith.constant 0 : index
      %get3A_356 = tpu.vector_load %arg8[%get3A_352, %get3A_353, %get3A_354, %get3A_355] {strides = array<i32>} : memref<2x13x16x16xf32, #tpu.memory_space<vmem>>, vector<16xf32>,
      %add3A_357 = arith.addf %add3A_349, %get3A_356 : vector<16xf32>
      %get3A_358 = arith.constant 0 : i32
      %get3A_359 = arith.constant 6 : i32
      %get3A_360 = arith.index_cast %get3A_358 : i32 to index
      %get3A_361 = arith.index_cast %while3A_308 : i32 to index
      %get3A_362 = arith.index_cast %get3A_359 : i32 to index
      %get3A_363 = arith.constant 0 : index
      %get3A_364 = tpu.vector_load %arg8[%get3A_360, %get3A_361, %get3A_362, %get3A_363] {strides = array<i32>} : memref<2x13x16x16xf32, #tpu.memory_space<vmem>>, vector<16xf32>,
      %add3A_365 = arith.addf %add3A_357, %get3A_364 : vector<16xf32>
      %get3A_366 = arith.constant 0 : i32
      %get3A_367 = arith.constant 7 : i32
      %get3A_368 = arith.index_cast %get3A_366 : i32 to index
      %get3A_369 = arith.index_cast %while3A_308 : i32 to index
      %get3A_370 = arith.index_cast %get3A_367 : i32 to index
      %get3A_371 = arith.constant 0 : index
      %get3A_372 = tpu.vector_load %arg8[%get3A_368, %get3A_369, %get3A_370, %get3A_371] {strides = array<i32>} : memref<2x13x16x16xf32, #tpu.memory_space<vmem>>, vector<16xf32>,
      %add3A_373 = arith.addf %add3A_365, %get3A_372 : vector<16xf32>
      %get3A_374 = arith.constant 0 : i32
      %get3A_375 = arith.constant 8 : i32
      %get3A_376 = arith.index_cast %get3A_374 : i32 to index
      %get3A_377 = arith.index_cast %while3A_308 : i32 to index
      %get3A_378 = arith.index_cast %get3A_375 : i32 to index
      %get3A_379 = arith.constant 0 : index
      %get3A_380 = tpu.vector_load %arg8[%get3A_376, %get3A_377, %get3A_378, %get3A_379] {strides = array<i32>} : memref<2x13x16x16xf32, #tpu.memory_space<vmem>>, vector<16xf32>,
      %add3A_381 = arith.addf %add3A_373, %get3A_380 : vector<16xf32>
      %get3A_382 = arith.constant 0 : i32
      %get3A_383 = arith.constant 9 : i32
      %get3A_384 = arith.index_cast %get3A_382 : i32 to index
      %get3A_385 = arith.index_cast %while3A_308 : i32 to index
      %get3A_386 = arith.index_cast %get3A_383 : i32 to index
      %get3A_387 = arith.constant 0 : index
      %get3A_388 = tpu.vector_load %arg8[%get3A_384, %get3A_385, %get3A_386, %get3A_387] {strides = array<i32>} : memref<2x13x16x16xf32, #tpu.memory_space<vmem>>, vector<16xf32>,
      %add3A_389 = arith.addf %add3A_381, %get3A_388 : vector<16xf32>
      %get3A_390 = arith.constant 0 : i32
      %get3A_391 = arith.constant 10 : i32
      %get3A_392 = arith.index_cast %get3A_390 : i32 to index
      %get3A_393 = arith.index_cast %while3A_308 : i32 to index
      %get3A_394 = arith.index_cast %get3A_391 : i32 to index
      %get3A_395 = arith.constant 0 : index
      %get3A_396 = tpu.vector_load %arg8[%get3A_392, %get3A_393, %get3A_394, %get3A_395] {strides = array<i32>} : memref<2x13x16x16xf32, #tpu.memory_space<vmem>>, vector<16xf32>,
      %add3A_397 = arith.addf %add3A_389, %get3A_396 : vector<16xf32>
      %get3A_398 = arith.constant 0 : i32
      %get3A_399 = arith.constant 11 : i32
      %get3A_400 = arith.index_cast %get3A_398 : i32 to index
      %get3A_401 = arith.index_cast %while3A_308 : i32 to index
      %get3A_402 = arith.index_cast %get3A_399 : i32 to index
      %get3A_403 = arith.constant 0 : index
      %get3A_404 = tpu.vector_load %arg8[%get3A_400, %get3A_401, %get3A_402, %get3A_403] {strides = array<i32>} : memref<2x13x16x16xf32, #tpu.memory_space<vmem>>, vector<16xf32>,
      %add3A_405 = arith.addf %add3A_397, %get3A_404 : vector<16xf32>
      %get3A_406 = arith.constant 0 : i32
      %get3A_407 = arith.constant 12 : i32
      %get3A_408 = arith.index_cast %get3A_406 : i32 to index
      %get3A_409 = arith.index_cast %while3A_308 : i32 to index
      %get3A_410 = arith.index_cast %get3A_407 : i32 to index
      %get3A_411 = arith.constant 0 : index
      %get3A_412 = tpu.vector_load %arg8[%get3A_408, %get3A_409, %get3A_410, %get3A_411] {strides = array<i32>} : memref<2x13x16x16xf32, #tpu.memory_space<vmem>>, vector<16xf32>,
      %add3A_413 = arith.addf %add3A_405, %get3A_412 : vector<16xf32>
      %get3A_414 = arith.constant 0 : i32
      %get3A_415 = arith.constant 13 : i32
      %get3A_416 = arith.index_cast %get3A_414 : i32 to index
      %get3A_417 = arith.index_cast %while3A_308 : i32 to index
      %get3A_418 = arith.index_cast %get3A_415 : i32 to index
      %get3A_419 = arith.constant 0 : index
      %get3A_420 = tpu.vector_load %arg8[%get3A_416, %get3A_417, %get3A_418, %get3A_419] {strides = array<i32>} : memref<2x13x16x16xf32, #tpu.memory_space<vmem>>, vector<16xf32>,
      %add3A_421 = arith.addf %add3A_413, %get3A_420 : vector<16xf32>
      %get3A_422 = arith.constant 0 : i32
      %get3A_423 = arith.constant 14 : i32
      %get3A_424 = arith.index_cast %get3A_422 : i32 to index
      %get3A_425 = arith.index_cast %while3A_308 : i32 to index
      %get3A_426 = arith.index_cast %get3A_423 : i32 to index
      %get3A_427 = arith.constant 0 : index
      %get3A_428 = tpu.vector_load %arg8[%get3A_424, %get3A_425, %get3A_426, %get3A_427] {strides = array<i32>} : memref<2x13x16x16xf32, #tpu.memory_space<vmem>>, vector<16xf32>,
      %add3A_429 = arith.addf %add3A_421, %get3A_428 : vector<16xf32>
      %get3A_430 = arith.constant 0 : i32
      %get3A_431 = arith.constant 15 : i32
      %get3A_432 = arith.index_cast %get3A_430 : i32 to index
      %get3A_433 = arith.index_cast %while3A_308 : i32 to index
      %get3A_434 = arith.index_cast %get3A_431 : i32 to index
      %get3A_435 = arith.constant 0 : index
      %get3A_436 = tpu.vector_load %arg8[%get3A_432, %get3A_433, %get3A_434, %get3A_435] {strides = array<i32>} : memref<2x13x16x16xf32, #tpu.memory_space<vmem>>, vector<16xf32>,
      %add3A_437 = arith.addf %add3A_429, %get3A_436 : vector<16xf32>
      scf.yield %add3A_437 : vector<16xf32>
    }
    %while3A_186 = arith.constant 0 : i32
    %while3A_187 = arith.subi %sub3A_174, %while3A_186 : i32
    %while3A_188 = arith.addi %while3A_186, %while3A_187 : i32
    %while3A_189 = arith.constant 1 : i32
    %while3A_190 = arith.divsi %while3A_187, %while3A_189 : i32
    %while3A_191 = arith.muli %while3A_190, %while3A_189 : i32
    %while3A_192 = arith.addi %while3A_186, %while3A_191 : i32
    %while3A_193 = arith.constant 1 : i32
    %while3A_194 = scf.for %while3A_308 = %while3A_186 to %while3A_192 step %while3A_193 iter_args(%while3A_309 = %while3A_185) -> (vector<16xf32>)  : i32 {
      %add3A_310 = arith.addi %select_n3A_171, %while3A_308 : i32
      %get3A_311 = arith.constant 0 : i32
      %get3A_312 = arith.index_cast %get3A_311 : i32 to index
      %get3A_313 = arith.index_cast %min3A_167 : i32 to index
      %get3A_314 = arith.index_cast %add3A_310 : i32 to index
      %get3A_315 = arith.constant 0 : index
      %get3A_316 = tpu.vector_load %arg8[%get3A_312, %get3A_313, %get3A_314, %get3A_315] {strides = array<i32>} : memref<2x13x16x16xf32, #tpu.memory_space<vmem>>, vector<16xf32>,
      %add3A_317 = arith.addf %while3A_309, %get3A_316 : vector<16xf32>
      scf.yield %add3A_317 : vector<16xf32>
    }
    %while3A_195 = arith.constant 1 : i32
    %while3A_196 = scf.for %while3A_308 = %while3A_192 to %while3A_188 step %while3A_195 iter_args(%while3A_309 = %while3A_194) -> (vector<16xf32>)  : i32 {
      %add3A_310 = arith.addi %select_n3A_171, %while3A_308 : i32
      %get3A_311 = arith.constant 0 : i32
      %get3A_312 = arith.index_cast %get3A_311 : i32 to index
      %get3A_313 = arith.index_cast %min3A_167 : i32 to index
      %get3A_314 = arith.index_cast %add3A_310 : i32 to index
      %get3A_315 = arith.constant 0 : index
      %get3A_316 = tpu.vector_load %arg8[%get3A_312, %get3A_313, %get3A_314, %get3A_315] {strides = array<i32>} : memref<2x13x16x16xf32, #tpu.memory_space<vmem>>, vector<16xf32>,
      %add3A_317 = arith.addf %while3A_309, %get3A_316 : vector<16xf32>
      scf.yield %add3A_317 : vector<16xf32>
    }
    %broadcast_in_dim3A_197 = vector.broadcast %scan3A_49 : i32 to vector<16xi32>
    %max3A = arith.constant 1 : i32
    %max3A_198 = vector.broadcast %max3A : i32 to vector<16xi32>
    %max3A_199 = arith.maxsi %broadcast_in_dim3A_197, %max3A_198 : vector<16xi32>
    %convert_element_type3A = arith.sitofp %max3A_199 : vector<16xi32> to vector<16xf32>
    %div3A_200 = arith.divf %while3A_196, %convert_element_type3A : vector<16xf32>
    %swap3A = arith.constant 126 : i32
    %swap3A_201 = arith.index_cast %swap3A : i32 to index
    %swap3A_202 = arith.constant 0 : index
    %swap3A_203 = tpu.vector_load %arg9[%swap3A_201, %swap3A_202] {strides = array<i32>} : memref<128x16xf32, #tpu.memory_space<vmem>>, vector<16xf32>,
    tpu.vector_store %arg9[%swap3A_201, %swap3A_202], %div3A_200 {strides = array<i32>} : memref<128x16xf32, #tpu.memory_space<vmem>>, vector<16xf32>,
    %add3A_204 = arith.constant 16 : i32
    %add3A_205 = arith.addi %reduce_max3A_66, %add3A_204 : i32
    %sub3A_206 = arith.constant 1 : i32
    %sub3A_207 = arith.subi %add3A_205, %sub3A_206 : i32
    %jit3A_208 = arith.constant 16 : i32
    %div3A_209 = arith.divsi %sub3A_207, %jit3A_208 : i32
    %sign3A_210 = arith.constant 0 : i32
    %sign3A_211 = arith.cmpi sgt, %sub3A_207, %sign3A_210 : i32
    %sign3A_212 = arith.extui %sign3A_211 : i1 to i32
    %sign3A_213 = arith.constant 0 : i32
    %sign3A_214 = arith.cmpi slt, %sub3A_207, %sign3A_213 : i32
    %sign3A_215 = arith.extui %sign3A_214 : i1 to i32
    %sign3A_216 = arith.subi %sign3A_212, %sign3A_215 : i32
    %sign3A_217 = arith.constant 0 : i32
    %sign3A_218 = arith.cmpi sgt, %jit3A_208, %sign3A_217 : i32
    %sign3A_219 = arith.extui %sign3A_218 : i1 to i32
    %sign3A_220 = arith.constant 0 : i32
    %sign3A_221 = arith.cmpi slt, %jit3A_208, %sign3A_220 : i32
    %sign3A_222 = arith.extui %sign3A_221 : i1 to i32
    %sign3A_223 = arith.subi %sign3A_219, %sign3A_222 : i32
    %ne3A_224 = arith.cmpi ne, %sign3A_216, %sign3A_223 : i32
    %rem3A_225 = arith.remsi %sub3A_207, %jit3A_208 : i32
    %ne3A_226 = arith.constant 0 : i32
    %ne3A_227 = arith.cmpi ne, %rem3A_225, %ne3A_226 : i32
    %and3A_228 = arith.andi %ne3A_224, %ne3A_227 : i1
    %sub3A_229 = arith.constant 1 : i32
    %sub3A_230 = arith.subi %div3A_209, %sub3A_229 : i32
    %select_n3A_231 = arith.select %and3A_228, %sub3A_230, %div3A_209 : i32
    %while3A_232 = arith.constant 0 : i32
    %while3A_233 = arith.constant 0 : i32
    %while3A_234 = arith.subi %select_n3A_231, %while3A_233 : i32
    %while3A_235 = arith.addi %while3A_233, %while3A_234 : i32
    %while3A_236 = arith.constant 1 : i32
    %while3A_237 = arith.divsi %while3A_234, %while3A_236 : i32
    %while3A_238 = arith.muli %while3A_237, %while3A_236 : i32
    %while3A_239 = arith.addi %while3A_233, %while3A_238 : i32
    %while3A_240 = arith.constant 1 : i32
    scf.for %while3A_308 = %while3A_233 to %while3A_239 step %while3A_240  : i32 {
      %dma_wait3A = arith.constant 1 : i32
      %dma_wait3A_309 = arith.constant 0 : i32
      %dma_wait3A_310 = arith.constant 0 : i32
      %dma_wait3A_311 = arith.constant 0 : i32
      %dma_wait3A_312 = tpu.memref_slice %arg8[%dma_wait3A, %dma_wait3A_309, %dma_wait3A_310, %dma_wait3A_311] : memref<2x13x16x16xf32, #tpu.memory_space<vmem>> -> memref<1x1x16x16xf32, #tpu.memory_space<vmem>>
      %dma_wait3A_313 = tpu.memref_squeeze %dma_wait3A_312 : memref<1x1x16x16xf32, #tpu.memory_space<vmem>> -> memref<16x16xf32, #tpu.memory_space<vmem>>
      %dma_wait3A_314 = arith.constant 0 : i32
      %dma_wait3A_315 = arith.constant 0 : i32
      %dma_wait3A_316 = tpu.memref_slice %arg4[%dma_wait3A_314, %dma_wait3A_315] : memref<1015808x16xf32, #tpu.memory_space<hbm>> -> memref<16x16xf32, #tpu.memory_space<hbm>>
      %dma_wait3A_317 = arith.constant 0 : i32
      %dma_wait3A_318 = arith.constant 0 : i32
      %dma_wait3A_319 = tpu.memref_slice %arg8[%dma_wait3A, %dma_wait3A_309, %dma_wait3A_317, %dma_wait3A_318] : memref<2x13x16x16xf32, #tpu.memory_space<vmem>> -> memref<1x1x16x16xf32, #tpu.memory_space<vmem>>
      %dma_wait3A_320 = tpu.memref_squeeze %dma_wait3A_319 : memref<1x1x16x16xf32, #tpu.memory_space<vmem>> -> memref<16x16xf32, #tpu.memory_space<vmem>>
      %dma_wait3A_321 = arith.constant 0 : i32
      %dma_wait3A_322 = arith.constant 0 : i32
      %dma_wait3A_323 = tpu.memref_slice %arg4[%dma_wait3A_321, %dma_wait3A_322] : memref<1015808x16xf32, #tpu.memory_space<hbm>> -> memref<16x16xf32, #tpu.memory_space<hbm>>
      tpu.wait_dma2 semaphore(%arg11 : memref<!tpu.dma_semaphore, #tpu.memory_space<semaphore_mem>>) src(%dma_wait3A_323 : memref<16x16xf32, #tpu.memory_space<hbm>>) dst(%dma_wait3A_320 : memref<16x16xf32, #tpu.memory_space<vmem>>)
    }
    %while3A_241 = arith.constant 1 : i32
    scf.for %while3A_308 = %while3A_239 to %while3A_235 step %while3A_241  : i32 {
      %dma_wait3A = arith.constant 1 : i32
      %dma_wait3A_309 = arith.constant 0 : i32
      %dma_wait3A_310 = arith.constant 0 : i32
      %dma_wait3A_311 = arith.constant 0 : i32
      %dma_wait3A_312 = tpu.memref_slice %arg8[%dma_wait3A, %dma_wait3A_309, %dma_wait3A_310, %dma_wait3A_311] : memref<2x13x16x16xf32, #tpu.memory_space<vmem>> -> memref<1x1x16x16xf32, #tpu.memory_space<vmem>>
      %dma_wait3A_313 = tpu.memref_squeeze %dma_wait3A_312 : memref<1x1x16x16xf32, #tpu.memory_space<vmem>> -> memref<16x16xf32, #tpu.memory_space<vmem>>
      %dma_wait3A_314 = arith.constant 0 : i32
      %dma_wait3A_315 = arith.constant 0 : i32
      %dma_wait3A_316 = tpu.memref_slice %arg4[%dma_wait3A_314, %dma_wait3A_315] : memref<1015808x16xf32, #tpu.memory_space<hbm>> -> memref<16x16xf32, #tpu.memory_space<hbm>>
      %dma_wait3A_317 = arith.constant 0 : i32
      %dma_wait3A_318 = arith.constant 0 : i32
      %dma_wait3A_319 = tpu.memref_slice %arg8[%dma_wait3A, %dma_wait3A_309, %dma_wait3A_317, %dma_wait3A_318] : memref<2x13x16x16xf32, #tpu.memory_space<vmem>> -> memref<1x1x16x16xf32, #tpu.memory_space<vmem>>
      %dma_wait3A_320 = tpu.memref_squeeze %dma_wait3A_319 : memref<1x1x16x16xf32, #tpu.memory_space<vmem>> -> memref<16x16xf32, #tpu.memory_space<vmem>>
      %dma_wait3A_321 = arith.constant 0 : i32
      %dma_wait3A_322 = arith.constant 0 : i32
      %dma_wait3A_323 = tpu.memref_slice %arg4[%dma_wait3A_321, %dma_wait3A_322] : memref<1015808x16xf32, #tpu.memory_space<hbm>> -> memref<16x16xf32, #tpu.memory_space<hbm>>
      tpu.wait_dma2 semaphore(%arg11 : memref<!tpu.dma_semaphore, #tpu.memory_space<semaphore_mem>>) src(%dma_wait3A_323 : memref<16x16xf32, #tpu.memory_space<hbm>>) dst(%dma_wait3A_320 : memref<16x16xf32, #tpu.memory_space<vmem>>)
    }
    %jit3A_242 = arith.constant 16 : i32
    %div3A_243 = arith.divsi %reduce_max3A_66, %jit3A_242 : i32
    %sign3A_244 = arith.constant 0 : i32
    %sign3A_245 = arith.cmpi sgt, %reduce_max3A_66, %sign3A_244 : i32
    %sign3A_246 = arith.extui %sign3A_245 : i1 to i32
    %sign3A_247 = arith.constant 0 : i32
    %sign3A_248 = arith.cmpi slt, %reduce_max3A_66, %sign3A_247 : i32
    %sign3A_249 = arith.extui %sign3A_248 : i1 to i32
    %sign3A_250 = arith.subi %sign3A_246, %sign3A_249 : i32
    %sign3A_251 = arith.constant 0 : i32
    %sign3A_252 = arith.cmpi sgt, %jit3A_242, %sign3A_251 : i32
    %sign3A_253 = arith.extui %sign3A_252 : i1 to i32
    %sign3A_254 = arith.constant 0 : i32
    %sign3A_255 = arith.cmpi slt, %jit3A_242, %sign3A_254 : i32
    %sign3A_256 = arith.extui %sign3A_255 : i1 to i32
    %sign3A_257 = arith.subi %sign3A_253, %sign3A_256 : i32
    %ne3A_258 = arith.cmpi ne, %sign3A_250, %sign3A_257 : i32
    %rem3A_259 = arith.remsi %reduce_max3A_66, %jit3A_242 : i32
    %ne3A_260 = arith.constant 0 : i32
    %ne3A_261 = arith.cmpi ne, %rem3A_259, %ne3A_260 : i32
    %and3A_262 = arith.andi %ne3A_258, %ne3A_261 : i1
    %sub3A_263 = arith.constant 1 : i32
    %sub3A_264 = arith.subi %div3A_243, %sub3A_263 : i32
    %select_n3A_265 = arith.select %and3A_262, %sub3A_264, %div3A_243 : i32
    %min3A_266 = arith.constant 12 : i32
    %min3A_267 = arith.minsi %select_n3A_265, %min3A_266 : i32
    %ge3A_268 = arith.constant 192 : i32
    %ge3A_269 = arith.cmpi sge, %reduce_max3A_66, %ge3A_268 : i32
    %jit3A_270 = arith.constant 8 : i32
    %jit3A_271 = arith.constant 0 : i32
    %select_n3A_272 = arith.select %ge3A_269, %jit3A_270, %jit3A_271 : i32
    %mul3A_273 = arith.constant 16 : i32
    %mul3A_274 = arith.muli %min3A_267, %mul3A_273 : i32
    %sub3A_275 = arith.subi %reduce_max3A_66, %mul3A_274 : i32
    %while3A_276 = arith.constant 0 : i32
    %while3A_277 = arith.subi %min3A_267, %while3A_276 : i32
    %while3A_278 = arith.addi %while3A_276, %while3A_277 : i32
    %while3A_279 = arith.constant 1 : i32
    %while3A_280 = arith.divsi %while3A_277, %while3A_279 : i32
    %while3A_281 = arith.muli %while3A_280, %while3A_279 : i32
    %while3A_282 = arith.addi %while3A_276, %while3A_281 : i32
    %while3A_283 = arith.constant 1 : i32
    %while3A_284 = scf.for %while3A_308 = %while3A_276 to %while3A_282 step %while3A_283 iter_args(%while3A_309 = %broadcast_in_dim3A_3) -> (vector<16xf32>)  : i32 {
      %get3A_310 = arith.constant 1 : i32
      %get3A_311 = arith.constant 0 : i32
      %get3A_312 = arith.index_cast %get3A_310 : i32 to index
      %get3A_313 = arith.index_cast %while3A_308 : i32 to index
      %get3A_314 = arith.index_cast %get3A_311 : i32 to index
      %get3A_315 = arith.constant 0 : index
      %get3A_316 = tpu.vector_load %arg8[%get3A_312, %get3A_313, %get3A_314, %get3A_315] {strides = array<i32>} : memref<2x13x16x16xf32, #tpu.memory_space<vmem>>, vector<16xf32>,
      %add3A_317 = arith.addf %while3A_309, %get3A_316 : vector<16xf32>
      %get3A_318 = arith.constant 1 : i32
      %get3A_319 = arith.constant 1 : i32
      %get3A_320 = arith.index_cast %get3A_318 : i32 to index
      %get3A_321 = arith.index_cast %while3A_308 : i32 to index
      %get3A_322 = arith.index_cast %get3A_319 : i32 to index
      %get3A_323 = arith.constant 0 : index
      %get3A_324 = tpu.vector_load %arg8[%get3A_320, %get3A_321, %get3A_322, %get3A_323] {strides = array<i32>} : memref<2x13x16x16xf32, #tpu.memory_space<vmem>>, vector<16xf32>,
      %add3A_325 = arith.addf %add3A_317, %get3A_324 : vector<16xf32>
      %get3A_326 = arith.constant 1 : i32
      %get3A_327 = arith.constant 2 : i32
      %get3A_328 = arith.index_cast %get3A_326 : i32 to index
      %get3A_329 = arith.index_cast %while3A_308 : i32 to index
      %get3A_330 = arith.index_cast %get3A_327 : i32 to index
      %get3A_331 = arith.constant 0 : index
      %get3A_332 = tpu.vector_load %arg8[%get3A_328, %get3A_329, %get3A_330, %get3A_331] {strides = array<i32>} : memref<2x13x16x16xf32, #tpu.memory_space<vmem>>, vector<16xf32>,
      %add3A_333 = arith.addf %add3A_325, %get3A_332 : vector<16xf32>
      %get3A_334 = arith.constant 1 : i32
      %get3A_335 = arith.constant 3 : i32
      %get3A_336 = arith.index_cast %get3A_334 : i32 to index
      %get3A_337 = arith.index_cast %while3A_308 : i32 to index
      %get3A_338 = arith.index_cast %get3A_335 : i32 to index
      %get3A_339 = arith.constant 0 : index
      %get3A_340 = tpu.vector_load %arg8[%get3A_336, %get3A_337, %get3A_338, %get3A_339] {strides = array<i32>} : memref<2x13x16x16xf32, #tpu.memory_space<vmem>>, vector<16xf32>,
      %add3A_341 = arith.addf %add3A_333, %get3A_340 : vector<16xf32>
      %get3A_342 = arith.constant 1 : i32
      %get3A_343 = arith.constant 4 : i32
      %get3A_344 = arith.index_cast %get3A_342 : i32 to index
      %get3A_345 = arith.index_cast %while3A_308 : i32 to index
      %get3A_346 = arith.index_cast %get3A_343 : i32 to index
      %get3A_347 = arith.constant 0 : index
      %get3A_348 = tpu.vector_load %arg8[%get3A_344, %get3A_345, %get3A_346, %get3A_347] {strides = array<i32>} : memref<2x13x16x16xf32, #tpu.memory_space<vmem>>, vector<16xf32>,
      %add3A_349 = arith.addf %add3A_341, %get3A_348 : vector<16xf32>
      %get3A_350 = arith.constant 1 : i32
      %get3A_351 = arith.constant 5 : i32
      %get3A_352 = arith.index_cast %get3A_350 : i32 to index
      %get3A_353 = arith.index_cast %while3A_308 : i32 to index
      %get3A_354 = arith.index_cast %get3A_351 : i32 to index
      %get3A_355 = arith.constant 0 : index
      %get3A_356 = tpu.vector_load %arg8[%get3A_352, %get3A_353, %get3A_354, %get3A_355] {strides = array<i32>} : memref<2x13x16x16xf32, #tpu.memory_space<vmem>>, vector<16xf32>,
      %add3A_357 = arith.addf %add3A_349, %get3A_356 : vector<16xf32>
      %get3A_358 = arith.constant 1 : i32
      %get3A_359 = arith.constant 6 : i32
      %get3A_360 = arith.index_cast %get3A_358 : i32 to index
      %get3A_361 = arith.index_cast %while3A_308 : i32 to index
      %get3A_362 = arith.index_cast %get3A_359 : i32 to index
      %get3A_363 = arith.constant 0 : index
      %get3A_364 = tpu.vector_load %arg8[%get3A_360, %get3A_361, %get3A_362, %get3A_363] {strides = array<i32>} : memref<2x13x16x16xf32, #tpu.memory_space<vmem>>, vector<16xf32>,
      %add3A_365 = arith.addf %add3A_357, %get3A_364 : vector<16xf32>
      %get3A_366 = arith.constant 1 : i32
      %get3A_367 = arith.constant 7 : i32
      %get3A_368 = arith.index_cast %get3A_366 : i32 to index
      %get3A_369 = arith.index_cast %while3A_308 : i32 to index
      %get3A_370 = arith.index_cast %get3A_367 : i32 to index
      %get3A_371 = arith.constant 0 : index
      %get3A_372 = tpu.vector_load %arg8[%get3A_368, %get3A_369, %get3A_370, %get3A_371] {strides = array<i32>} : memref<2x13x16x16xf32, #tpu.memory_space<vmem>>, vector<16xf32>,
      %add3A_373 = arith.addf %add3A_365, %get3A_372 : vector<16xf32>
      %get3A_374 = arith.constant 1 : i32
      %get3A_375 = arith.constant 8 : i32
      %get3A_376 = arith.index_cast %get3A_374 : i32 to index
      %get3A_377 = arith.index_cast %while3A_308 : i32 to index
      %get3A_378 = arith.index_cast %get3A_375 : i32 to index
      %get3A_379 = arith.constant 0 : index
      %get3A_380 = tpu.vector_load %arg8[%get3A_376, %get3A_377, %get3A_378, %get3A_379] {strides = array<i32>} : memref<2x13x16x16xf32, #tpu.memory_space<vmem>>, vector<16xf32>,
      %add3A_381 = arith.addf %add3A_373, %get3A_380 : vector<16xf32>
      %get3A_382 = arith.constant 1 : i32
      %get3A_383 = arith.constant 9 : i32
      %get3A_384 = arith.index_cast %get3A_382 : i32 to index
      %get3A_385 = arith.index_cast %while3A_308 : i32 to index
      %get3A_386 = arith.index_cast %get3A_383 : i32 to index
      %get3A_387 = arith.constant 0 : index
      %get3A_388 = tpu.vector_load %arg8[%get3A_384, %get3A_385, %get3A_386, %get3A_387] {strides = array<i32>} : memref<2x13x16x16xf32, #tpu.memory_space<vmem>>, vector<16xf32>,
      %add3A_389 = arith.addf %add3A_381, %get3A_388 : vector<16xf32>
      %get3A_390 = arith.constant 1 : i32
      %get3A_391 = arith.constant 10 : i32
      %get3A_392 = arith.index_cast %get3A_390 : i32 to index
      %get3A_393 = arith.index_cast %while3A_308 : i32 to index
      %get3A_394 = arith.index_cast %get3A_391 : i32 to index
      %get3A_395 = arith.constant 0 : index
      %get3A_396 = tpu.vector_load %arg8[%get3A_392, %get3A_393, %get3A_394, %get3A_395] {strides = array<i32>} : memref<2x13x16x16xf32, #tpu.memory_space<vmem>>, vector<16xf32>,
      %add3A_397 = arith.addf %add3A_389, %get3A_396 : vector<16xf32>
      %get3A_398 = arith.constant 1 : i32
      %get3A_399 = arith.constant 11 : i32
      %get3A_400 = arith.index_cast %get3A_398 : i32 to index
      %get3A_401 = arith.index_cast %while3A_308 : i32 to index
      %get3A_402 = arith.index_cast %get3A_399 : i32 to index
      %get3A_403 = arith.constant 0 : index
      %get3A_404 = tpu.vector_load %arg8[%get3A_400, %get3A_401, %get3A_402, %get3A_403] {strides = array<i32>} : memref<2x13x16x16xf32, #tpu.memory_space<vmem>>, vector<16xf32>,
      %add3A_405 = arith.addf %add3A_397, %get3A_404 : vector<16xf32>
      %get3A_406 = arith.constant 1 : i32
      %get3A_407 = arith.constant 12 : i32
      %get3A_408 = arith.index_cast %get3A_406 : i32 to index
      %get3A_409 = arith.index_cast %while3A_308 : i32 to index
      %get3A_410 = arith.index_cast %get3A_407 : i32 to index
      %get3A_411 = arith.constant 0 : index
      %get3A_412 = tpu.vector_load %arg8[%get3A_408, %get3A_409, %get3A_410, %get3A_411] {strides = array<i32>} : memref<2x13x16x16xf32, #tpu.memory_space<vmem>>, vector<16xf32>,
      %add3A_413 = arith.addf %add3A_405, %get3A_412 : vector<16xf32>
      %get3A_414 = arith.constant 1 : i32
      %get3A_415 = arith.constant 13 : i32
      %get3A_416 = arith.index_cast %get3A_414 : i32 to index
      %get3A_417 = arith.index_cast %while3A_308 : i32 to index
      %get3A_418 = arith.index_cast %get3A_415 : i32 to index
      %get3A_419 = arith.constant 0 : index
      %get3A_420 = tpu.vector_load %arg8[%get3A_416, %get3A_417, %get3A_418, %get3A_419] {strides = array<i32>} : memref<2x13x16x16xf32, #tpu.memory_space<vmem>>, vector<16xf32>,
      %add3A_421 = arith.addf %add3A_413, %get3A_420 : vector<16xf32>
      %get3A_422 = arith.constant 1 : i32
      %get3A_423 = arith.constant 14 : i32
      %get3A_424 = arith.index_cast %get3A_422 : i32 to index
      %get3A_425 = arith.index_cast %while3A_308 : i32 to index
      %get3A_426 = arith.index_cast %get3A_423 : i32 to index
      %get3A_427 = arith.constant 0 : index
      %get3A_428 = tpu.vector_load %arg8[%get3A_424, %get3A_425, %get3A_426, %get3A_427] {strides = array<i32>} : memref<2x13x16x16xf32, #tpu.memory_space<vmem>>, vector<16xf32>,
      %add3A_429 = arith.addf %add3A_421, %get3A_428 : vector<16xf32>
      %get3A_430 = arith.constant 1 : i32
      %get3A_431 = arith.constant 15 : i32
      %get3A_432 = arith.index_cast %get3A_430 : i32 to index
      %get3A_433 = arith.index_cast %while3A_308 : i32 to index
      %get3A_434 = arith.index_cast %get3A_431 : i32 to index
      %get3A_435 = arith.constant 0 : index
      %get3A_436 = tpu.vector_load %arg8[%get3A_432, %get3A_433, %get3A_434, %get3A_435] {strides = array<i32>} : memref<2x13x16x16xf32, #tpu.memory_space<vmem>>, vector<16xf32>,
      %add3A_437 = arith.addf %add3A_429, %get3A_436 : vector<16xf32>
      scf.yield %add3A_437 : vector<16xf32>
    }
    %while3A_285 = arith.constant 1 : i32
    %while3A_286 = scf.for %while3A_308 = %while3A_282 to %while3A_278 step %while3A_285 iter_args(%while3A_309 = %while3A_284) -> (vector<16xf32>)  : i32 {
      %get3A_310 = arith.constant 1 : i32
      %get3A_311 = arith.constant 0 : i32
      %get3A_312 = arith.index_cast %get3A_310 : i32 to index
      %get3A_313 = arith.index_cast %while3A_308 : i32 to index
      %get3A_314 = arith.index_cast %get3A_311 : i32 to index
      %get3A_315 = arith.constant 0 : index
      %get3A_316 = tpu.vector_load %arg8[%get3A_312, %get3A_313, %get3A_314, %get3A_315] {strides = array<i32>} : memref<2x13x16x16xf32, #tpu.memory_space<vmem>>, vector<16xf32>,
      %add3A_317 = arith.addf %while3A_309, %get3A_316 : vector<16xf32>
      %get3A_318 = arith.constant 1 : i32
      %get3A_319 = arith.constant 1 : i32
      %get3A_320 = arith.index_cast %get3A_318 : i32 to index
      %get3A_321 = arith.index_cast %while3A_308 : i32 to index
      %get3A_322 = arith.index_cast %get3A_319 : i32 to index
      %get3A_323 = arith.constant 0 : index
      %get3A_324 = tpu.vector_load %arg8[%get3A_320, %get3A_321, %get3A_322, %get3A_323] {strides = array<i32>} : memref<2x13x16x16xf32, #tpu.memory_space<vmem>>, vector<16xf32>,
      %add3A_325 = arith.addf %add3A_317, %get3A_324 : vector<16xf32>
      %get3A_326 = arith.constant 1 : i32
      %get3A_327 = arith.constant 2 : i32
      %get3A_328 = arith.index_cast %get3A_326 : i32 to index
      %get3A_329 = arith.index_cast %while3A_308 : i32 to index
      %get3A_330 = arith.index_cast %get3A_327 : i32 to index
      %get3A_331 = arith.constant 0 : index
      %get3A_332 = tpu.vector_load %arg8[%get3A_328, %get3A_329, %get3A_330, %get3A_331] {strides = array<i32>} : memref<2x13x16x16xf32, #tpu.memory_space<vmem>>, vector<16xf32>,
      %add3A_333 = arith.addf %add3A_325, %get3A_332 : vector<16xf32>
      %get3A_334 = arith.constant 1 : i32
      %get3A_335 = arith.constant 3 : i32
      %get3A_336 = arith.index_cast %get3A_334 : i32 to index
      %get3A_337 = arith.index_cast %while3A_308 : i32 to index
      %get3A_338 = arith.index_cast %get3A_335 : i32 to index
      %get3A_339 = arith.constant 0 : index
      %get3A_340 = tpu.vector_load %arg8[%get3A_336, %get3A_337, %get3A_338, %get3A_339] {strides = array<i32>} : memref<2x13x16x16xf32, #tpu.memory_space<vmem>>, vector<16xf32>,
      %add3A_341 = arith.addf %add3A_333, %get3A_340 : vector<16xf32>
      %get3A_342 = arith.constant 1 : i32
      %get3A_343 = arith.constant 4 : i32
      %get3A_344 = arith.index_cast %get3A_342 : i32 to index
      %get3A_345 = arith.index_cast %while3A_308 : i32 to index
      %get3A_346 = arith.index_cast %get3A_343 : i32 to index
      %get3A_347 = arith.constant 0 : index
      %get3A_348 = tpu.vector_load %arg8[%get3A_344, %get3A_345, %get3A_346, %get3A_347] {strides = array<i32>} : memref<2x13x16x16xf32, #tpu.memory_space<vmem>>, vector<16xf32>,
      %add3A_349 = arith.addf %add3A_341, %get3A_348 : vector<16xf32>
      %get3A_350 = arith.constant 1 : i32
      %get3A_351 = arith.constant 5 : i32
      %get3A_352 = arith.index_cast %get3A_350 : i32 to index
      %get3A_353 = arith.index_cast %while3A_308 : i32 to index
      %get3A_354 = arith.index_cast %get3A_351 : i32 to index
      %get3A_355 = arith.constant 0 : index
      %get3A_356 = tpu.vector_load %arg8[%get3A_352, %get3A_353, %get3A_354, %get3A_355] {strides = array<i32>} : memref<2x13x16x16xf32, #tpu.memory_space<vmem>>, vector<16xf32>,
      %add3A_357 = arith.addf %add3A_349, %get3A_356 : vector<16xf32>
      %get3A_358 = arith.constant 1 : i32
      %get3A_359 = arith.constant 6 : i32
      %get3A_360 = arith.index_cast %get3A_358 : i32 to index
      %get3A_361 = arith.index_cast %while3A_308 : i32 to index
      %get3A_362 = arith.index_cast %get3A_359 : i32 to index
      %get3A_363 = arith.constant 0 : index
      %get3A_364 = tpu.vector_load %arg8[%get3A_360, %get3A_361, %get3A_362, %get3A_363] {strides = array<i32>} : memref<2x13x16x16xf32, #tpu.memory_space<vmem>>, vector<16xf32>,
      %add3A_365 = arith.addf %add3A_357, %get3A_364 : vector<16xf32>
      %get3A_366 = arith.constant 1 : i32
      %get3A_367 = arith.constant 7 : i32
      %get3A_368 = arith.index_cast %get3A_366 : i32 to index
      %get3A_369 = arith.index_cast %while3A_308 : i32 to index
      %get3A_370 = arith.index_cast %get3A_367 : i32 to index
      %get3A_371 = arith.constant 0 : index
      %get3A_372 = tpu.vector_load %arg8[%get3A_368, %get3A_369, %get3A_370, %get3A_371] {strides = array<i32>} : memref<2x13x16x16xf32, #tpu.memory_space<vmem>>, vector<16xf32>,
      %add3A_373 = arith.addf %add3A_365, %get3A_372 : vector<16xf32>
      %get3A_374 = arith.constant 1 : i32
      %get3A_375 = arith.constant 8 : i32
      %get3A_376 = arith.index_cast %get3A_374 : i32 to index
      %get3A_377 = arith.index_cast %while3A_308 : i32 to index
      %get3A_378 = arith.index_cast %get3A_375 : i32 to index
      %get3A_379 = arith.constant 0 : index
      %get3A_380 = tpu.vector_load %arg8[%get3A_376, %get3A_377, %get3A_378, %get3A_379] {strides = array<i32>} : memref<2x13x16x16xf32, #tpu.memory_space<vmem>>, vector<16xf32>,
      %add3A_381 = arith.addf %add3A_373, %get3A_380 : vector<16xf32>
      %get3A_382 = arith.constant 1 : i32
      %get3A_383 = arith.constant 9 : i32
      %get3A_384 = arith.index_cast %get3A_382 : i32 to index
      %get3A_385 = arith.index_cast %while3A_308 : i32 to index
      %get3A_386 = arith.index_cast %get3A_383 : i32 to index
      %get3A_387 = arith.constant 0 : index
      %get3A_388 = tpu.vector_load %arg8[%get3A_384, %get3A_385, %get3A_386, %get3A_387] {strides = array<i32>} : memref<2x13x16x16xf32, #tpu.memory_space<vmem>>, vector<16xf32>,
      %add3A_389 = arith.addf %add3A_381, %get3A_388 : vector<16xf32>
      %get3A_390 = arith.constant 1 : i32
      %get3A_391 = arith.constant 10 : i32
      %get3A_392 = arith.index_cast %get3A_390 : i32 to index
      %get3A_393 = arith.index_cast %while3A_308 : i32 to index
      %get3A_394 = arith.index_cast %get3A_391 : i32 to index
      %get3A_395 = arith.constant 0 : index
      %get3A_396 = tpu.vector_load %arg8[%get3A_392, %get3A_393, %get3A_394, %get3A_395] {strides = array<i32>} : memref<2x13x16x16xf32, #tpu.memory_space<vmem>>, vector<16xf32>,
      %add3A_397 = arith.addf %add3A_389, %get3A_396 : vector<16xf32>
      %get3A_398 = arith.constant 1 : i32
      %get3A_399 = arith.constant 11 : i32
      %get3A_400 = arith.index_cast %get3A_398 : i32 to index
      %get3A_401 = arith.index_cast %while3A_308 : i32 to index
      %get3A_402 = arith.index_cast %get3A_399 : i32 to index
      %get3A_403 = arith.constant 0 : index
      %get3A_404 = tpu.vector_load %arg8[%get3A_400, %get3A_401, %get3A_402, %get3A_403] {strides = array<i32>} : memref<2x13x16x16xf32, #tpu.memory_space<vmem>>, vector<16xf32>,
      %add3A_405 = arith.addf %add3A_397, %get3A_404 : vector<16xf32>
      %get3A_406 = arith.constant 1 : i32
      %get3A_407 = arith.constant 12 : i32
      %get3A_408 = arith.index_cast %get3A_406 : i32 to index
      %get3A_409 = arith.index_cast %while3A_308 : i32 to index
      %get3A_410 = arith.index_cast %get3A_407 : i32 to index
      %get3A_411 = arith.constant 0 : index
      %get3A_412 = tpu.vector_load %arg8[%get3A_408, %get3A_409, %get3A_410, %get3A_411] {strides = array<i32>} : memref<2x13x16x16xf32, #tpu.memory_space<vmem>>, vector<16xf32>,
      %add3A_413 = arith.addf %add3A_405, %get3A_412 : vector<16xf32>
      %get3A_414 = arith.constant 1 : i32
      %get3A_415 = arith.constant 13 : i32
      %get3A_416 = arith.index_cast %get3A_414 : i32 to index
      %get3A_417 = arith.index_cast %while3A_308 : i32 to index
      %get3A_418 = arith.index_cast %get3A_415 : i32 to index
      %get3A_419 = arith.constant 0 : index
      %get3A_420 = tpu.vector_load %arg8[%get3A_416, %get3A_417, %get3A_418, %get3A_419] {strides = array<i32>} : memref<2x13x16x16xf32, #tpu.memory_space<vmem>>, vector<16xf32>,
      %add3A_421 = arith.addf %add3A_413, %get3A_420 : vector<16xf32>
      %get3A_422 = arith.constant 1 : i32
      %get3A_423 = arith.constant 14 : i32
      %get3A_424 = arith.index_cast %get3A_422 : i32 to index
      %get3A_425 = arith.index_cast %while3A_308 : i32 to index
      %get3A_426 = arith.index_cast %get3A_423 : i32 to index
      %get3A_427 = arith.constant 0 : index
      %get3A_428 = tpu.vector_load %arg8[%get3A_424, %get3A_425, %get3A_426, %get3A_427] {strides = array<i32>} : memref<2x13x16x16xf32, #tpu.memory_space<vmem>>, vector<16xf32>,
      %add3A_429 = arith.addf %add3A_421, %get3A_428 : vector<16xf32>
      %get3A_430 = arith.constant 1 : i32
      %get3A_431 = arith.constant 15 : i32
      %get3A_432 = arith.index_cast %get3A_430 : i32 to index
      %get3A_433 = arith.index_cast %while3A_308 : i32 to index
      %get3A_434 = arith.index_cast %get3A_431 : i32 to index
      %get3A_435 = arith.constant 0 : index
      %get3A_436 = tpu.vector_load %arg8[%get3A_432, %get3A_433, %get3A_434, %get3A_435] {strides = array<i32>} : memref<2x13x16x16xf32, #tpu.memory_space<vmem>>, vector<16xf32>,
      %add3A_437 = arith.addf %add3A_429, %get3A_436 : vector<16xf32>
      scf.yield %add3A_437 : vector<16xf32>
    }
    %while3A_287 = arith.constant 0 : i32
    %while3A_288 = arith.subi %sub3A_275, %while3A_287 : i32
    %while3A_289 = arith.addi %while3A_287, %while3A_288 : i32
    %while3A_290 = arith.constant 1 : i32
    %while3A_291 = arith.divsi %while3A_288, %while3A_290 : i32
    %while3A_292 = arith.muli %while3A_291, %while3A_290 : i32
    %while3A_293 = arith.addi %while3A_287, %while3A_292 : i32
    %while3A_294 = arith.constant 1 : i32
    %while3A_295 = scf.for %while3A_308 = %while3A_287 to %while3A_293 step %while3A_294 iter_args(%while3A_309 = %while3A_286) -> (vector<16xf32>)  : i32 {
      %add3A_310 = arith.addi %select_n3A_272, %while3A_308 : i32
      %get3A_311 = arith.constant 1 : i32
      %get3A_312 = arith.index_cast %get3A_311 : i32 to index
      %get3A_313 = arith.index_cast %min3A_267 : i32 to index
      %get3A_314 = arith.index_cast %add3A_310 : i32 to index
      %get3A_315 = arith.constant 0 : index
      %get3A_316 = tpu.vector_load %arg8[%get3A_312, %get3A_313, %get3A_314, %get3A_315] {strides = array<i32>} : memref<2x13x16x16xf32, #tpu.memory_space<vmem>>, vector<16xf32>,
      %add3A_317 = arith.addf %while3A_309, %get3A_316 : vector<16xf32>
      scf.yield %add3A_317 : vector<16xf32>
    }
    %while3A_296 = arith.constant 1 : i32
    %while3A_297 = scf.for %while3A_308 = %while3A_293 to %while3A_289 step %while3A_296 iter_args(%while3A_309 = %while3A_295) -> (vector<16xf32>)  : i32 {
      %add3A_310 = arith.addi %select_n3A_272, %while3A_308 : i32
      %get3A_311 = arith.constant 1 : i32
      %get3A_312 = arith.index_cast %get3A_311 : i32 to index
      %get3A_313 = arith.index_cast %min3A_267 : i32 to index
      %get3A_314 = arith.index_cast %add3A_310 : i32 to index
      %get3A_315 = arith.constant 0 : index
      %get3A_316 = tpu.vector_load %arg8[%get3A_312, %get3A_313, %get3A_314, %get3A_315] {strides = array<i32>} : memref<2x13x16x16xf32, #tpu.memory_space<vmem>>, vector<16xf32>,
      %add3A_317 = arith.addf %while3A_309, %get3A_316 : vector<16xf32>
      scf.yield %add3A_317 : vector<16xf32>
    }
    %broadcast_in_dim3A_298 = vector.broadcast %reduce_max3A_66 : i32 to vector<16xi32>
    %max3A_299 = arith.constant 1 : i32
    %max3A_300 = vector.broadcast %max3A_299 : i32 to vector<16xi32>
    %max3A_301 = arith.maxsi %broadcast_in_dim3A_298, %max3A_300 : vector<16xi32>
    %convert_element_type3A_302 = arith.sitofp %max3A_301 : vector<16xi32> to vector<16xf32>
    %div3A_303 = arith.divf %while3A_297, %convert_element_type3A_302 : vector<16xf32>
    %swap3A_304 = arith.constant 127 : i32
    %swap3A_305 = arith.index_cast %swap3A_304 : i32 to index
    %swap3A_306 = arith.constant 0 : index
    %swap3A_307 = tpu.vector_load %arg9[%swap3A_305, %swap3A_306] {strides = array<i32>} : memref<128x16xf32, #tpu.memory_space<vmem>>, vector<16xf32>,
    tpu.vector_store %arg9[%swap3A_305, %swap3A_306], %div3A_303 {strides = array<i32>} : memref<128x16xf32, #tpu.memory_space<vmem>>, vector<16xf32>,
    "tpu.region"() ({
      %run_scoped3A = tpu.sem_alloc : memref<!tpu.dma_semaphore, #tpu.memory_space<semaphore_mem>>
      %dma_start3A = arith.constant 0 : i32
      %dma_start3A_308 = tpu.memref_slice %arg5[%mul3A_2, %dma_start3A] : memref<4096x16xf32, #tpu.memory_space<hbm>> -> memref<128x16xf32, #tpu.memory_space<hbm>>
      %dma_start3A_309 = arith.constant 0 : i32
      %dma_start3A_310 = tpu.memref_slice %arg5[%mul3A_2, %dma_start3A_309] : memref<4096x16xf32, #tpu.memory_space<hbm>> -> memref<128x16xf32, #tpu.memory_space<hbm>>
      tpu.enqueue_dma source(%arg9 : memref<128x16xf32, #tpu.memory_space<vmem>>) target(%dma_start3A_310 : memref<128x16xf32, #tpu.memory_space<hbm>>) target_semaphore(%run_scoped3A : memref<!tpu.dma_semaphore, #tpu.memory_space<semaphore_mem>>)
      %dma_wait3A = arith.constant 0 : i32
      %dma_wait3A_311 = tpu.memref_slice %arg5[%mul3A_2, %dma_wait3A] : memref<4096x16xf32, #tpu.memory_space<hbm>> -> memref<128x16xf32, #tpu.memory_space<hbm>>
      %dma_wait3A_312 = arith.constant 0 : i32
      %dma_wait3A_313 = tpu.memref_slice %arg5[%mul3A_2, %dma_wait3A_312] : memref<4096x16xf32, #tpu.memory_space<hbm>> -> memref<128x16xf32, #tpu.memory_space<hbm>>
      tpu.wait_dma2 semaphore(%run_scoped3A : memref<!tpu.dma_semaphore, #tpu.memory_space<semaphore_mem>>) src(%arg9 : memref<128x16xf32, #tpu.memory_space<vmem>>) dst(%dma_wait3A_313 : memref<128x16xf32, #tpu.memory_space<hbm>>)
      tpu.yield
    }) : () -> ()
    return
  }
}

module attributes {stable_mosaic.version = 14 : i64} {
  func.func @_proj_body(%arg0: i32, %arg1: memref<64x32768xf32, #tpu.memory_space<vmem>>, %arg2: memref<64x1024xf32, #tpu.memory_space<vmem>>, %arg3: memref<4096x128xf32, #tpu.memory_space<vmem>>) attributes {dimension_semantics = [#tpu.dimension_semantics<arbitrary>], iteration_bounds = array<i64: 31>, scalar_prefetch = 0 : i64, scratch_operands = 0 : i64, tpu.core_type = #tpu.core_type<tc>, window_params = [{transform_indices = @transform_0, window_bounds = array<i64: 64, 32768>}, {pipeline_mode = #tpu.pipeline_mode<synchronous>, transform_indices = @transform_1, window_bounds = array<i64: 64, 1024>}, {transform_indices = @transform_2, window_bounds = array<i64: 4096, 128>}]} {
    %get3A = arith.constant 0 : index
    %get3A_0 = arith.constant 0 : index
    %get3A_1 = vector.load %arg1[%get3A, %get3A_0] : memref<64x32768xf32, #tpu.memory_space<vmem>>, vector<64x4096xf32>
    %get3A_2 = arith.constant 0 : index
    %get3A_3 = arith.constant 0 : index
    %get3A_4 = vector.load %arg2[%get3A_2, %get3A_3] : memref<64x1024xf32, #tpu.memory_space<vmem>>, vector<64x128xf32>
    %dot_general3A = arith.constant dense<0.000000e+00> : vector<4096x128xf32>
    %dot_general3A_5 = tpu.matmul %get3A_1, %get3A_4, %dot_general3A {dimension_numbers = #tpu.dot_dimension_numbers<[0], [0], [1], [1], [0, 1, 1, 1], [], []>, transpose_lhs_hint = true} : vector<64x4096xf32>, vector<64x128xf32>, vector<4096x128xf32> -> vector<4096x128xf32>
    %get3A_6 = arith.constant 0 : index
    %get3A_7 = arith.constant 4096 : index
    %get3A_8 = vector.load %arg1[%get3A_6, %get3A_7] : memref<64x32768xf32, #tpu.memory_space<vmem>>, vector<64x4096xf32>
    %get3A_9 = arith.constant 0 : index
    %get3A_10 = arith.constant 128 : index
    %get3A_11 = vector.load %arg2[%get3A_9, %get3A_10] : memref<64x1024xf32, #tpu.memory_space<vmem>>, vector<64x128xf32>
    %dot_general3A_12 = arith.constant dense<0.000000e+00> : vector<4096x128xf32>
    %dot_general3A_13 = tpu.matmul %get3A_8, %get3A_11, %dot_general3A_12 {dimension_numbers = #tpu.dot_dimension_numbers<[0], [0], [1], [1], [0, 1, 1, 1], [], []>, transpose_lhs_hint = true} : vector<64x4096xf32>, vector<64x128xf32>, vector<4096x128xf32> -> vector<4096x128xf32>
    %get3A_14 = arith.constant 0 : index
    %get3A_15 = arith.constant 8192 : index
    %get3A_16 = vector.load %arg1[%get3A_14, %get3A_15] : memref<64x32768xf32, #tpu.memory_space<vmem>>, vector<64x4096xf32>
    %get3A_17 = arith.constant 0 : index
    %get3A_18 = arith.constant 256 : index
    %get3A_19 = vector.load %arg2[%get3A_17, %get3A_18] : memref<64x1024xf32, #tpu.memory_space<vmem>>, vector<64x128xf32>
    %dot_general3A_20 = arith.constant dense<0.000000e+00> : vector<4096x128xf32>
    %dot_general3A_21 = tpu.matmul %get3A_16, %get3A_19, %dot_general3A_20 {dimension_numbers = #tpu.dot_dimension_numbers<[0], [0], [1], [1], [0, 1, 1, 1], [], []>, transpose_lhs_hint = true} : vector<64x4096xf32>, vector<64x128xf32>, vector<4096x128xf32> -> vector<4096x128xf32>
    %get3A_22 = arith.constant 0 : index
    %get3A_23 = arith.constant 12288 : index
    %get3A_24 = vector.load %arg1[%get3A_22, %get3A_23] : memref<64x32768xf32, #tpu.memory_space<vmem>>, vector<64x4096xf32>
    %get3A_25 = arith.constant 0 : index
    %get3A_26 = arith.constant 384 : index
    %get3A_27 = vector.load %arg2[%get3A_25, %get3A_26] : memref<64x1024xf32, #tpu.memory_space<vmem>>, vector<64x128xf32>
    %dot_general3A_28 = arith.constant dense<0.000000e+00> : vector<4096x128xf32>
    %dot_general3A_29 = tpu.matmul %get3A_24, %get3A_27, %dot_general3A_28 {dimension_numbers = #tpu.dot_dimension_numbers<[0], [0], [1], [1], [0, 1, 1, 1], [], []>, transpose_lhs_hint = true} : vector<64x4096xf32>, vector<64x128xf32>, vector<4096x128xf32> -> vector<4096x128xf32>
    %get3A_30 = arith.constant 0 : index
    %get3A_31 = arith.constant 16384 : index
    %get3A_32 = vector.load %arg1[%get3A_30, %get3A_31] : memref<64x32768xf32, #tpu.memory_space<vmem>>, vector<64x4096xf32>
    %get3A_33 = arith.constant 0 : index
    %get3A_34 = arith.constant 512 : index
    %get3A_35 = vector.load %arg2[%get3A_33, %get3A_34] : memref<64x1024xf32, #tpu.memory_space<vmem>>, vector<64x128xf32>
    %dot_general3A_36 = arith.constant dense<0.000000e+00> : vector<4096x128xf32>
    %dot_general3A_37 = tpu.matmul %get3A_32, %get3A_35, %dot_general3A_36 {dimension_numbers = #tpu.dot_dimension_numbers<[0], [0], [1], [1], [0, 1, 1, 1], [], []>, transpose_lhs_hint = true} : vector<64x4096xf32>, vector<64x128xf32>, vector<4096x128xf32> -> vector<4096x128xf32>
    %get3A_38 = arith.constant 0 : index
    %get3A_39 = arith.constant 20480 : index
    %get3A_40 = vector.load %arg1[%get3A_38, %get3A_39] : memref<64x32768xf32, #tpu.memory_space<vmem>>, vector<64x4096xf32>
    %get3A_41 = arith.constant 0 : index
    %get3A_42 = arith.constant 640 : index
    %get3A_43 = vector.load %arg2[%get3A_41, %get3A_42] : memref<64x1024xf32, #tpu.memory_space<vmem>>, vector<64x128xf32>
    %dot_general3A_44 = arith.constant dense<0.000000e+00> : vector<4096x128xf32>
    %dot_general3A_45 = tpu.matmul %get3A_40, %get3A_43, %dot_general3A_44 {dimension_numbers = #tpu.dot_dimension_numbers<[0], [0], [1], [1], [0, 1, 1, 1], [], []>, transpose_lhs_hint = true} : vector<64x4096xf32>, vector<64x128xf32>, vector<4096x128xf32> -> vector<4096x128xf32>
    %get3A_46 = arith.constant 0 : index
    %get3A_47 = arith.constant 24576 : index
    %get3A_48 = vector.load %arg1[%get3A_46, %get3A_47] : memref<64x32768xf32, #tpu.memory_space<vmem>>, vector<64x4096xf32>
    %get3A_49 = arith.constant 0 : index
    %get3A_50 = arith.constant 768 : index
    %get3A_51 = vector.load %arg2[%get3A_49, %get3A_50] : memref<64x1024xf32, #tpu.memory_space<vmem>>, vector<64x128xf32>
    %dot_general3A_52 = arith.constant dense<0.000000e+00> : vector<4096x128xf32>
    %dot_general3A_53 = tpu.matmul %get3A_48, %get3A_51, %dot_general3A_52 {dimension_numbers = #tpu.dot_dimension_numbers<[0], [0], [1], [1], [0, 1, 1, 1], [], []>, transpose_lhs_hint = true} : vector<64x4096xf32>, vector<64x128xf32>, vector<4096x128xf32> -> vector<4096x128xf32>
    %get3A_54 = arith.constant 0 : index
    %get3A_55 = arith.constant 28672 : index
    %get3A_56 = vector.load %arg1[%get3A_54, %get3A_55] : memref<64x32768xf32, #tpu.memory_space<vmem>>, vector<64x4096xf32>
    %get3A_57 = arith.constant 0 : index
    %get3A_58 = arith.constant 896 : index
    %get3A_59 = vector.load %arg2[%get3A_57, %get3A_58] : memref<64x1024xf32, #tpu.memory_space<vmem>>, vector<64x128xf32>
    %dot_general3A_60 = arith.constant dense<0.000000e+00> : vector<4096x128xf32>
    %dot_general3A_61 = tpu.matmul %get3A_56, %get3A_59, %dot_general3A_60 {dimension_numbers = #tpu.dot_dimension_numbers<[0], [0], [1], [1], [0, 1, 1, 1], [], []>, transpose_lhs_hint = true} : vector<64x4096xf32>, vector<64x128xf32>, vector<4096x128xf32> -> vector<4096x128xf32>
    %add3A = arith.addf %dot_general3A_5, %dot_general3A_13 : vector<4096x128xf32>
    %add3A_62 = arith.addf %dot_general3A_21, %dot_general3A_29 : vector<4096x128xf32>
    %add3A_63 = arith.addf %dot_general3A_37, %dot_general3A_45 : vector<4096x128xf32>
    %add3A_64 = arith.addf %dot_general3A_53, %dot_general3A_61 : vector<4096x128xf32>
    %add3A_65 = arith.addf %add3A, %add3A_62 : vector<4096x128xf32>
    %add3A_66 = arith.addf %add3A_63, %add3A_64 : vector<4096x128xf32>
    %add3A_67 = arith.addf %add3A_65, %add3A_66 : vector<4096x128xf32>
    %swap3A = arith.constant 0 : index
    %swap3A_68 = arith.constant 0 : index
    %swap3A_69 = vector.load %arg3[%swap3A, %swap3A_68] : memref<4096x128xf32, #tpu.memory_space<vmem>>, vector<4096x128xf32>
    tpu.vector_store %arg3[%swap3A, %swap3A_68], %add3A_67 {strides = array<i32>} : memref<4096x128xf32, #tpu.memory_space<vmem>>, vector<4096x128xf32>,
    return
  }
  func.func @transform_0(%arg0: i32) -> (i32, i32) {
    %c0_i32 = arith.constant 0 : i32
    %c0_i32_0 = arith.constant 0 : i32
    return %c0_i32, %arg0 : i32, i32
  }
  func.func @transform_1(%arg0: i32) -> (i32, i32) {
    %c0_i32 = arith.constant 0 : i32
    %c0_i32_0 = arith.constant 0 : i32
    %c0_i32_1 = arith.constant 0 : i32
    return %c0_i32, %c0_i32_0 : i32, i32
  }
  func.func @transform_2(%arg0: i32) -> (i32, i32) {
    %c0_i32 = arith.constant 0 : i32
    %c0_i32_0 = arith.constant 0 : i32
    return %arg0, %c0_i32 : i32, i32
  }
}

module attributes {stable_mosaic.version = 14 : i64} {
  func.func @_head_body(%arg0: memref<4096x16xf32, #tpu.memory_space<vmem>>, %arg1: memref<1x16xf32, #tpu.memory_space<vmem>>, %arg2: memref<4096x16xf32, #tpu.memory_space<vmem>>) attributes {dimension_semantics = [], scalar_prefetch = 0 : i64, scratch_operands = 0 : i64, tpu.core_type = #tpu.core_type<tc>} {
    %get3A = arith.constant 0 : index
    %get3A_0 = arith.constant 0 : index
    %get3A_1 = vector.load %arg0[%get3A, %get3A_0] : memref<4096x16xf32, #tpu.memory_space<vmem>>, vector<4096x16xf32>
    %get3A_2 = arith.constant 0 : index
    %get3A_3 = arith.constant 0 : index
    %get3A_4 = vector.load %arg1[%get3A_2, %get3A_3] : memref<1x16xf32, #tpu.memory_space<vmem>>, vector<1x16xf32>
    %add3A = vector.broadcast %get3A_4 : vector<1x16xf32> to vector<4096x16xf32>
    %add3A_5 = arith.addf %get3A_1, %add3A : vector<4096x16xf32>
    %iota3A = tpu.iota {dimensions = array<i32: 1>} : vector<4096x16xi32>
    %lt3A = arith.constant 10 : i32
    %lt3A_6 = vector.broadcast %lt3A : i32 to vector<4096x16xi32>
    %lt3A_7 = arith.cmpi slt, %iota3A, %lt3A_6 : vector<4096x16xi32>
    %jit3A = arith.constant -1.000000e+30 : f32
    %broadcast_in_dim3A = vector.broadcast %jit3A : f32 to vector<4096x16xf32>
    %select_n3A = arith.select %lt3A_7, %add3A_5, %broadcast_in_dim3A : vector<4096x16xi1>, vector<4096x16xf32>
    %reduce_max3A = arith.constant dense<0xFF800000> : vector<4096xf32>
    %reduce_max3A_8 = vector.multi_reduction <maximumf>, %select_n3A, %reduce_max3A [1] : vector<4096x16xf32> to vector<4096xf32>
    %broadcast_in_dim3A_9 = vector.shape_cast %reduce_max3A_8 : vector<4096xf32> to vector<4096x1xf32>
    %sub3A = vector.broadcast %broadcast_in_dim3A_9 : vector<4096x1xf32> to vector<4096x16xf32>
    %sub3A_10 = arith.subf %select_n3A, %sub3A : vector<4096x16xf32>
    %exp3A = math.exp %sub3A_10 : vector<4096x16xf32>
    %reduce_sum3A = arith.constant dense<0.000000e+00> : vector<4096xf32>
    %reduce_sum3A_11 = vector.multi_reduction <add>, %exp3A, %reduce_sum3A [1] : vector<4096x16xf32> to vector<4096xf32>
    %broadcast_in_dim3A_12 = vector.shape_cast %reduce_sum3A_11 : vector<4096xf32> to vector<4096x1xf32>
    %log3A = math.log %broadcast_in_dim3A_12 : vector<4096x1xf32>
    %sub3A_13 = vector.broadcast %log3A : vector<4096x1xf32> to vector<4096x16xf32>
    %sub3A_14 = arith.subf %sub3A_10, %sub3A_13 : vector<4096x16xf32>
    %swap3A = arith.constant 0 : index
    %swap3A_15 = arith.constant 0 : index
    %swap3A_16 = vector.load %arg2[%swap3A, %swap3A_15] : memref<4096x16xf32, #tpu.memory_space<vmem>>, vector<4096x16xf32>
    tpu.vector_store %arg2[%swap3A, %swap3A_15], %sub3A_14 {strides = array<i32>} : memref<4096x16xf32, #tpu.memory_space<vmem>>, vector<4096x16xf32>,
    return
  }
}

</mosaic_0001>

<sc_bundles>
// kernel: kernel.5.cloned.1.call-start
scs
__scs_entry_jumppad:
0x0: {  	(pc) =	sbr.rel $0x88, $3  }
0x1: {  	(tag) =	ssettag $0x0;
	lr =	simm.s32 $0x1  }
0x2: {  	[smem:$0x3F9C] =	sst lr;
	_ =	strace $0xD0000000  }
0x3: {  	_ = 	snop  }
0x4: {  	_ = 	snop  }
0x5: {  	_ = 	snop  }
0x6: {  	_ = 	snop  }
0x7: {  	_ = 	snop  }
__scs_overlays_trampoline_lowered:
0x8: {  	[smem:$0x3FAB] =	sst s0  }
0x9: {  	[smem:$0x3FAC] =	sst s1  }
0xa: {  	[smem:$0x3FAD] =	sst s2  }
0xb: {  	[smem:$0x3FAE] =	sst s3  }
0xc: {  	[smem:$0x3FAF] =	sst s4  }
0xd: {  	[smem:$0x3FB0] =	sst s5  }
0xe: {  	[smem:$0x3FB1] =	sst s6  }
0xf: {  	[smem:$0x3FB2] =	sst s7  }
0x10: {  	[smem:$0x3FB3] =	sst s8  }
0x11: {  	[smem:$0x3FB4] =	sst s9;
	s0 =	simm.s32 @!p0 $0x0  }
0x12: {  	s1 =	sld [smem:$0x3F9A];
	s0 =	simm.s32 @p0 $0x1  }
0x13: {  	[smem:$0x3FB5] =	sst s0;
	s0 =	simm.s32 @!p1 $0x0  }
0x14: {  	s2 =	sld [smem:$0x3F99];
	s0 =	simm.s32 @p1 $0x1  }
0x15: {  	[smem:$0x3FB6] =	sst s0;
	s0 =	simm.s32 @!p2 $0x0  }
0x16: {  	s3 =	sld [smem:$0x3FDB];
	s0 =	simm.s32 @p2 $0x1  }
0x17: {  	s4 =	simm.s32 $0x1BF5;
	[smem:$0x3FB8] =	sst s0  }
0x18: {  	s0 =	sld [smem:$0x3F9B];
	_ =	swait.ge [sflag:s4], $0x0  }
0x19: {  	s7 =	sld [smem:$0x3F9C]  }
0x1a: {  	s8 =	sadd.s32 $0xFFFFE003, lr  }
0x1b: {  	s9 =	sadd.s32 $0xFFFFFEF7, lr;
	s5 =	simm.s32 $0xFFFFFFFF;
	p2 =	slt.u32 s8, $0xFFFFF086  }
0x1c: {  	p1 =	slt.u32 s9, $0xF7A;
	s5 =	simm.s32 @!p2 $0x0  }
0x1d: {  	s5 =	simm.s32 @p1 $0x1;
	p0 =	seq.s32 s7, s2  }
0x1e: {  	s7 =	smul.u32 @!p0 $0xF7A, s2;
	p2 =	seq.s32 @!p0 s5, $0x0  }
0x1f: {  	s9 =	smul.u32 $0xF7A, s1;
	s8 =	simm.s32 @!p0 $0x1BF5;
	p2 =	por !p2, p0  }
0x20: {  	[sflag:s8] =	ssyncset.s32 @!p0 $0xFFFFF086;
	s6 =	sadd.s32 @!p0 s3, s7;
	s7 =	simm.s32 @!p0 $0x108  }
0x21: {  	s3 =	sadd.s32 s3, s9;
	s6 =	sadd.s32 @!p0 $0x88, s6;
	s7 =	simm.s32 @p2 $0x1082  }
0x22: {  	[simem:s7], [sflag:s8] =	dma.local @!p0 [hbm:s6], $0xF7A  }
0x23: {  	s9 =	sor.u32 $0xD0000000, s2;
	s6 =	simm.s32 $0x108;
	_ =	swait.ge @!p0 [sflag:s8], $0x0  }
0x24: {  	s3 =	sadd.s32 $0x88, s3;
	s6 =	simm.s32 @!p1 $0x1082;
	[sflag:s4] =	ssyncset.s32 $0xFFFFF086  }
0x25: {  	[simem:s6], [sflag:s4] =	dma.local [hbm:s3], $0xF7A  }
0x26: {  	[smem:$0x3F9C] =	sst s1;
	(tag) =	ssettag s2;
	_ =	strace s9  }
0x27: {  	s1 =	sld [smem:$0x3FAC]  }
0x28: {  	s2 =	sld [smem:$0x3FAD]  }
0x29: {  	s4 =	sld [smem:$0x3FAF]  }
0x2a: {  	p0 =	seq.s32 s5, $0x0;
	s5 =	sld [smem:$0x3FB0]  }
0x2b: {  	s6 =	sld [smem:$0x3FB1]  }
0x2c: {  	s7 =	sld [smem:$0x3FB2]  }
0x2d: {  	s3 =	simm.s32 $0x108;
	s8 =	sld [smem:$0x3FB3]  }
0x2e: {  	s3 =	simm.s32 @!p0 $0x1082;
	s9 =	sld [smem:$0x3FB4]  }
0x2f: {  	lr =	sadd.s32 s0, s3;
	s0 =	sld [smem:$0x3FAB]  }
0x30: {  	s3 =	sld [smem:$0x3FAE]  }
0x31: {  	[smem:$0x3FB7] =	sst s10  }
0x32: {  	s10 =	sld [smem:$0x3FB5];
	_ =	sdelay $0x3  }
0x33: {  	p0 =	seq.s32 s10, $0x1;
	s10 =	sld [smem:$0x3FB7];
	_ =	sdelay $0x3  }
0x34: {  	[smem:$0x3FB7] =	sst s10  }
0x35: {  	s10 =	sld [smem:$0x3FB6];
	_ =	sdelay $0x3  }
0x36: {  	p1 =	seq.s32 s10, $0x1;
	s10 =	sld [smem:$0x3FB7];
	_ =	sdelay $0x3  }
0x37: {  	[smem:$0x3FB7] =	sst s10  }
0x38: {  	s10 =	sld [smem:$0x3FB8]  }
0x39: {  	_ = 	snop;
	(pc) =	sbr.ind lr, $3  }
0x3a: {  	_ = 	snop  }
0x3b: {  	_ = 	snop  }
0x3c: {  	p2 =	seq.s32 s10, $0x1;
	s10 =	sld [smem:$0x3FB7]  }
0x3d: {  	_ =	shalt  }
0x3e: {  	_ =	shalt  }
0x3f: {  	_ =	shalt  }
0x40: {  	_ =	shalt  }
0x41: {  	_ =	shalt  }
0x42: {  	_ =	shalt  }
0x43: {  	_ =	shalt  }
0x44: {  	_ =	shalt  }
0x45: {  	_ =	shalt  }
0x46: {  	_ =	shalt  }
0x47: {  	_ =	shalt  }
0x48: {  	_ =	shalt  }
0x49: {  	_ =	shalt  }
0x4a: {  	_ =	shalt  }
0x4b: {  	_ =	shalt  }
0x4c: {  	_ =	shalt  }
0x4d: {  	_ =	shalt  }
0x4e: {  	_ =	shalt  }
0x4f: {  	_ =	shalt  }
0x50: {  	_ =	shalt  }
0x51: {  	_ =	shalt  }
0x52: {  	_ =	shalt  }
0x53: {  	_ =	shalt  }
0x54: {  	_ =	shalt  }
0x55: {  	_ =	shalt  }
0x56: {  	_ =	shalt  }
0x57: {  	_ =	shalt  }
0x58: {  	_ =	shalt  }
0x59: {  	_ =	shalt  }
0x5a: {  	_ =	shalt  }
0x5b: {  	_ =	shalt  }
0x5c: {  	_ =	shalt  }
0x5d: {  	_ =	shalt  }
0x5e: {  	_ =	shalt  }
0x5f: {  	_ =	shalt  }
0x60: {  	_ =	shalt  }
0x61: {  	_ =	shalt  }
0x62: {  	_ =	shalt  }
0x63: {  	_ =	shalt  }
0x64: {  	_ =	shalt  }
0x65: {  	_ =	shalt  }
0x66: {  	_ =	shalt  }
0x67: {  	_ =	shalt  }
0x68: {  	_ =	shalt  }
0x69: {  	_ =	shalt  }
0x6a: {  	_ =	shalt  }
0x6b: {  	_ =	shalt  }
0x6c: {  	_ =	shalt  }
0x6d: {  	_ =	shalt  }
0x6e: {  	_ =	shalt  }
0x6f: {  	_ =	shalt  }
0x70: {  	_ =	shalt  }
0x71: {  	_ =	shalt  }
0x72: {  	_ =	shalt  }
0x73: {  	_ =	shalt  }
0x74: {  	_ =	shalt  }
0x75: {  	_ =	shalt  }
0x76: {  	_ =	shalt  }
0x77: {  	_ =	shalt  }
0x78: {  	_ =	shalt  }
0x79: {  	_ =	shalt  }
0x7a: {  	_ =	shalt  }
0x7b: {  	_ =	shalt  }
0x7c: {  	_ =	shalt  }
0x7d: {  	_ =	shalt  }
0x7e: {  	_ =	shalt  }
0x7f: {  	_ =	shalt  }
0x80: {  	_ =	shalt  }
0x81: {  	_ =	shalt  }
0x82: {  	_ =	shalt  }
0x83: {  	_ =	shalt  }
0x84: {  	_ =	shalt  }
0x85: {  	_ =	shalt  }
0x86: {  	_ =	shalt  }
0x87: {  	_ =	shalt  }
.Lfunc_end0:
.L_simem_size_0:
called_computation_lowered:
.L_overlay_start_0:
0x88: {  	s2 =	sld [smem:$0x3FD9]  }
0x89: {  	s3 =	sld [smem:$0x3FFE];
	_ =	sdelay $0x1  }
0x8a: {  	s1 =	srdreg.scid  }
0x8b: {  	s0 =	sand.u32 $0x1, s1  }
0x8c: {  	s17 =	sshll.u32 s0, $0xA;
	s2 =	sadd.s32 s3, s2  }
0x8d: {  	s2 =	sadd.s32 s2, s17  }
0x8e: {  	[smem:$0x3FC3] =	sst s2  }
0x8f: {  	_ = 	snop  }
0x90: {  	s2 =	sld [smem:$0x3FC8]  }
0x91: {  	s18 =	sld [smem:$0x3FD0];
	(tm) =	ssettm $0x1  }
0x92: {  	s4 =	sld [smem:$0x3FFB];
	_ =	sdelay $0x3  }
0x93: {  	_ =	strace s4  }
0x94: {  	s4 =	sld [smem:$0x3FFC];
	_ =	sdelay $0x3  }
0x95: {  	_ =	strace s4  }
0x96: {  	s4 =	sld [smem:$0x3FFD];
	_ =	sdelay $0x3  }
0x97: {  	_ =	strace s4  }
0x98: {  	_ =	strace $0x8FFFFFFF  }
0x99: {  	s19 =	sld [smem:$0x3FDB];
	_ =	sdelay $0x1  }
0x9a: {  	s5 =	simm.s32 $_scs_section_size  }
0x9b: {  	s6 =	simm.s32 $_size__tile_overlayer_lowered;
	s7 =	simm.s32 $_tile_overlayer_lowered  }
0x9c: {  	s22 =	simm.s32 $0x1BFF;
	s21 =	sshll.u32 s7, $0x1;
	s4 =	sadd.s32 s5, s19  }
0x9d: {  	s8 =	simm.s32 $0x0;
	s20 =	sshll.u32 s6, $0x1;
	s6 =	sadd.s32 s21, s4  }
0x9e: {  	[timem:s8], [sflag:s22] =	dma.local [hbm:s6], s20  }
0x9f: {  	_ =	swait.ge [sflag:s22], s20  }
0xa0: {  	s5 =	ssub.s32 $0x0, s20;
	[sflag:s22] =	ssyncset.done $0x0  }
0xa1: {  	[sflag:s22] =	ssyncadd.s32 s5;
	_ =	sdelay $0x1  }
0xa2: {  	s23 =	simm.s32 $0x1B8B  }
0xa3: {  	_ =	swait.ge [sflag:s23], $0x1  }
0xa4: {  	[sflag:s23] =	ssyncset.done $0x0  }
0xa5: {  	s25 =	simm.s32 $0x1B8E;
	s24 =	sld [smem:$0x3FFE];
	[sflag:s23] =	ssyncadd.s32 $0xFFFFFFFF  }
0xa6: {  	s26 =	simm.s32 $execute0_lowered;
	[smem:$0x3FD2] =	sst s25  }
0xa7: {  	s6 =	sshll.u32 s26, $0x1;
	_ =	strace $0x80000046;
	[dreg:$0x1] =	wrdreg $0xFFFFFFFF  }
0xa8: {  	s28 =	simm.s32 $_size_execute0_lowered;
	s4 =	sadd.s32 s4, s6;
	[dreg:$0x0] =	wrdreg $0x0  }
0xa9: {  	s6 =	sshll.u32 s28, $0x1;
	[dreg:$0x2] =	wrdreg s4  }
0xaa: {  	[dreg:$0x3] =	wrdreg s6  }
0xab: {  	[dreg:$0x4] =	wrdreg $0xC0  }
0xac: {  	_ =	task [dreg:s8], $0x5FFFF  }
0xad: {  	[dreg:$0x1] =	wrdreg $0xFFFFFFFF  }
0xae: {  	[dreg:$0x0] =	wrdreg $0x60  }
0xaf: {  	[dreg:$0x2] =	wrdreg s24  }
0xb0: {  	[dreg:$0x3] =	wrdreg s2  }
0xb1: {  	[dreg:$0x4] =	wrdreg s18  }
0xb2: {  	[dreg:$0x5] =	wrdreg $0x9  }
0xb3: {  	_ =	task.clear_ibuf [dreg:s8], $0x6FFFF;
	_ =	strace $0x90000046  }
0xb4: {  	s29 =	simm.s32 $0x9;
	_ =	strace $0x80000048  }
0xb5: {  	_ =	swait.ge [sflag:s29], $0x1  }
0xb6: {  	[sflag:s29] =	ssyncadd.s32 $0xFFFFFFFF  }
0xb7: {  	_ =	strace $0x90000048  }
0xb8: {  	_ =	sfence  }
0xb9: {  	s30 =	sld [smem:$0x0];
	_ =	sdelay $0x2  }
0xba: {  	s31 =	sshll.u32 s1, $0xD;
	s1 =	sshrl.u32 s1, $0x2  }
0xbb: {  	s3 =	sand.u32 $0x4000, s31;
	s1 =	sadd.s32 s1, s30  }
0xbc: {  	s0 =	sor.u32 s3, s0;
	s1 =	sshll.u32 s1, $0x11  }
0xbd: {  	s0 =	sor.u32 s1, s0  }
0xbe: {  	s0 =	sadd.s32 $0x8F2B, s0  }
0xbf: {  	[sflag:s0] =	ssyncadd.remote.s32 $0x1  }
0xc0: {  	_ =	sfence.sel $0xFFFF  }
0xc1: {  	[dreg:$0x0] =	wrdreg $0xFFFFFFFF;
	(pc) =	sbr.abs _section_cstart, $3  }
0xc2: {  	[dreg:$0x1] =	wrdreg $0xFFFFFFFF  }
0xc3: {  	_ =	task.clear_ibuf [dreg:s8], $0x2FFFF;
	_ =	strace $0x9FFFFFFF  }
0xc4: {  	(tm) =	ssettm $0x7FFFFFFF  }
0xc5: {  	_ =	shalt  }
tec
execute0_lowered:
.L_overlay_start_1:
0x0: {  	(tag) =	ssettag $0x1  }
0x1: {  	s3 =	rddreg [dreg:$0x0]  }
0x2: {  	s1 =	srdreg.scid;
	s5 =	rddreg [dreg:$0x1]  }
0x3: {  	s0 =	stileid.u32;
	s6 =	rddreg [dreg:$0x2]  }
0x4: {  	s2 =	simm.s32 $0x0;
	s10 =	simm.s32 $0x1;
	s11 =	simm.s32 $0x2  }
0x5: {  	s12 =	simm.s32 $0x7E80;
	s4 =	sand.u32 $0x1, s1;
	s1 =	rddreg [dreg:$0x3]  }
0x6: {  	s13 =	simm.s32 $0x0;
	s7 =	sshll.u32 s0, $0x8;
	[smem:$0x7FF] =	sst s2  }
0x7: {  	s8 =	sshll.u32 s4, $0x7;
	s4 =	ssub.s32 $0x2, s4;
	_ =	strace $0x80000047  }
.Ltmp0:
0x8: {  	s7 =	sor.u32 s8, s7;
	s9 =	sshrl.u32 s4, $0x1;
	(pc) =	sbr.rel .LBB2_1-.Ltmp0, $4  }
0x9: {  	s8 =	smul.u32 $0x19, s7;
	s31 =	sshrl.u32 s7, $0x3;
	s7 =	sshll.u32 s7, $0x1  }
0xa: {  	s9 =	ssub.s32 s4, s9;
	s5 =	sadd.s32 s5, s31;
	s6 =	sadd.s32 s6, s7  }
0xb: {  	vm0 =	vmmov $0x1;
	s7 =	smax.u32 s9, $0x1;
	s9 =	simm.s32 $0x6400;
	s8 =	sadd.s32 s8, s3  }
0xc: {  	vm1 =	vmmov $0xffff;
	v0 =	vlaneseq.u32;
	vm2 =	vmmov $0x7fff;
	s3 =	sadd.s32 $0x19400, s3;
	s4 =	sadd.s32 $0x400, s8;
	s8 =	simm.s32 $0x3  }
.LBB2_76:
0xd: {  	v1 =	vadd.f32 v2, v1  }
.LBB2_77:
0xe: {  	v2 =	vmov s14  }
0xf: {  	vm3 =	vgt.s32 v2, $0x1  }
0x10: {  	v2 =	vnsel vm3, $0x1, v2  }
0x11: {  	v2 =	vcvt.s32.f32 v2;
	_ =	sdelay $0x1  }
0x12: {  	v2 =	vbroadcast v2, $0x0;
	_ =	sdelay $0x1  }
0x13: {  	(erf) = vrcp.f32 v2;
	_ =	sdelay $0x8  }
0x14: {  	v2 =	vpop (erf)  }
0x15: {  	s13 =	sadd.s32 $0x1, s13;
	v1 =	vmul.f32 v1, v2  }
0x16: {  	p0 =	sne.s32 s13, s7  }
.Ltmp1:
0x17: {  	[tilespmem:$0x8670] =	vst v1;
	(pc) =	sbr.rel @!p0 .LBB2_78-.Ltmp1, $4  }
0x18: {  	[hbm4b:s6+s2] =	stream.linear.scatter [tilespmem:s12], [sflag:$0x3], $0x800, $0x38;
	[tilespmem:$0x8680] =	vst v63  }
0x19: {  	_ =	swait.ge [sflag:s8], $0x800  }
0x1a: {  	[sflag:s8] =	ssyncset.done $0x0  }
0x1b: {  	[sflag:s8] =	ssyncadd.s32 $0xFFFFF800  }
.LBB2_1:
0x1c: {  	[tilespmem:s2], [sflag:$0x3] =	stream.linear.gather [hbm4b:s4+s2], $0x6400, $0x38;
	[tilespmem:$0x8680] =	vst v63  }
0x1d: {  	_ =	swait.ge [sflag:s8], $0x6400  }
0x1e: {  	[sflag:s8] =	ssyncset.done $0x0  }
0x1f: {  	[sflag:s8] =	ssyncadd.s32 $0xFFFF9C00  }
0x20: {  	[tilespmem:s9], [sflag:$0x3] =	stream.linear.gather [hbm4b:s5+s2], $0x80, $0x38;
	[tilespmem:$0x8680] =	vst v63  }
0x21: {  	_ =	swait.ge [sflag:s8], $0x80  }
0x22: {  	[sflag:s8] =	ssyncset.done $0x0  }
0x23: {  	[sflag:s8] =	ssyncadd.s32 $0xFFFFFF80  }
0x24: {  	v1 =	vld [tilespmem:$0x6400];
	_ =	sdelay $0x4  }
0x25: {  	v1 =	vnsel vm0, $0x0, v1  }
0x26: {  	v1 =	vxor.u32 $0x80000000, v1  }
0x27: {  	(xrf0) =	vmax.scan.msk.u32 $0xffff, v1;
	_ =	sdelay $0x5  }
0x28: {  	v1, _, _ =	vpop (xrf0)  }
0x29: {  	(v2sf) =	vpush v1, $0xF;
	_ =	sdelay $0xe  }
0x2a: {  	s14 =	spop (v2sf)  }
0x2b: {  	s15 =	sadd.s32 $0x8000000F, s14  }
0x2c: {  	s16 =	sand.u32 $0xF, s15  }
0x2d: {  	s31 =	sshra.s32 s15, $0x1F;
	p1 =	slt.s32 s15, $0x1;
	p0 =	sne.s32 s16, $0x0  }
0x2e: {  	s16 =	sshrl.u32 s31, $0x1C;
	p0 =	por !p1, !p0  }
0x2f: {  	s15 =	sadd.s32 s16, s15;
	s16 =	simm.s32 $0x1;
	p0 =	por !p0, !p0  }
0x30: {  	s15 =	sshra.s32 s15, $0x4;
	s16 =	simm.s32 @!p0 $0x0  }
0x31: {  	s16 =	ssub.s32 s15, s16  }
0x32: {  	p0 =	sgt.s32 s16, $0x0  }
.Ltmp2:
0x33: {  	_ = 	snop;
	(pc) =	sbr.rel @!p0 .LBB2_2-.Ltmp2, $2  }
0x34: {  	_ =	sdelay $0x2  }
0x35: {  	s15 =	simm.s32 $0x6480  }
0x36: {  	p1 =	seq.s32 s16, $0x1  }
.Ltmp3:
0x37: {  	_ = 	snop;
	(pc) =	sbr.rel @p1 .LBB2_7-.Ltmp3, $4  }
0x38: {  	_ = 	snop  }
0x39: {  	p0 =	slt.s32 s2, $0xB8;
	s17 =	simm.s32 $0x0  }
0x3a: {  	s17 =	simm.s32 @!p0 $0xB8  }
0x3b: {  	s16 =	sadd.s32 $0xFFFFFFFF, s16;
	p0 =	por $0x0, $0x0;
	v1 =	vld [tilespmem:s17+$0x0]  }
0x3c: {  	_ =	sdelay $0x3  }
0x3d: {  	v2 =	vshll.u32 v1, $0x3  }
0x3e: {  	v3 =	vand.u32 $0xFFFF8000, v1;
	v1 =	vshrl.u32 v1, $0xC;
	v2 =	vand.u32 $0x7FF8, v2  }
0x3f: {  	v1 =	vand.u32 $0x7, v1;
	v2 =	vor.u32 v3, v2  }
0x40: {  	v1 =	vor.u32 v1, v2  }
0x41: {  	p1 =	seq.s32 s16, $0x1  }
.Ltmp4:
0x42: {  	s17 =	sadd.s32 $0x10, s2;
	(pc) =	sbr.rel @p1 .LBB2_9-.Ltmp4, $4  }
0x43: {  	p0 =	slt.s32 s17, $0xB8;
	s18 =	smov.u32 s17  }
0x44: {  	s18 =	simm.s32 @!p0 $0xB8  }
0x45: {  	[tilespmem:s15], [sflag:$0x1] =	stream.indirect_vreg.gather [hbm4b:s3+s2], $0x10, v1, vm1, $0xb8;
	[tilespmem:$0x8680] =	vst v63  }
0x46: {  	p0 =	por $0x1, $0x1;
	v1 =	vld [tilespmem:s18+$0x0];
	s18 =	sadd.s32 $0xFFFFFFFF, s16;
	s16 =	simm.s32 $0x6480  }
.LBB2_10:
0x47: {  	p1 =	seq.s32 s18, $0x1;
	_ =	sdelay $0x3  }
0x48: {  	v2 =	vshll.u32 v1, $0x3  }
0x49: {  	v3 =	vand.u32 $0xFFFF8000, v1;
	v1 =	vshrl.u32 v1, $0xC;
	v2 =	vand.u32 $0x7FF8, v2  }
0x4a: {  	v1 =	vand.u32 $0x7, v1;
	v2 =	vor.u32 v3, v2  }
0x4b: {  	v1 =	vor.u32 v1, v2;
	_ =	sdelay $0x1  }
.Ltmp5:
0x4c: {  	s17 =	sadd.s32 $0x10, s17;
	(pc) =	sbr.rel @!p1 .LBB2_10-.Ltmp5, $4  }
0x4d: {  	p2 =	slt.s32 s17, $0xB8;
	s19 =	smov.u32 s17  }
0x4e: {  	s16 =	sadd.s32 $0x100, s16;
	s19 =	simm.s32 @!p2 $0xB8  }
0x4f: {  	[tilespmem:s16], [sflag:$0x1] =	stream.indirect_vreg.gather [hbm4b:s3+s2], $0x10, v1, vm1, $0xb8;
	[tilespmem:$0x8680] =	vst v63  }
0x50: {  	s18 =	sadd.s32 $0xFFFFFFFF, s18;
	v1 =	vld [tilespmem:s19+$0x0]  }
.LBB2_11:
0x51: {  	_ =	sdelay $0x3  }
0x52: {  	v2 =	vshll.u32 v1, $0x3  }
0x53: {  	v3 =	vand.u32 $0xFFFF8000, v1;
	v1 =	vshrl.u32 v1, $0xC;
	v2 =	vand.u32 $0x7FF8, v2  }
0x54: {  	v1 =	vand.u32 $0x7, v1;
	v2 =	vor.u32 v3, v2  }
0x55: {  	v1 =	vor.u32 v1, v2;
	_ =	sdelay $0x2  }
0x56: {  	s16 =	sadd.s32 @p0 $0x100, s16  }
0x57: {  	s15 =	smov.u32 @p0 s16  }
0x58: {  	[tilespmem:s15], [sflag:$0x1] =	stream.indirect_vreg.gather [hbm4b:s3+s2], $0x10, v1, vm1, $0xb8;
	[tilespmem:$0x8680] =	vst v63  }
.LBB2_2:
.Ltmp6:
0x59: {  	(pc) =	sbr.rel .LBB2_3-.Ltmp6, $2  }
0x5a: {  	_ =	sdelay $0x2  }
0x5b: {  	s17 =	sxor.u32 $0x80000000, s14;
	s15 =	simm.s32 $0x0  }
.LBB2_45:
0x5c: {  	v1 =	vadd.f32 v2, v1  }
.LBB2_46:
0x5d: {  	v2 =	vmov s17  }
0x5e: {  	vm3 =	vgt.s32 v2, $0x1  }
0x5f: {  	v2 =	vnsel vm3, $0x1, v2  }
0x60: {  	v2 =	vcvt.s32.f32 v2;
	_ =	sdelay $0x1  }
0x61: {  	v2 =	vbroadcast v2, $0x0;
	_ =	sdelay $0x1  }
0x62: {  	(erf) = vrcp.f32 v2;
	_ =	sdelay $0x5  }
0x63: {  	s15 =	sadd.s32 $0x1, s15  }
0x64: {  	p3 =	sne.s32 s15, $0x3F  }
.Ltmp7:
0x65: {  	_ = 	snop;
	(pc) =	sbr.rel @!p3 .LBB2_47-.Ltmp7, $4  }
0x66: {  	v2 =	vpop (erf)  }
0x67: {  	s16 =	sshll.u32 s16, $0x4;
	v1 =	vmul.f32 v1, v2  }
0x68: {  	s16 =	sand.u32 $0x3FFFFFF0, s16  }
0x69: {  	s17 =	sxor.u32 $0x80000000, s14;
	[tilespmem:s16+$0x7E80] =	vst v1  }
.LBB2_3:
0x6a: {  	s20 =	sshll.u32 s15, $0x1  }
0x6b: {  	s18 =	sand.u32 $0x70, s20  }
0x6c: {  	v1 =	vld [tilespmem:s18+$0x6400];
	_ =	sdelay $0x1  }
0x6d: {  	s16 =	sshllo.u32 s15, $0x1  }
0x6e: {  	s18 =	ssub.s32 s16, s18  }
0x6f: {  	v2 =	vmov s18  }
0x70: {  	vm3 =	veq.s32 v2, v0;
	v1 =	vxor.u32 $0x80000000, v1  }
0x71: {  	v1 =	vnsel vm3, $0x80000000, v1  }
0x72: {  	(xrf0) =	vmax.scan.msk.u32 $0xffff, v1;
	_ =	sdelay $0x5  }
0x73: {  	v1, _, _ =	vpop (xrf0)  }
0x74: {  	(v2sf) =	vpush v1, $0xF;
	_ =	sdelay $0xe  }
0x75: {  	s18 =	spop (v2sf)  }
0x76: {  	s19 =	sadd.s32 $0x8000000F, s18  }
0x77: {  	s21 =	sand.u32 $0xF, s19  }
0x78: {  	s31 =	sshra.s32 s19, $0x1F;
	p1 =	slt.s32 s19, $0x1;
	p0 =	sne.s32 s21, $0x0  }
0x79: {  	s21 =	sshrl.u32 s31, $0x1C;
	p0 =	por !p1, !p0  }
0x7a: {  	s19 =	sadd.s32 s21, s19;
	s21 =	simm.s32 $0x1;
	p0 =	por !p0, !p0  }
0x7b: {  	s19 =	sshra.s32 s19, $0x4;
	s21 =	simm.s32 @!p0 $0x0  }
0x7c: {  	s19 =	ssub.s32 s19, s21  }
0x7d: {  	p0 =	slt.s32 s19, $0x1  }
.Ltmp8:
0x7e: {  	_ = 	snop;
	(pc) =	sbr.rel @p0 .LBB2_16-.Ltmp8, $1  }
0x7f: {  	_ =	sdelay $0x3  }
0x80: {  	s21 =	smul.u32 $0x320, s16;
	_ =	sdelay $0x1  }
0x81: {  	s21 =	sshra.s32 s21, $0x2  }
0x82: {  	p1 =	sne.s32 s19, $0x1;
	v1 =	vmov s21  }
.Ltmp9:
0x83: {  	_ = 	snop;
	(pc) =	sbr.rel @!p1 .LBB2_5-.Ltmp9, $4  }
0x84: {  	_ = 	snop  }
0x85: {  	s22 =	simm.s32 $0x0;
	p0 =	por $0x1, $0x1  }
0x86: {  	s22 =	simm.s32 @!p0 $0xB8  }
0x87: {  	p0 =	por $0x0, $0x0;
	s21 =	simm.s32 $0x7180;
	v2 =	vld.idx.msk [tilespmem:v1+s22+$0x0 ss:$0x1], $0xffff;
	s22 =	sadd.s32 $0xFFFFFFFF, s19  }
0x88: {  	_ =	sdelay $0x3  }
0x89: {  	v3 =	vshll.u32 v2, $0x3  }
0x8a: {  	v4 =	vand.u32 $0xFFFF8000, v2;
	v2 =	vshrl.u32 v2, $0xC;
	v3 =	vand.u32 $0x7FF8, v3  }
0x8b: {  	v2 =	vand.u32 $0x7, v2;
	v3 =	vor.u32 v4, v3  }
0x8c: {  	v2 =	vor.u32 v2, v3  }
0x8d: {  	p1 =	sne.s32 s22, $0x1  }
.Ltmp10:
0x8e: {  	_ = 	snop;
	(pc) =	sbr.rel @!p1 .LBB2_13-.Ltmp10, $4  }
0x8f: {  	p0 =	por $0x1, $0x1;
	s24 =	simm.s32 $0x10  }
0x90: {  	s23 =	simm.s32 $0x10;
	s24 =	simm.s32 @!p0 $0xB8  }
0x91: {  	[tilespmem:s21], [sflag:$0x2] =	stream.indirect_vreg.gather [hbm4b:s3+s2], $0x10, v2, vm1, $0xb8;
	[tilespmem:$0x8680] =	vst v63  }
0x92: {  	p0 =	por $0x1, $0x1;
	v2 =	vld.idx.msk [tilespmem:v1+s24+$0x0 ss:$0x1], $0xffff;
	s24 =	sadd.s32 $0xFFFFFFFF, s22;
	s22 =	simm.s32 $0x7180  }
.LBB2_14:
0x93: {  	p1 =	sne.s32 s24, $0x1;
	_ =	sdelay $0x4  }
0x94: {  	v3 =	vshll.u32 v2, $0x3  }
0x95: {  	v4 =	vand.u32 $0xFFFF8000, v2;
	v2 =	vshrl.u32 v2, $0xC;
	v3 =	vand.u32 $0x7FF8, v3  }
0x96: {  	v2 =	vand.u32 $0x7, v2;
	v3 =	vor.u32 v4, v3  }
0x97: {  	v2 =	vor.u32 v2, v3;
	_ =	sdelay $0x1  }
.Ltmp11:
0x98: {  	s23 =	sadd.s32 $0x10, s23;
	(pc) =	sbr.rel @p1 .LBB2_14-.Ltmp11, $4  }
0x99: {  	p2 =	slt.s32 s23, $0xB8;
	s25 =	smov.u32 s23  }
0x9a: {  	s22 =	sadd.s32 $0x100, s22;
	s25 =	simm.s32 @!p2 $0xB8  }
0x9b: {  	[tilespmem:s22], [sflag:$0x2] =	stream.indirect_vreg.gather [hbm4b:s3+s2], $0x10, v2, vm1, $0xb8;
	[tilespmem:$0x8680] =	vst v63  }
0x9c: {  	s24 =	sadd.s32 $0xFFFFFFFF, s24;
	v2 =	vld.idx.msk [tilespmem:v1+s25+$0x0 ss:$0x1], $0xffff  }
.LBB2_15:
0x9d: {  	_ =	sdelay $0x3  }
0x9e: {  	v1 =	vshll.u32 v2, $0x3  }
0x9f: {  	v3 =	vand.u32 $0xFFFF8000, v2;
	v2 =	vshrl.u32 v2, $0xC;
	v1 =	vand.u32 $0x7FF8, v1  }
0xa0: {  	v2 =	vand.u32 $0x7, v2;
	v1 =	vor.u32 v3, v1  }
0xa1: {  	v1 =	vor.u32 v2, v1;
	_ =	sdelay $0x2  }
0xa2: {  	s22 =	sadd.s32 @p0 $0x100, s22  }
0xa3: {  	s21 =	smov.u32 @p0 s22  }
0xa4: {  	[tilespmem:s21], [sflag:$0x2] =	stream.indirect_vreg.gather [hbm4b:s3+s2], $0x10, v1, vm1, $0xb8;
	[tilespmem:$0x8680] =	vst v63  }
.LBB2_16:
0xa5: {  	s21 =	sadd.s32 $0x8000000F, s14  }
0xa6: {  	s22 =	sand.u32 $0xF, s21  }
0xa7: {  	s23 =	sshra.s32 s21, $0x1F;
	p0 =	slt.s32 s21, $0x1;
	p1 =	sne.s32 s22, $0x0  }
0xa8: {  	s31 =	sshrl.u32 s23, $0x1C;
	p0 =	por !p0, !p1  }
0xa9: {  	s22 =	simm.s32 $0x1;
	s21 =	sadd.s32 s31, s21;
	p0 =	por !p0, !p0  }
0xaa: {  	s21 =	sshra.s32 s21, $0x4;
	s22 =	simm.s32 @!p0 $0x0  }
0xab: {  	s21 =	ssub.s32 s21, s22  }
0xac: {  	p0 =	slt.s32 s21, $0x1  }
.Ltmp12:
0xad: {  	_ = 	snop;
	(pc) =	sbr.rel @p0 .LBB2_20-.Ltmp12, $1  }
0xae: {  	_ =	sdelay $0x3  }
0xaf: {  	p0 =	sne.s32 s21, $0x1  }
.Ltmp13:
0xb0: {  	_ = 	snop;
	(pc) =	sbr.rel @!p0 .LBB2_19-.Ltmp13, $3  }
0xb1: {  	_ =	sdelay $0x1  }
0xb2: {  	_ =	swait.ge [sflag:s10], $0x100  }
0xb3: {  	s21 =	sadd.s32 $0xFFFFFFFF, s21;
	[sflag:s10] =	ssyncset.done $0x0  }
.LBB2_18:
0xb4: {  	p0 =	sne.s32 s21, $0x1;
	s21 =	sadd.s32 $0xFFFFFFFF, s21;
	[sflag:s10] =	ssyncadd.s32 $0xFFFFFF00  }
.Ltmp14:
0xb5: {  	(pc) =	sbr.rel @p0 .LBB2_18-.Ltmp14, $3  }
0xb6: {  	_ =	sdelay $0x1  }
0xb7: {  	_ =	swait.ge [sflag:s10], $0x100  }
0xb8: {  	[sflag:s10] =	ssyncset.done $0x0  }
.LBB2_19:
0xb9: {  	[sflag:s10] =	ssyncadd.s32 $0xFFFFFF00  }
.LBB2_20:
0xba: {  	s14 =	sand.u32 $0xF, s14  }
0xbb: {  	s21 =	sshra.s32 s17, $0x1F;
	p0 =	slt.s32 s17, $0x1;
	p1 =	sne.s32 s14, $0x0  }
0xbc: {  	s31 =	sshrl.u32 s21, $0x1C;
	p0 =	por !p0, !p1  }
0xbd: {  	s21 =	simm.s32 $0x1;
	s14 =	sadd.s32 s31, s17;
	p0 =	por !p0, !p0  }
0xbe: {  	s14 =	sshra.s32 s14, $0x4;
	s21 =	simm.s32 @!p0 $0x0  }
0xbf: {  	s14 =	ssub.s32 s14, s21  }
0xc0: {  	p1 =	sgt.s32 s14, $0x0  }
.Ltmp15:
0xc1: {  	_ = 	snop;
	(pc) =	sbr.rel @!p1 .LBB2_21-.Ltmp15, $3  }
0xc2: {  	_ =	sdelay $0x1  }
0xc3: {  	p0 =	slt.s32 s14, $0xC  }
0xc4: {  	v1 =	vimm.f32 $0.0e+00;
	s21 =	simm.s32 $0x6500;
	s14 =	simm.s32 @!p0 $0xC  }
0xc5: {  	p1 =	seq.s32 s14, $0x1  }
.Ltmp16:
0xc6: {  	_ = 	snop;
	(pc) =	sbr.rel @p1 .LBB2_29-.Ltmp16, $2  }
0xc7: {  	_ =	sdelay $0x2  }
0xc8: {  	v2 =	vld [tilespmem:s21+$0xFFFFFF80];
	s22 =	sadd.s32 $0xFFFFFFFF, s14;
	p0 =	por $0x0, $0x0  }
0xc9: {  	_ = 	snop  }
0xca: {  	v3 =	vld [tilespmem:s21+$0xFFFFFF90];
	_ =	sdelay $0x1  }
0xcb: {  	v4 =	vld [tilespmem:s21+$0xFFFFFFA0]  }
0xcc: {  	v2 =	vadd.f32 v2, v1  }
0xcd: {  	v5 =	vld [tilespmem:s21+$0xFFFFFFB0]  }
0xce: {  	v2 =	vadd.f32 v3, v2  }
0xcf: {  	v3 =	vld [tilespmem:s21+$0xFFFFFFC0]  }
0xd0: {  	v2 =	vadd.f32 v4, v2  }
0xd1: {  	v4 =	vld [tilespmem:s21+$0xFFFFFFD0]  }
0xd2: {  	v2 =	vadd.f32 v5, v2  }
0xd3: {  	v5 =	vld [tilespmem:s21+$0xFFFFFFE0]  }
0xd4: {  	v2 =	vadd.f32 v3, v2  }
0xd5: {  	v3 =	vld [tilespmem:s21+$0xFFFFFFF0]  }
0xd6: {  	v2 =	vadd.f32 v4, v2  }
0xd7: {  	v4 =	vld [tilespmem:s21+$0x0]  }
0xd8: {  	v2 =	vadd.f32 v5, v2  }
0xd9: {  	v5 =	vld [tilespmem:s21+$0x10]  }
0xda: {  	v2 =	vadd.f32 v3, v2  }
0xdb: {  	v3 =	vld [tilespmem:s21+$0x20]  }
0xdc: {  	v2 =	vadd.f32 v4, v2  }
0xdd: {  	v4 =	vld [tilespmem:s21+$0x30]  }
0xde: {  	v2 =	vadd.f32 v5, v2  }
0xdf: {  	v5 =	vld [tilespmem:s21+$0x40]  }
0xe0: {  	v2 =	vadd.f32 v3, v2  }
0xe1: {  	v6 =	vld [tilespmem:s21+$0x50]  }
0xe2: {  	p1 =	seq.s32 s22, $0x1;
	v2 =	vadd.f32 v4, v2  }
.Ltmp17:
0xe3: {  	v3 =	vld [tilespmem:s21+$0x60];
	(pc) =	sbr.rel @p1 .LBB2_32-.Ltmp17, $4  }
0xe4: {  	v2 =	vadd.f32 v5, v2  }
0xe5: {  	v4 =	vld [tilespmem:s21+$0x70]  }
0xe6: {  	s21 =	sadd.s32 $0x100, s21;
	v5 =	vadd.f32 v6, v2  }
0xe7: {  	s22 =	sadd.s32 $0xFFFFFFFF, s22;
	p0 =	por $0x1, $0x1;
	v2 =	vld [tilespmem:s21+$0xFFFFFF80]  }
.LBB2_31:
0xe8: {  	p1 =	seq.s32 s22, $0x1;
	v3 =	vadd.f32 v3, v5  }
0xe9: {  	v5 =	vld [tilespmem:s21+$0xFFFFFF90]  }
0xea: {  	v3 =	vadd.f32 v4, v3  }
0xeb: {  	v4 =	vld [tilespmem:s21+$0xFFFFFFA0]  }
0xec: {  	v2 =	vadd.f32 v2, v3  }
0xed: {  	v3 =	vld [tilespmem:s21+$0xFFFFFFB0]  }
0xee: {  	v2 =	vadd.f32 v5, v2  }
0xef: {  	v5 =	vld [tilespmem:s21+$0xFFFFFFC0]  }
0xf0: {  	v2 =	vadd.f32 v4, v2  }
0xf1: {  	v4 =	vld [tilespmem:s21+$0xFFFFFFD0]  }
0xf2: {  	v2 =	vadd.f32 v3, v2  }
0xf3: {  	v3 =	vld [tilespmem:s21+$0xFFFFFFE0]  }
0xf4: {  	v2 =	vadd.f32 v5, v2  }
0xf5: {  	v5 =	vld [tilespmem:s21+$0xFFFFFFF0]  }
0xf6: {  	v2 =	vadd.f32 v4, v2  }
0xf7: {  	v4 =	vld [tilespmem:s21+$0x0]  }
0xf8: {  	v2 =	vadd.f32 v3, v2  }
0xf9: {  	v3 =	vld [tilespmem:s21+$0x10]  }
0xfa: {  	v2 =	vadd.f32 v5, v2  }
0xfb: {  	v5 =	vld [tilespmem:s21+$0x20]  }
0xfc: {  	v2 =	vadd.f32 v4, v2  }
0xfd: {  	v4 =	vld [tilespmem:s21+$0x30]  }
0xfe: {  	v2 =	vadd.f32 v3, v2  }
0xff: {  	v6 =	vld [tilespmem:s21+$0x40]  }
0x100: {  	v2 =	vadd.f32 v5, v2  }
0x101: {  	v5 =	vld [tilespmem:s21+$0x50]  }
0x102: {  	v2 =	vadd.f32 v4, v2  }
.Ltmp18:
0x103: {  	v3 =	vld [tilespmem:s21+$0x60];
	(pc) =	sbr.rel @!p1 .LBB2_31-.Ltmp18, $4  }
0x104: {  	v2 =	vadd.f32 v6, v2  }
0x105: {  	v4 =	vld [tilespmem:s21+$0x70]  }
0x106: {  	s21 =	sadd.s32 $0x100, s21;
	v5 =	vadd.f32 v5, v2  }
0x107: {  	s22 =	sadd.s32 $0xFFFFFFFF, s22;
	v2 =	vld [tilespmem:s21+$0xFFFFFF80]  }
.LBB2_32:
0x108: {  	v3 =	vadd.f32 @p0 v3, v5;
	_ =	sdelay $0x1  }
0x109: {  	v58 =	vld [tilespmem:s21+$0xFFFFFF90];
	v3 =	vadd.f32 @p0 v4, v3;
	_ =	sdelay $0x1  }
0x10a: {  	v59 =	vld [tilespmem:s21+$0xFFFFFFA0];
	v1 =	vpsel p0, v3, v1  }
0x10b: {  	v1 =	vadd.f32 v2, v1  }
0x10c: {  	v2 =	vld [tilespmem:s21+$0xFFFFFFB0]  }
0x10d: {  	v1 =	vadd.f32 v58, v1  }
0x10e: {  	v3 =	vld [tilespmem:s21+$0xFFFFFFC0]  }
0x10f: {  	v1 =	vadd.f32 v59, v1  }
0x110: {  	v60 =	vld [tilespmem:s21+$0xFFFFFFD0]  }
0x111: {  	v1 =	vadd.f32 v2, v1  }
0x112: {  	v2 =	vld [tilespmem:s21+$0xFFFFFFE0]  }
0x113: {  	v1 =	vadd.f32 v3, v1  }
0x114: {  	v3 =	vld [tilespmem:s21+$0xFFFFFFF0]  }
0x115: {  	v1 =	vadd.f32 v60, v1  }
0x116: {  	v61 =	vld [tilespmem:s21+$0x0]  }
0x117: {  	v1 =	vadd.f32 v2, v1  }
0x118: {  	v2 =	vld [tilespmem:s21+$0x10]  }
0x119: {  	v1 =	vadd.f32 v3, v1  }
0x11a: {  	v3 =	vld [tilespmem:s21+$0x20]  }
0x11b: {  	v1 =	vadd.f32 v61, v1  }
0x11c: {  	v62 =	vld [tilespmem:s21+$0x30]  }
0x11d: {  	v1 =	vadd.f32 v2, v1  }
0x11e: {  	v2 =	vld [tilespmem:s21+$0x40]  }
0x11f: {  	v1 =	vadd.f32 v3, v1  }
0x120: {  	v3 =	vld [tilespmem:s21+$0x50]  }
0x121: {  	v1 =	vadd.f32 v62, v1  }
0x122: {  	v63 =	vld [tilespmem:s21+$0x60]  }
0x123: {  	v1 =	vadd.f32 v2, v1  }
0x124: {  	v2 =	vld [tilespmem:s21+$0x70]  }
0x125: {  	v1 =	vadd.f32 v3, v1;
	_ =	sdelay $0x1  }
0x126: {  	v1 =	vadd.f32 v63, v1;
	_ =	sdelay $0x1  }
0x127: {  	v1 =	vadd.f32 v2, v1  }
.LBB2_21:
0x128: {  	s21 =	sshll.u32 s14, $0x4  }
0x129: {  	s21 =	ssub.s32 s17, s21  }
0x12a: {  	p0 =	slt.s32 s21, $0x1  }
.Ltmp19:
0x12b: {  	_ = 	snop;
	(pc) =	sbr.rel @p0 .LBB2_25-.Ltmp19, $1  }
0x12c: {  	_ =	sdelay $0x3  }
0x12d: {  	p0 =	sgt.s32 s17, $0xBF;
	s22 =	simm.s32 $0x8  }
0x12e: {  	s22 =	simm.s32 @!p0 $0x0;
	p0 =	sne.s32 s21, $0x1  }
.Ltmp20:
0x12f: {  	s14 =	sshll.u32 s14, $0xA;
	s22 =	sshll.u32 s22, $0x6;
	(pc) =	sbr.rel @!p0 .LBB2_24-.Ltmp20, $4  }
0x130: {  	s14 =	sor.u32 s22, s14  }
0x131: {  	s14 =	sshra.s32 s14, $0x2  }
0x132: {  	s14 =	sadd.s32 $0x6480, s14  }
0x133: {  	s21 =	sadd.s32 $0xFFFFFFFF, s21;
	v2 =	vld [tilespmem:s14+$0x0]  }
.LBB2_23:
0x134: {  	p0 =	sne.s32 s21, $0x1  }
.Ltmp21:
0x135: {  	_ = 	snop;
	(pc) =	sbr.rel @p0 .LBB2_23-.Ltmp21, $3  }
0x136: {  	_ =	sdelay $0x1  }
0x137: {  	s21 =	sadd.s32 $0xFFFFFFFF, s21;
	s14 =	sadd.s32 $0x10, s14;
	v1 =	vadd.f32 v2, v1  }
0x138: {  	v2 =	vld [tilespmem:s14+$0x0]  }
.LBB2_24:
0x139: {  	_ =	sdelay $0x3  }
0x13a: {  	v1 =	vadd.f32 v2, v1  }
.LBB2_25:
0x13b: {  	v2 =	vmov s17  }
0x13c: {  	vm3 =	vgt.s32 v2, $0x1  }
0x13d: {  	v2 =	vnsel vm3, $0x1, v2  }
0x13e: {  	v2 =	vcvt.s32.f32 v2;
	_ =	sdelay $0x1  }
0x13f: {  	v2 =	vbroadcast v2, $0x0;
	_ =	sdelay $0x1  }
0x140: {  	(erf) = vrcp.f32 v2;
	_ =	sdelay $0x8  }
0x141: {  	v2 =	vpop (erf)  }
0x142: {  	s14 =	sshll.u32 s15, $0x5;
	v1 =	vmul.f32 v1, v2  }
0x143: {  	s17 =	sadd.s32 $0x2, s20;
	s14 =	sand.u32 $0x3FFFFFE0, s14  }
0x144: {  	s28 =	sand.u32 $0xF0, s17;
	[tilespmem:s14+$0x7E80] =	vst v1  }
0x145: {  	v1 =	vld [tilespmem:s28+$0x6400];
	_ =	sdelay $0x2  }
0x146: {  	s29 =	sand.u32 $0xE, s17  }
0x147: {  	v2 =	vmov s29  }
0x148: {  	vm3 =	veq.s32 v2, v0;
	v1 =	vxor.u32 $0x80000000, v1  }
0x149: {  	v1 =	vnsel vm3, $0x80000000, v1  }
0x14a: {  	(xrf0) =	vmax.scan.msk.u32 $0xffff, v1;
	_ =	sdelay $0x5  }
0x14b: {  	v1, _, _ =	vpop (xrf0)  }
0x14c: {  	(v2sf) =	vpush v1, $0xF;
	_ =	sdelay $0xe  }
0x14d: {  	s14 =	spop (v2sf)  }
0x14e: {  	s30 =	sadd.s32 $0x8000000F, s14  }
0x14f: {  	s21 =	sand.u32 $0xF, s30  }
0x150: {  	s31 =	sshra.s32 s30, $0x1F;
	p1 =	slt.s32 s30, $0x1;
	p0 =	sne.s32 s21, $0x0  }
0x151: {  	s21 =	sshrl.u32 s31, $0x1C;
	p2 =	por !p1, !p0  }
0x152: {  	s20 =	sadd.s32 s21, s30;
	s21 =	simm.s32 $0x1;
	p2 =	por !p2, !p2  }
0x153: {  	s20 =	sshra.s32 s20, $0x4;
	s21 =	simm.s32 @!p2 $0x0  }
0x154: {  	s21 =	ssub.s32 s20, s21  }
0x155: {  	p2 =	slt.s32 s21, $0x1  }
.Ltmp22:
0x156: {  	_ = 	snop;
	(pc) =	sbr.rel @p2 .LBB2_37-.Ltmp22, $1  }
0x157: {  	_ =	sdelay $0x3  }
0x158: {  	s17 =	smul.u32 $0x320, s17;
	_ =	sdelay $0x1  }
0x159: {  	s23 =	sshra.s32 s17, $0x2  }
0x15a: {  	p4 =	seq.s32 s21, $0x1;
	v1 =	vmov s23  }
.Ltmp23:
0x15b: {  	_ = 	snop;
	(pc) =	sbr.rel @p4 .LBB2_27-.Ltmp23, $4  }
0x15c: {  	_ = 	snop  }
0x15d: {  	s22 =	simm.s32 $0x0;
	p3 =	por $0x1, $0x1  }
0x15e: {  	s22 =	simm.s32 @!p3 $0xB8  }
0x15f: {  	s21 =	sadd.s32 $0xFFFFFFFF, s21;
	p3 =	por $0x0, $0x0;
	s17 =	simm.s32 $0x6480;
	v2 =	vld.idx.msk [tilespmem:v1+s22+$0x0 ss:$0x1], $0xffff  }
0x160: {  	_ =	sdelay $0x3  }
0x161: {  	v3 =	vshll.u32 v2, $0x3  }
0x162: {  	v4 =	vand.u32 $0xFFFF8000, v2;
	v2 =	vshrl.u32 v2, $0xC;
	v3 =	vand.u32 $0x7FF8, v3  }
0x163: {  	v2 =	vand.u32 $0x7, v2;
	v3 =	vor.u32 v4, v3  }
0x164: {  	v2 =	vor.u32 v2, v3  }
0x165: {  	p4 =	seq.s32 s21, $0x1  }
.Ltmp24:
0x166: {  	_ = 	snop;
	(pc) =	sbr.rel @p4 .LBB2_34-.Ltmp24, $4  }
0x167: {  	p3 =	por $0x1, $0x1;
	s23 =	simm.s32 $0x10  }
0x168: {  	s22 =	simm.s32 $0x10;
	s23 =	simm.s32 @!p3 $0xB8  }
0x169: {  	[tilespmem:s17], [sflag:$0x1] =	stream.indirect_vreg.gather [hbm4b:s3+s2], $0x10, v2, vm1, $0xb8;
	[tilespmem:$0x8680] =	vst v63  }
0x16a: {  	p3 =	por $0x1, $0x1;
	v2 =	vld.idx.msk [tilespmem:v1+s23+$0x0 ss:$0x1], $0xffff;
	s23 =	sadd.s32 $0xFFFFFFFF, s21;
	s21 =	simm.s32 $0x6480  }
.LBB2_35:
0x16b: {  	p4 =	seq.s32 s23, $0x1;
	_ =	sdelay $0x4  }
0x16c: {  	v3 =	vshll.u32 v2, $0x3  }
0x16d: {  	v4 =	vand.u32 $0xFFFF8000, v2;
	v2 =	vshrl.u32 v2, $0xC;
	v3 =	vand.u32 $0x7FF8, v3  }
0x16e: {  	v2 =	vand.u32 $0x7, v2;
	v3 =	vor.u32 v4, v3  }
0x16f: {  	v2 =	vor.u32 v2, v3;
	_ =	sdelay $0x1  }
.Ltmp25:
0x170: {  	s22 =	sadd.s32 $0x10, s22;
	(pc) =	sbr.rel @!p4 .LBB2_35-.Ltmp25, $4  }
0x171: {  	p5 =	slt.s32 s22, $0xB8;
	s24 =	smov.u32 s22  }
0x172: {  	s21 =	sadd.s32 $0x100, s21;
	s24 =	simm.s32 @!p5 $0xB8  }
0x173: {  	[tilespmem:s21], [sflag:$0x1] =	stream.indirect_vreg.gather [hbm4b:s3+s2], $0x10, v2, vm1, $0xb8;
	[tilespmem:$0x8680] =	vst v63  }
0x174: {  	s23 =	sadd.s32 $0xFFFFFFFF, s23;
	v2 =	vld.idx.msk [tilespmem:v1+s24+$0x0 ss:$0x1], $0xffff  }
.LBB2_36:
0x175: {  	_ =	sdelay $0x3  }
0x176: {  	v1 =	vshll.u32 v2, $0x3  }
0x177: {  	v3 =	vand.u32 $0xFFFF8000, v2;
	v2 =	vshrl.u32 v2, $0xC;
	v1 =	vand.u32 $0x7FF8, v1  }
0x178: {  	v2 =	vand.u32 $0x7, v2;
	v1 =	vor.u32 v3, v1  }
0x179: {  	v1 =	vor.u32 v2, v1;
	_ =	sdelay $0x2  }
0x17a: {  	s21 =	sadd.s32 @p3 $0x100, s21  }
0x17b: {  	s17 =	smov.u32 @p3 s21  }
0x17c: {  	[tilespmem:s17], [sflag:$0x1] =	stream.indirect_vreg.gather [hbm4b:s3+s2], $0x10, v1, vm1, $0xb8;
	[tilespmem:$0x8680] =	vst v63  }
.LBB2_37:
0x17d: {  	p3 =	sgt.s32 s19, $0x0  }
.Ltmp26:
0x17e: {  	_ = 	snop;
	(pc) =	sbr.rel @!p3 .LBB2_41-.Ltmp26, $1  }
0x17f: {  	_ =	sdelay $0x3  }
0x180: {  	p3 =	sne.s32 s19, $0x1  }
.Ltmp27:
0x181: {  	_ = 	snop;
	(pc) =	sbr.rel @!p3 .LBB2_40-.Ltmp27, $3  }
0x182: {  	_ =	sdelay $0x1  }
0x183: {  	_ =	swait.ge [sflag:s11], $0x100  }
0x184: {  	s17 =	sadd.s32 $0xFFFFFFFF, s19;
	[sflag:s11] =	ssyncset.done $0x0  }
.LBB2_39:
0x185: {  	p3 =	sne.s32 s17, $0x1;
	s17 =	sadd.s32 $0xFFFFFFFF, s17;
	[sflag:s11] =	ssyncadd.s32 $0xFFFFFF00  }
.Ltmp28:
0x186: {  	(pc) =	sbr.rel @p3 .LBB2_39-.Ltmp28, $3  }
0x187: {  	_ =	sdelay $0x1  }
0x188: {  	_ =	swait.ge [sflag:s11], $0x100  }
0x189: {  	[sflag:s11] =	ssyncset.done $0x0  }
.LBB2_40:
0x18a: {  	[sflag:s11] =	ssyncadd.s32 $0xFFFFFF00  }
.LBB2_41:
0x18b: {  	s17 =	sxor.u32 $0x80000000, s18  }
0x18c: {  	p4 =	sgt.s32 s18, $0xFFFFFFFF;
	s30 =	sand.u32 $0xF, s18;
	p3 =	slt.s32 s17, $0x1  }
0x18d: {  	s19 =	sshra.s32 s17, $0x1F;
	p6 =	sne.s32 s30, $0x0;
	p3 =	por p4, p3  }
0x18e: {  	s31 =	sshrl.u32 s19, $0x1C;
	p3 =	por !p6, !p3  }
0x18f: {  	s19 =	simm.s32 $0x1;
	s18 =	sadd.s32 s31, s17;
	p3 =	por !p3, !p3  }
0x190: {  	s18 =	sshra.s32 s18, $0x4;
	s19 =	simm.s32 @!p3 $0x0  }
0x191: {  	s18 =	ssub.s32 s18, s19  }
0x192: {  	p4 =	sgt.s32 s18, $0x0  }
.Ltmp29:
0x193: {  	_ = 	snop;
	(pc) =	sbr.rel @!p4 .LBB2_42-.Ltmp29, $3  }
0x194: {  	_ =	sdelay $0x1  }
0x195: {  	p3 =	slt.s32 s18, $0xC  }
0x196: {  	v1 =	vimm.f32 $0.0e+00;
	s19 =	simm.s32 $0x7270;
	s18 =	simm.s32 @!p3 $0xC  }
0x197: {  	p4 =	seq.s32 s18, $0x1  }
.Ltmp30:
0x198: {  	_ = 	snop;
	(pc) =	sbr.rel @p4 .LBB2_51-.Ltmp30, $2  }
0x199: {  	_ =	sdelay $0x2  }
0x19a: {  	v2 =	vld [tilespmem:s19+$0xFFFFFF10];
	s21 =	sadd.s32 $0xFFFFFFFF, s18;
	p3 =	por $0x0, $0x0  }
0x19b: {  	_ = 	snop  }
0x19c: {  	v3 =	vld [tilespmem:s19+$0xFFFFFF20];
	_ =	sdelay $0x1  }
0x19d: {  	v4 =	vld [tilespmem:s19+$0xFFFFFF30]  }
0x19e: {  	v2 =	vadd.f32 v2, v1  }
0x19f: {  	v5 =	vld [tilespmem:s19+$0xFFFFFF40]  }
0x1a0: {  	v2 =	vadd.f32 v3, v2  }
0x1a1: {  	v3 =	vld [tilespmem:s19+$0xFFFFFF50]  }
0x1a2: {  	v2 =	vadd.f32 v4, v2  }
0x1a3: {  	v4 =	vld [tilespmem:s19+$0xFFFFFF60]  }
0x1a4: {  	v2 =	vadd.f32 v5, v2  }
0x1a5: {  	v5 =	vld [tilespmem:s19+$0xFFFFFF70]  }
0x1a6: {  	v2 =	vadd.f32 v3, v2  }
0x1a7: {  	v3 =	vld [tilespmem:s19+$0xFFFFFF80]  }
0x1a8: {  	v2 =	vadd.f32 v4, v2  }
0x1a9: {  	v4 =	vld [tilespmem:s19+$0xFFFFFF90]  }
0x1aa: {  	v2 =	vadd.f32 v5, v2  }
0x1ab: {  	v5 =	vld [tilespmem:s19+$0xFFFFFFA0]  }
0x1ac: {  	v2 =	vadd.f32 v3, v2  }
0x1ad: {  	v3 =	vld [tilespmem:s19+$0xFFFFFFB0]  }
0x1ae: {  	v2 =	vadd.f32 v4, v2  }
0x1af: {  	v4 =	vld [tilespmem:s19+$0xFFFFFFC0]  }
0x1b0: {  	v2 =	vadd.f32 v5, v2  }
0x1b1: {  	v5 =	vld [tilespmem:s19+$0xFFFFFFD0]  }
0x1b2: {  	v2 =	vadd.f32 v3, v2  }
0x1b3: {  	v6 =	vld [tilespmem:s19+$0xFFFFFFE0]  }
0x1b4: {  	p4 =	seq.s32 s21, $0x1;
	v2 =	vadd.f32 v4, v2  }
.Ltmp31:
0x1b5: {  	v3 =	vld [tilespmem:s19+$0xFFFFFFF0];
	(pc) =	sbr.rel @p4 .LBB2_54-.Ltmp31, $4  }
0x1b6: {  	v2 =	vadd.f32 v5, v2  }
0x1b7: {  	v4 =	vld [tilespmem:s19+$0x0]  }
0x1b8: {  	s19 =	sadd.s32 $0x100, s19;
	v5 =	vadd.f32 v6, v2  }
0x1b9: {  	s21 =	sadd.s32 $0xFFFFFFFF, s21;
	p3 =	por $0x1, $0x1;
	v2 =	vld [tilespmem:s19+$0xFFFFFF10]  }
.LBB2_53:
0x1ba: {  	p4 =	seq.s32 s21, $0x1;
	v3 =	vadd.f32 v3, v5  }
0x1bb: {  	v5 =	vld [tilespmem:s19+$0xFFFFFF20]  }
0x1bc: {  	v3 =	vadd.f32 v4, v3  }
0x1bd: {  	v4 =	vld [tilespmem:s19+$0xFFFFFF30]  }
0x1be: {  	v2 =	vadd.f32 v2, v3  }
0x1bf: {  	v3 =	vld [tilespmem:s19+$0xFFFFFF40]  }
0x1c0: {  	v2 =	vadd.f32 v5, v2  }
0x1c1: {  	v5 =	vld [tilespmem:s19+$0xFFFFFF50]  }
0x1c2: {  	v2 =	vadd.f32 v4, v2  }
0x1c3: {  	v4 =	vld [tilespmem:s19+$0xFFFFFF60]  }
0x1c4: {  	v2 =	vadd.f32 v3, v2  }
0x1c5: {  	v3 =	vld [tilespmem:s19+$0xFFFFFF70]  }
0x1c6: {  	v2 =	vadd.f32 v5, v2  }
0x1c7: {  	v5 =	vld [tilespmem:s19+$0xFFFFFF80]  }
0x1c8: {  	v2 =	vadd.f32 v4, v2  }
0x1c9: {  	v4 =	vld [tilespmem:s19+$0xFFFFFF90]  }
0x1ca: {  	v2 =	vadd.f32 v3, v2  }
0x1cb: {  	v3 =	vld [tilespmem:s19+$0xFFFFFFA0]  }
0x1cc: {  	v2 =	vadd.f32 v5, v2  }
0x1cd: {  	v5 =	vld [tilespmem:s19+$0xFFFFFFB0]  }
0x1ce: {  	v2 =	vadd.f32 v4, v2  }
0x1cf: {  	v4 =	vld [tilespmem:s19+$0xFFFFFFC0]  }
0x1d0: {  	v2 =	vadd.f32 v3, v2  }
0x1d1: {  	v6 =	vld [tilespmem:s19+$0xFFFFFFD0]  }
0x1d2: {  	v2 =	vadd.f32 v5, v2  }
0x1d3: {  	v5 =	vld [tilespmem:s19+$0xFFFFFFE0]  }
0x1d4: {  	v2 =	vadd.f32 v4, v2  }
.Ltmp32:
0x1d5: {  	v3 =	vld [tilespmem:s19+$0xFFFFFFF0];
	(pc) =	sbr.rel @!p4 .LBB2_53-.Ltmp32, $4  }
0x1d6: {  	v2 =	vadd.f32 v6, v2  }
0x1d7: {  	v4 =	vld [tilespmem:s19+$0x0]  }
0x1d8: {  	s19 =	sadd.s32 $0x100, s19;
	v5 =	vadd.f32 v5, v2  }
0x1d9: {  	s21 =	sadd.s32 $0xFFFFFFFF, s21;
	v2 =	vld [tilespmem:s19+$0xFFFFFF10]  }
.LBB2_54:
0x1da: {  	v3 =	vadd.f32 @p3 v3, v5;
	_ =	sdelay $0x1  }
0x1db: {  	v58 =	vld [tilespmem:s19+$0xFFFFFF20];
	v3 =	vadd.f32 @p3 v4, v3;
	_ =	sdelay $0x1  }
0x1dc: {  	v59 =	vld [tilespmem:s19+$0xFFFFFF30];
	v1 =	vpsel p3, v3, v1  }
0x1dd: {  	v1 =	vadd.f32 v2, v1  }
0x1de: {  	v2 =	vld [tilespmem:s19+$0xFFFFFF40]  }
0x1df: {  	v1 =	vadd.f32 v58, v1  }
0x1e0: {  	v3 =	vld [tilespmem:s19+$0xFFFFFF50]  }
0x1e1: {  	v1 =	vadd.f32 v59, v1  }
0x1e2: {  	v60 =	vld [tilespmem:s19+$0xFFFFFF60]  }
0x1e3: {  	v1 =	vadd.f32 v2, v1  }
0x1e4: {  	v2 =	vld [tilespmem:s19+$0xFFFFFF70]  }
0x1e5: {  	v1 =	vadd.f32 v3, v1  }
0x1e6: {  	v3 =	vld [tilespmem:s19+$0xFFFFFF80]  }
0x1e7: {  	v1 =	vadd.f32 v60, v1  }
0x1e8: {  	v61 =	vld [tilespmem:s19+$0xFFFFFF90]  }
0x1e9: {  	v1 =	vadd.f32 v2, v1  }
0x1ea: {  	v2 =	vld [tilespmem:s19+$0xFFFFFFA0]  }
0x1eb: {  	v1 =	vadd.f32 v3, v1  }
0x1ec: {  	v3 =	vld [tilespmem:s19+$0xFFFFFFB0]  }
0x1ed: {  	v1 =	vadd.f32 v61, v1  }
0x1ee: {  	v62 =	vld [tilespmem:s19+$0xFFFFFFC0]  }
0x1ef: {  	v1 =	vadd.f32 v2, v1  }
0x1f0: {  	v2 =	vld [tilespmem:s19+$0xFFFFFFD0]  }
0x1f1: {  	v1 =	vadd.f32 v3, v1  }
0x1f2: {  	v3 =	vld [tilespmem:s19+$0xFFFFFFE0]  }
0x1f3: {  	v1 =	vadd.f32 v62, v1  }
0x1f4: {  	v63 =	vld [tilespmem:s19+$0xFFFFFFF0]  }
0x1f5: {  	v1 =	vadd.f32 v2, v1  }
0x1f6: {  	v2 =	vld [tilespmem:s19+$0x0]  }
0x1f7: {  	v1 =	vadd.f32 v3, v1;
	_ =	sdelay $0x1  }
0x1f8: {  	v1 =	vadd.f32 v63, v1;
	_ =	sdelay $0x1  }
0x1f9: {  	v1 =	vadd.f32 v2, v1  }
.LBB2_42:
0x1fa: {  	s19 =	sshll.u32 s18, $0x4  }
0x1fb: {  	s19 =	ssub.s32 s17, s19  }
0x1fc: {  	p3 =	slt.s32 s19, $0x1  }
.Ltmp33:
0x1fd: {  	_ = 	snop;
	(pc) =	sbr.rel @p3 .LBB2_46-.Ltmp33, $1  }
0x1fe: {  	_ =	sdelay $0x3  }
0x1ff: {  	p3 =	sgt.s32 s17, $0xBF;
	s21 =	simm.s32 $0x8  }
0x200: {  	s21 =	simm.s32 @!p3 $0x0  }
0x201: {  	s18 =	sshll.u32 s18, $0xA;
	s21 =	sshll.u32 s21, $0x6  }
0x202: {  	s18 =	sor.u32 s21, s18  }
0x203: {  	s18 =	sshra.s32 s18, $0x2  }
0x204: {  	p3 =	sne.s32 s19, $0x1;
	s18 =	sadd.s32 $0x7180, s18  }
.Ltmp34:
0x205: {  	v2 =	vld [tilespmem:s18+$0x0];
	(pc) =	sbr.rel @!p3 .LBB2_45-.Ltmp34, $2  }
0x206: {  	_ =	sdelay $0x2  }
0x207: {  	s19 =	sadd.s32 $0xFFFFFFFF, s19  }
.LBB2_44:
0x208: {  	p3 =	sne.s32 s19, $0x1  }
.Ltmp35:
0x209: {  	_ = 	snop;
	(pc) =	sbr.rel @p3 .LBB2_44-.Ltmp35, $3  }
0x20a: {  	_ =	sdelay $0x1  }
0x20b: {  	s19 =	sadd.s32 $0xFFFFFFFF, s19;
	v1 =	vadd.f32 v2, v1;
	s18 =	sadd.s32 $0x10, s18  }
0x20c: {  	v2 =	vld [tilespmem:s18+$0x0]  }
.Ltmp36:
0x20d: {  	_ = 	snop;
	(pc) =	sbr.rel .LBB2_45-.Ltmp36, $1  }
0x20e: {  	_ =	sdelay $0x3  }
.LBB2_5:
.Ltmp37:
0x20f: {  	(pc) =	sbr.rel .LBB2_15-.Ltmp37, $2  }
0x210: {  	_ =	sdelay $0x2  }
0x211: {  	s22 =	simm.s32 $0x7180  }
.LBB2_29:
.Ltmp38:
0x212: {  	(pc) =	sbr.rel .LBB2_32-.Ltmp38, $2  }
0x213: {  	_ =	sdelay $0x2  }
0x214: {  	_ = 	snop  }
.LBB2_27:
.Ltmp39:
0x215: {  	(pc) =	sbr.rel .LBB2_36-.Ltmp39, $2  }
0x216: {  	_ =	sdelay $0x2  }
0x217: {  	s21 =	simm.s32 $0x6480  }
.LBB2_51:
.Ltmp40:
0x218: {  	(pc) =	sbr.rel .LBB2_54-.Ltmp40, $2  }
0x219: {  	_ =	sdelay $0x2  }
0x21a: {  	_ = 	snop  }
.LBB2_13:
.Ltmp41:
0x21b: {  	(pc) =	sbr.rel .LBB2_15-.Ltmp41, $2  }
0x21c: {  	_ =	sdelay $0x2  }
0x21d: {  	s22 =	simm.s32 $0x7180  }
.LBB2_34:
.Ltmp42:
0x21e: {  	(pc) =	sbr.rel .LBB2_36-.Ltmp42, $2  }
0x21f: {  	_ =	sdelay $0x2  }
0x220: {  	s21 =	simm.s32 $0x6480  }
.LBB2_47:
0x221: {  	v1 =	vld [tilespmem:$0x6470];
	_ =	sdelay $0x4  }
0x222: {  	v1 =	vsel vm2, $0x0, v1  }
0x223: {  	v1 =	vxor.u32 $0x80000000, v1  }
0x224: {  	(xrf0) =	vmax.scan.msk.u32 $0xffff, v1;
	_ =	sdelay $0x5  }
0x225: {  	v1, _, _ =	vpop (xrf0)  }
0x226: {  	(v2sf) =	vpush v1, $0xF;
	_ =	sdelay $0xe  }
0x227: {  	s15 =	spop (v2sf)  }
0x228: {  	s16 =	sadd.s32 $0x8000000F, s15  }
0x229: {  	s18 =	sand.u32 $0xF, s16  }
0x22a: {  	s31 =	sshra.s32 s16, $0x1F;
	p4 =	slt.s32 s16, $0x1;
	p3 =	sne.s32 s18, $0x0  }
0x22b: {  	s18 =	sshrl.u32 s31, $0x1C;
	p3 =	por !p4, !p3  }
0x22c: {  	s16 =	sadd.s32 s18, s16;
	s18 =	simm.s32 $0x1;
	p3 =	por !p3, !p3  }
0x22d: {  	s16 =	sshra.s32 s16, $0x4;
	s18 =	simm.s32 @!p3 $0x0  }
0x22e: {  	s16 =	ssub.s32 s16, s18  }
0x22f: {  	p3 =	slt.s32 s16, $0x1  }
.Ltmp43:
0x230: {  	_ = 	snop;
	(pc) =	sbr.rel @p3 .LBB2_59-.Ltmp43, $1  }
0x231: {  	_ =	sdelay $0x3  }
0x232: {  	p5 =	sne.s32 s16, $0x1  }
.Ltmp44:
0x233: {  	_ = 	snop;
	(pc) =	sbr.rel @!p5 .LBB2_49-.Ltmp44, $4  }
0x234: {  	_ = 	snop  }
0x235: {  	s19 =	simm.s32 $0x0;
	p4 =	por $0x1, $0x1  }
0x236: {  	s19 =	simm.s32 @!p4 $0xB8  }
0x237: {  	s18 =	simm.s32 $0x7180;
	p4 =	por $0x0, $0x0;
	v1 =	vld [tilespmem:s19+$0x6338];
	s19 =	sadd.s32 $0xFFFFFFFF, s16  }
0x238: {  	_ =	sdelay $0x3  }
0x239: {  	v2 =	vshll.u32 v1, $0x3  }
0x23a: {  	v3 =	vand.u32 $0xFFFF8000, v1;
	v1 =	vshrl.u32 v1, $0xC;
	v2 =	vand.u32 $0x7FF8, v2  }
0x23b: {  	v1 =	vand.u32 $0x7, v1;
	v2 =	vor.u32 v3, v2  }
0x23c: {  	v1 =	vor.u32 v1, v2  }
0x23d: {  	p5 =	sne.s32 s19, $0x1  }
.Ltmp45:
0x23e: {  	_ = 	snop;
	(pc) =	sbr.rel @!p5 .LBB2_56-.Ltmp45, $4  }
0x23f: {  	p4 =	por $0x1, $0x1;
	s22 =	simm.s32 $0x10  }
0x240: {  	s21 =	simm.s32 $0x10;
	s22 =	simm.s32 @!p4 $0xB8  }
0x241: {  	[tilespmem:s18], [sflag:$0x2] =	stream.indirect_vreg.gather [hbm4b:s3+s2], $0x10, v1, vm1, $0xb8;
	[tilespmem:$0x8680] =	vst v63  }
0x242: {  	p4 =	por $0x1, $0x1;
	v1 =	vld [tilespmem:s22+$0x6338];
	s22 =	sadd.s32 $0xFFFFFFFF, s19;
	s19 =	simm.s32 $0x7180  }
.LBB2_57:
0x243: {  	p5 =	sne.s32 s22, $0x1;
	_ =	sdelay $0x3  }
0x244: {  	v2 =	vshll.u32 v1, $0x3  }
0x245: {  	v3 =	vand.u32 $0xFFFF8000, v1;
	v1 =	vshrl.u32 v1, $0xC;
	v2 =	vand.u32 $0x7FF8, v2  }
0x246: {  	v1 =	vand.u32 $0x7, v1;
	v2 =	vor.u32 v3, v2  }
0x247: {  	v1 =	vor.u32 v1, v2;
	_ =	sdelay $0x1  }
.Ltmp46:
0x248: {  	s21 =	sadd.s32 $0x10, s21;
	(pc) =	sbr.rel @p5 .LBB2_57-.Ltmp46, $4  }
0x249: {  	p6 =	slt.s32 s21, $0xB8;
	s23 =	smov.u32 s21  }
0x24a: {  	s19 =	sadd.s32 $0x100, s19;
	s23 =	simm.s32 @!p6 $0xB8  }
0x24b: {  	[tilespmem:s19], [sflag:$0x2] =	stream.indirect_vreg.gather [hbm4b:s3+s2], $0x10, v1, vm1, $0xb8;
	[tilespmem:$0x8680] =	vst v63  }
0x24c: {  	s22 =	sadd.s32 $0xFFFFFFFF, s22;
	v1 =	vld [tilespmem:s23+$0x6338]  }
.LBB2_58:
0x24d: {  	_ =	sdelay $0x3  }
0x24e: {  	v2 =	vshll.u32 v1, $0x3  }
0x24f: {  	v3 =	vand.u32 $0xFFFF8000, v1;
	v1 =	vshrl.u32 v1, $0xC;
	v2 =	vand.u32 $0x7FF8, v2  }
0x250: {  	v1 =	vand.u32 $0x7, v1;
	v2 =	vor.u32 v3, v2  }
0x251: {  	v1 =	vor.u32 v1, v2;
	_ =	sdelay $0x2  }
0x252: {  	s19 =	sadd.s32 @p4 $0x100, s19  }
0x253: {  	s18 =	smov.u32 @p4 s19  }
0x254: {  	[tilespmem:s18], [sflag:$0x2] =	stream.indirect_vreg.gather [hbm4b:s3+s2], $0x10, v1, vm1, $0xb8;
	[tilespmem:$0x8680] =	vst v63  }
.LBB2_59:
.Ltmp47:
0x255: {  	(pc) =	sbr.rel @p2 .LBB2_63-.Ltmp47, $1  }
0x256: {  	_ =	sdelay $0x3  }
0x257: {  	p0 =	por !p0, !p1  }
0x258: {  	s18 =	simm.s32 $0x1;
	p0 =	por !p0, !p0  }
0x259: {  	s18 =	simm.s32 @!p0 $0x0  }
0x25a: {  	s18 =	ssub.s32 s20, s18  }
0x25b: {  	p0 =	sne.s32 s18, $0x1  }
.Ltmp48:
0x25c: {  	_ = 	snop;
	(pc) =	sbr.rel @!p0 .LBB2_62-.Ltmp48, $3  }
0x25d: {  	_ =	sdelay $0x1  }
0x25e: {  	_ =	swait.ge [sflag:s10], $0x100  }
0x25f: {  	[sflag:s10] =	ssyncset.done $0x0;
	s18 =	sadd.s32 $0xFFFFFFFF, s18  }
.LBB2_61:
0x260: {  	p0 =	sne.s32 s18, $0x1;
	s18 =	sadd.s32 $0xFFFFFFFF, s18;
	[sflag:s10] =	ssyncadd.s32 $0xFFFFFF00  }
.Ltmp49:
0x261: {  	(pc) =	sbr.rel @p0 .LBB2_61-.Ltmp49, $3  }
0x262: {  	_ =	sdelay $0x1  }
0x263: {  	_ =	swait.ge [sflag:s10], $0x100  }
0x264: {  	[sflag:s10] =	ssyncset.done $0x0  }
.LBB2_62:
0x265: {  	[sflag:s10] =	ssyncadd.s32 $0xFFFFFF00  }
.LBB2_63:
0x266: {  	s14 =	sand.u32 $0xF, s14  }
0x267: {  	s18 =	sshra.s32 s17, $0x1F;
	p0 =	slt.s32 s17, $0x1;
	p1 =	sne.s32 s14, $0x0  }
0x268: {  	s31 =	sshrl.u32 s18, $0x1C;
	p0 =	por !p0, !p1  }
0x269: {  	s18 =	simm.s32 $0x1;
	s14 =	sadd.s32 s31, s17;
	p0 =	por !p0, !p0  }
0x26a: {  	s14 =	sshra.s32 s14, $0x4;
	s18 =	simm.s32 @!p0 $0x0  }
0x26b: {  	s14 =	ssub.s32 s14, s18  }
0x26c: {  	p1 =	sgt.s32 s14, $0x0  }
.Ltmp50:
0x26d: {  	_ = 	snop;
	(pc) =	sbr.rel @!p1 .LBB2_64-.Ltmp50, $3  }
0x26e: {  	_ =	sdelay $0x1  }
0x26f: {  	p0 =	slt.s32 s14, $0xC  }
0x270: {  	v1 =	vimm.f32 $0.0e+00;
	s18 =	simm.s32 $0x6500;
	s14 =	simm.s32 @!p0 $0xC  }
0x271: {  	p1 =	seq.s32 s14, $0x1  }
.Ltmp51:
0x272: {  	_ = 	snop;
	(pc) =	sbr.rel @p1 .LBB2_80-.Ltmp51, $2  }
0x273: {  	_ =	sdelay $0x2  }
0x274: {  	v2 =	vld [tilespmem:s18+$0xFFFFFF80];
	s19 =	sadd.s32 $0xFFFFFFFF, s14;
	p0 =	por $0x0, $0x0  }
0x275: {  	_ = 	snop  }
0x276: {  	v3 =	vld [tilespmem:s18+$0xFFFFFF90];
	_ =	sdelay $0x1  }
0x277: {  	v4 =	vld [tilespmem:s18+$0xFFFFFFA0]  }
0x278: {  	v2 =	vadd.f32 v2, v1  }
0x279: {  	v5 =	vld [tilespmem:s18+$0xFFFFFFB0]  }
0x27a: {  	v2 =	vadd.f32 v3, v2  }
0x27b: {  	v3 =	vld [tilespmem:s18+$0xFFFFFFC0]  }
0x27c: {  	v2 =	vadd.f32 v4, v2  }
0x27d: {  	v4 =	vld [tilespmem:s18+$0xFFFFFFD0]  }
0x27e: {  	v2 =	vadd.f32 v5, v2  }
0x27f: {  	v5 =	vld [tilespmem:s18+$0xFFFFFFE0]  }
0x280: {  	v2 =	vadd.f32 v3, v2  }
0x281: {  	v3 =	vld [tilespmem:s18+$0xFFFFFFF0]  }
0x282: {  	v2 =	vadd.f32 v4, v2  }
0x283: {  	v4 =	vld [tilespmem:s18+$0x0]  }
0x284: {  	v2 =	vadd.f32 v5, v2  }
0x285: {  	v5 =	vld [tilespmem:s18+$0x10]  }
0x286: {  	v2 =	vadd.f32 v3, v2  }
0x287: {  	v3 =	vld [tilespmem:s18+$0x20]  }
0x288: {  	v2 =	vadd.f32 v4, v2  }
0x289: {  	v4 =	vld [tilespmem:s18+$0x30]  }
0x28a: {  	v2 =	vadd.f32 v5, v2  }
0x28b: {  	v5 =	vld [tilespmem:s18+$0x40]  }
0x28c: {  	v2 =	vadd.f32 v3, v2  }
0x28d: {  	v6 =	vld [tilespmem:s18+$0x50]  }
0x28e: {  	p1 =	seq.s32 s19, $0x1;
	v2 =	vadd.f32 v4, v2  }
.Ltmp52:
0x28f: {  	v3 =	vld [tilespmem:s18+$0x60];
	(pc) =	sbr.rel @p1 .LBB2_83-.Ltmp52, $4  }
0x290: {  	v2 =	vadd.f32 v5, v2  }
0x291: {  	v4 =	vld [tilespmem:s18+$0x70]  }
0x292: {  	s18 =	sadd.s32 $0x100, s18;
	v5 =	vadd.f32 v6, v2  }
0x293: {  	s19 =	sadd.s32 $0xFFFFFFFF, s19;
	p0 =	por $0x1, $0x1;
	v2 =	vld [tilespmem:s18+$0xFFFFFF80]  }
.LBB2_82:
0x294: {  	p1 =	seq.s32 s19, $0x1;
	v3 =	vadd.f32 v3, v5  }
0x295: {  	v5 =	vld [tilespmem:s18+$0xFFFFFF90]  }
0x296: {  	v3 =	vadd.f32 v4, v3  }
0x297: {  	v4 =	vld [tilespmem:s18+$0xFFFFFFA0]  }
0x298: {  	v2 =	vadd.f32 v2, v3  }
0x299: {  	v3 =	vld [tilespmem:s18+$0xFFFFFFB0]  }
0x29a: {  	v2 =	vadd.f32 v5, v2  }
0x29b: {  	v5 =	vld [tilespmem:s18+$0xFFFFFFC0]  }
0x29c: {  	v2 =	vadd.f32 v4, v2  }
0x29d: {  	v4 =	vld [tilespmem:s18+$0xFFFFFFD0]  }
0x29e: {  	v2 =	vadd.f32 v3, v2  }
0x29f: {  	v3 =	vld [tilespmem:s18+$0xFFFFFFE0]  }
0x2a0: {  	v2 =	vadd.f32 v5, v2  }
0x2a1: {  	v5 =	vld [tilespmem:s18+$0xFFFFFFF0]  }
0x2a2: {  	v2 =	vadd.f32 v4, v2  }
0x2a3: {  	v4 =	vld [tilespmem:s18+$0x0]  }
0x2a4: {  	v2 =	vadd.f32 v3, v2  }
0x2a5: {  	v3 =	vld [tilespmem:s18+$0x10]  }
0x2a6: {  	v2 =	vadd.f32 v5, v2  }
0x2a7: {  	v5 =	vld [tilespmem:s18+$0x20]  }
0x2a8: {  	v2 =	vadd.f32 v4, v2  }
0x2a9: {  	v4 =	vld [tilespmem:s18+$0x30]  }
0x2aa: {  	v2 =	vadd.f32 v3, v2  }
0x2ab: {  	v6 =	vld [tilespmem:s18+$0x40]  }
0x2ac: {  	v2 =	vadd.f32 v5, v2  }
0x2ad: {  	v5 =	vld [tilespmem:s18+$0x50]  }
0x2ae: {  	v2 =	vadd.f32 v4, v2  }
.Ltmp53:
0x2af: {  	v3 =	vld [tilespmem:s18+$0x60];
	(pc) =	sbr.rel @!p1 .LBB2_82-.Ltmp53, $4  }
0x2b0: {  	v2 =	vadd.f32 v6, v2  }
0x2b1: {  	v4 =	vld [tilespmem:s18+$0x70]  }
0x2b2: {  	s18 =	sadd.s32 $0x100, s18;
	v5 =	vadd.f32 v5, v2  }
0x2b3: {  	s19 =	sadd.s32 $0xFFFFFFFF, s19;
	v2 =	vld [tilespmem:s18+$0xFFFFFF80]  }
.LBB2_83:
0x2b4: {  	v3 =	vadd.f32 @p0 v3, v5;
	_ =	sdelay $0x1  }
0x2b5: {  	v58 =	vld [tilespmem:s18+$0xFFFFFF90];
	v3 =	vadd.f32 @p0 v4, v3;
	_ =	sdelay $0x1  }
0x2b6: {  	v59 =	vld [tilespmem:s18+$0xFFFFFFA0];
	v1 =	vpsel p0, v3, v1  }
0x2b7: {  	v1 =	vadd.f32 v2, v1  }
0x2b8: {  	v2 =	vld [tilespmem:s18+$0xFFFFFFB0]  }
0x2b9: {  	v1 =	vadd.f32 v58, v1  }
0x2ba: {  	v3 =	vld [tilespmem:s18+$0xFFFFFFC0]  }
0x2bb: {  	v1 =	vadd.f32 v59, v1  }
0x2bc: {  	v60 =	vld [tilespmem:s18+$0xFFFFFFD0]  }
0x2bd: {  	v1 =	vadd.f32 v2, v1  }
0x2be: {  	v2 =	vld [tilespmem:s18+$0xFFFFFFE0]  }
0x2bf: {  	v1 =	vadd.f32 v3, v1  }
0x2c0: {  	v3 =	vld [tilespmem:s18+$0xFFFFFFF0]  }
0x2c1: {  	v1 =	vadd.f32 v60, v1  }
0x2c2: {  	v61 =	vld [tilespmem:s18+$0x0]  }
0x2c3: {  	v1 =	vadd.f32 v2, v1  }
0x2c4: {  	v2 =	vld [tilespmem:s18+$0x10]  }
0x2c5: {  	v1 =	vadd.f32 v3, v1  }
0x2c6: {  	v3 =	vld [tilespmem:s18+$0x20]  }
0x2c7: {  	v1 =	vadd.f32 v61, v1  }
0x2c8: {  	v62 =	vld [tilespmem:s18+$0x30]  }
0x2c9: {  	v1 =	vadd.f32 v2, v1  }
0x2ca: {  	v2 =	vld [tilespmem:s18+$0x40]  }
0x2cb: {  	v1 =	vadd.f32 v3, v1  }
0x2cc: {  	v3 =	vld [tilespmem:s18+$0x50]  }
0x2cd: {  	v1 =	vadd.f32 v62, v1  }
0x2ce: {  	v63 =	vld [tilespmem:s18+$0x60]  }
0x2cf: {  	v1 =	vadd.f32 v2, v1  }
0x2d0: {  	v2 =	vld [tilespmem:s18+$0x70]  }
0x2d1: {  	v1 =	vadd.f32 v3, v1;
	_ =	sdelay $0x1  }
0x2d2: {  	v1 =	vadd.f32 v63, v1;
	_ =	sdelay $0x1  }
0x2d3: {  	v1 =	vadd.f32 v2, v1  }
.LBB2_64:
0x2d4: {  	s18 =	sshll.u32 s14, $0x4  }
0x2d5: {  	s18 =	ssub.s32 s17, s18  }
0x2d6: {  	p0 =	slt.s32 s18, $0x1  }
.Ltmp54:
0x2d7: {  	_ = 	snop;
	(pc) =	sbr.rel @p0 .LBB2_68-.Ltmp54, $1  }
0x2d8: {  	_ =	sdelay $0x3  }
0x2d9: {  	p0 =	sgt.s32 s17, $0xBF;
	s19 =	simm.s32 $0x8  }
0x2da: {  	s19 =	simm.s32 @!p0 $0x0;
	p0 =	sne.s32 s18, $0x1  }
.Ltmp55:
0x2db: {  	s14 =	sshll.u32 s14, $0xA;
	s19 =	sshll.u32 s19, $0x6;
	(pc) =	sbr.rel @!p0 .LBB2_67-.Ltmp55, $4  }
0x2dc: {  	s14 =	sor.u32 s19, s14  }
0x2dd: {  	s14 =	sshra.s32 s14, $0x2  }
0x2de: {  	s14 =	sadd.s32 $0x6480, s14  }
0x2df: {  	s18 =	sadd.s32 $0xFFFFFFFF, s18;
	v2 =	vld [tilespmem:s14+$0x0]  }
.LBB2_66:
0x2e0: {  	p0 =	sne.s32 s18, $0x1  }
.Ltmp56:
0x2e1: {  	_ = 	snop;
	(pc) =	sbr.rel @p0 .LBB2_66-.Ltmp56, $3  }
0x2e2: {  	_ =	sdelay $0x1  }
0x2e3: {  	s18 =	sadd.s32 $0xFFFFFFFF, s18;
	s14 =	sadd.s32 $0x10, s14;
	v1 =	vadd.f32 v2, v1  }
0x2e4: {  	v2 =	vld [tilespmem:s14+$0x0]  }
.LBB2_67:
0x2e5: {  	_ =	sdelay $0x3  }
0x2e6: {  	v1 =	vadd.f32 v2, v1  }
.LBB2_68:
0x2e7: {  	v2 =	vmov s17  }
0x2e8: {  	vm3 =	vgt.s32 v2, $0x1  }
0x2e9: {  	v2 =	vnsel vm3, $0x1, v2  }
0x2ea: {  	v2 =	vcvt.s32.f32 v2;
	_ =	sdelay $0x1  }
0x2eb: {  	v2 =	vbroadcast v2, $0x0;
	_ =	sdelay $0x1  }
0x2ec: {  	(erf) = vrcp.f32 v2;
	_ =	sdelay $0x7  }
.Ltmp57:
0x2ed: {  	_ = 	snop;
	(pc) =	sbr.rel @p3 .LBB2_72-.Ltmp57, $3  }
0x2ee: {  	v2 =	vpop (erf)  }
0x2ef: {  	v1 =	vmul.f32 v1, v2;
	_ =	sdelay $0x1  }
0x2f0: {  	[tilespmem:$0x8660] =	vst v1  }
0x2f1: {  	p0 =	sne.s32 s16, $0x1  }
.Ltmp58:
0x2f2: {  	_ = 	snop;
	(pc) =	sbr.rel @!p0 .LBB2_71-.Ltmp58, $3  }
0x2f3: {  	_ =	sdelay $0x1  }
0x2f4: {  	_ =	swait.ge [sflag:s11], $0x100  }
0x2f5: {  	s14 =	sadd.s32 $0xFFFFFFFF, s16;
	[sflag:s11] =	ssyncset.done $0x0  }
.LBB2_70:
0x2f6: {  	p0 =	sne.s32 s14, $0x1;
	s14 =	sadd.s32 $0xFFFFFFFF, s14;
	[sflag:s11] =	ssyncadd.s32 $0xFFFFFF00  }
.Ltmp59:
0x2f7: {  	(pc) =	sbr.rel @p0 .LBB2_70-.Ltmp59, $3  }
0x2f8: {  	_ =	sdelay $0x1  }
0x2f9: {  	_ =	swait.ge [sflag:s11], $0x100  }
0x2fa: {  	[sflag:s11] =	ssyncset.done $0x0  }
.LBB2_71:
0x2fb: {  	[sflag:s11] =	ssyncadd.s32 $0xFFFFFF00  }
.LBB2_72:
0x2fc: {  	s14 =	sxor.u32 $0x80000000, s15  }
0x2fd: {  	p1 =	sgt.s32 s15, $0xFFFFFFFF;
	s30 =	sand.u32 $0xF, s15;
	p0 =	slt.s32 s14, $0x1  }
0x2fe: {  	s16 =	sshra.s32 s14, $0x1F;
	p6 =	sne.s32 s30, $0x0;
	p0 =	por p1, p0  }
0x2ff: {  	s31 =	sshrl.u32 s16, $0x1C;
	p0 =	por !p6, !p0  }
0x300: {  	s16 =	simm.s32 $0x1;
	s15 =	sadd.s32 s31, s14;
	p0 =	por !p0, !p0  }
0x301: {  	s15 =	sshra.s32 s15, $0x4;
	s16 =	simm.s32 @!p0 $0x0  }
0x302: {  	s15 =	ssub.s32 s15, s16  }
0x303: {  	p1 =	sgt.s32 s15, $0x0  }
.Ltmp60:
0x304: {  	_ = 	snop;
	(pc) =	sbr.rel @!p1 .LBB2_73-.Ltmp60, $3  }
0x305: {  	_ =	sdelay $0x1  }
0x306: {  	p0 =	slt.s32 s15, $0xC  }
0x307: {  	v1 =	vimm.f32 $0.0e+00;
	s16 =	simm.s32 $0x7270;
	s15 =	simm.s32 @!p0 $0xC  }
0x308: {  	p1 =	seq.s32 s15, $0x1  }
.Ltmp61:
0x309: {  	_ = 	snop;
	(pc) =	sbr.rel @p1 .LBB2_85-.Ltmp61, $2  }
0x30a: {  	_ =	sdelay $0x2  }
0x30b: {  	v2 =	vld [tilespmem:s16+$0xFFFFFF10];
	s17 =	sadd.s32 $0xFFFFFFFF, s15;
	p0 =	por $0x0, $0x0  }
0x30c: {  	_ = 	snop  }
0x30d: {  	v3 =	vld [tilespmem:s16+$0xFFFFFF20];
	_ =	sdelay $0x1  }
0x30e: {  	v4 =	vld [tilespmem:s16+$0xFFFFFF30]  }
0x30f: {  	v2 =	vadd.f32 v2, v1  }
0x310: {  	v5 =	vld [tilespmem:s16+$0xFFFFFF40]  }
0x311: {  	v2 =	vadd.f32 v3, v2  }
0x312: {  	v3 =	vld [tilespmem:s16+$0xFFFFFF50]  }
0x313: {  	v2 =	vadd.f32 v4, v2  }
0x314: {  	v4 =	vld [tilespmem:s16+$0xFFFFFF60]  }
0x315: {  	v2 =	vadd.f32 v5, v2  }
0x316: {  	v5 =	vld [tilespmem:s16+$0xFFFFFF70]  }
0x317: {  	v2 =	vadd.f32 v3, v2  }
0x318: {  	v3 =	vld [tilespmem:s16+$0xFFFFFF80]  }
0x319: {  	v2 =	vadd.f32 v4, v2  }
0x31a: {  	v4 =	vld [tilespmem:s16+$0xFFFFFF90]  }
0x31b: {  	v2 =	vadd.f32 v5, v2  }
0x31c: {  	v5 =	vld [tilespmem:s16+$0xFFFFFFA0]  }
0x31d: {  	v2 =	vadd.f32 v3, v2  }
0x31e: {  	v3 =	vld [tilespmem:s16+$0xFFFFFFB0]  }
0x31f: {  	v2 =	vadd.f32 v4, v2  }
0x320: {  	v4 =	vld [tilespmem:s16+$0xFFFFFFC0]  }
0x321: {  	v2 =	vadd.f32 v5, v2  }
0x322: {  	v5 =	vld [tilespmem:s16+$0xFFFFFFD0]  }
0x323: {  	v2 =	vadd.f32 v3, v2  }
0x324: {  	v6 =	vld [tilespmem:s16+$0xFFFFFFE0]  }
0x325: {  	p1 =	seq.s32 s17, $0x1;
	v2 =	vadd.f32 v4, v2  }
.Ltmp62:
0x326: {  	v3 =	vld [tilespmem:s16+$0xFFFFFFF0];
	(pc) =	sbr.rel @p1 .LBB2_88-.Ltmp62, $4  }
0x327: {  	v2 =	vadd.f32 v5, v2  }
0x328: {  	v4 =	vld [tilespmem:s16+$0x0]  }
0x329: {  	s16 =	sadd.s32 $0x100, s16;
	v5 =	vadd.f32 v6, v2  }
0x32a: {  	s17 =	sadd.s32 $0xFFFFFFFF, s17;
	p0 =	por $0x1, $0x1;
	v2 =	vld [tilespmem:s16+$0xFFFFFF10]  }
.LBB2_87:
0x32b: {  	p1 =	seq.s32 s17, $0x1;
	v3 =	vadd.f32 v3, v5  }
0x32c: {  	v5 =	vld [tilespmem:s16+$0xFFFFFF20]  }
0x32d: {  	v3 =	vadd.f32 v4, v3  }
0x32e: {  	v4 =	vld [tilespmem:s16+$0xFFFFFF30]  }
0x32f: {  	v2 =	vadd.f32 v2, v3  }
0x330: {  	v3 =	vld [tilespmem:s16+$0xFFFFFF40]  }
0x331: {  	v2 =	vadd.f32 v5, v2  }
0x332: {  	v5 =	vld [tilespmem:s16+$0xFFFFFF50]  }
0x333: {  	v2 =	vadd.f32 v4, v2  }
0x334: {  	v4 =	vld [tilespmem:s16+$0xFFFFFF60]  }
0x335: {  	v2 =	vadd.f32 v3, v2  }
0x336: {  	v3 =	vld [tilespmem:s16+$0xFFFFFF70]  }
0x337: {  	v2 =	vadd.f32 v5, v2  }
0x338: {  	v5 =	vld [tilespmem:s16+$0xFFFFFF80]  }
0x339: {  	v2 =	vadd.f32 v4, v2  }
0x33a: {  	v4 =	vld [tilespmem:s16+$0xFFFFFF90]  }
0x33b: {  	v2 =	vadd.f32 v3, v2  }
0x33c: {  	v3 =	vld [tilespmem:s16+$0xFFFFFFA0]  }
0x33d: {  	v2 =	vadd.f32 v5, v2  }
0x33e: {  	v5 =	vld [tilespmem:s16+$0xFFFFFFB0]  }
0x33f: {  	v2 =	vadd.f32 v4, v2  }
0x340: {  	v4 =	vld [tilespmem:s16+$0xFFFFFFC0]  }
0x341: {  	v2 =	vadd.f32 v3, v2  }
0x342: {  	v6 =	vld [tilespmem:s16+$0xFFFFFFD0]  }
0x343: {  	v2 =	vadd.f32 v5, v2  }
0x344: {  	v5 =	vld [tilespmem:s16+$0xFFFFFFE0]  }
0x345: {  	v2 =	vadd.f32 v4, v2  }
.Ltmp63:
0x346: {  	v3 =	vld [tilespmem:s16+$0xFFFFFFF0];
	(pc) =	sbr.rel @!p1 .LBB2_87-.Ltmp63, $4  }
0x347: {  	v2 =	vadd.f32 v6, v2  }
0x348: {  	v4 =	vld [tilespmem:s16+$0x0]  }
0x349: {  	s16 =	sadd.s32 $0x100, s16;
	v5 =	vadd.f32 v5, v2  }
0x34a: {  	s17 =	sadd.s32 $0xFFFFFFFF, s17;
	v2 =	vld [tilespmem:s16+$0xFFFFFF10]  }
.LBB2_88:
0x34b: {  	v3 =	vadd.f32 @p0 v3, v5;
	_ =	sdelay $0x1  }
0x34c: {  	v58 =	vld [tilespmem:s16+$0xFFFFFF20];
	v3 =	vadd.f32 @p0 v4, v3;
	_ =	sdelay $0x1  }
0x34d: {  	v59 =	vld [tilespmem:s16+$0xFFFFFF30];
	v1 =	vpsel p0, v3, v1  }
0x34e: {  	v1 =	vadd.f32 v2, v1  }
0x34f: {  	v2 =	vld [tilespmem:s16+$0xFFFFFF40]  }
0x350: {  	v1 =	vadd.f32 v58, v1  }
0x351: {  	v3 =	vld [tilespmem:s16+$0xFFFFFF50]  }
0x352: {  	v1 =	vadd.f32 v59, v1  }
0x353: {  	v60 =	vld [tilespmem:s16+$0xFFFFFF60]  }
0x354: {  	v1 =	vadd.f32 v2, v1  }
0x355: {  	v2 =	vld [tilespmem:s16+$0xFFFFFF70]  }
0x356: {  	v1 =	vadd.f32 v3, v1  }
0x357: {  	v3 =	vld [tilespmem:s16+$0xFFFFFF80]  }
0x358: {  	v1 =	vadd.f32 v60, v1  }
0x359: {  	v61 =	vld [tilespmem:s16+$0xFFFFFF90]  }
0x35a: {  	v1 =	vadd.f32 v2, v1  }
0x35b: {  	v2 =	vld [tilespmem:s16+$0xFFFFFFA0]  }
0x35c: {  	v1 =	vadd.f32 v3, v1  }
0x35d: {  	v3 =	vld [tilespmem:s16+$0xFFFFFFB0]  }
0x35e: {  	v1 =	vadd.f32 v61, v1  }
0x35f: {  	v62 =	vld [tilespmem:s16+$0xFFFFFFC0]  }
0x360: {  	v1 =	vadd.f32 v2, v1  }
0x361: {  	v2 =	vld [tilespmem:s16+$0xFFFFFFD0]  }
0x362: {  	v1 =	vadd.f32 v3, v1  }
0x363: {  	v3 =	vld [tilespmem:s16+$0xFFFFFFE0]  }
0x364: {  	v1 =	vadd.f32 v62, v1  }
0x365: {  	v63 =	vld [tilespmem:s16+$0xFFFFFFF0]  }
0x366: {  	v1 =	vadd.f32 v2, v1  }
0x367: {  	v2 =	vld [tilespmem:s16+$0x0]  }
0x368: {  	v1 =	vadd.f32 v3, v1;
	_ =	sdelay $0x1  }
0x369: {  	v1 =	vadd.f32 v63, v1;
	_ =	sdelay $0x1  }
0x36a: {  	v1 =	vadd.f32 v2, v1  }
.LBB2_73:
0x36b: {  	s16 =	sshll.u32 s15, $0x4  }
0x36c: {  	s16 =	ssub.s32 s14, s16  }
0x36d: {  	p0 =	slt.s32 s16, $0x1  }
.Ltmp64:
0x36e: {  	_ = 	snop;
	(pc) =	sbr.rel @p0 .LBB2_77-.Ltmp64, $1  }
0x36f: {  	_ =	sdelay $0x3  }
0x370: {  	p0 =	sgt.s32 s14, $0xBF;
	s17 =	simm.s32 $0x8  }
0x371: {  	s17 =	simm.s32 @!p0 $0x0  }
0x372: {  	s15 =	sshll.u32 s15, $0xA;
	s17 =	sshll.u32 s17, $0x6  }
0x373: {  	s15 =	sor.u32 s17, s15  }
0x374: {  	s15 =	sshra.s32 s15, $0x2  }
0x375: {  	p0 =	sne.s32 s16, $0x1;
	s15 =	sadd.s32 $0x7180, s15  }
.Ltmp65:
0x376: {  	v2 =	vld [tilespmem:s15+$0x0];
	(pc) =	sbr.rel @!p0 .LBB2_76-.Ltmp65, $2  }
0x377: {  	_ =	sdelay $0x2  }
0x378: {  	s16 =	sadd.s32 $0xFFFFFFFF, s16  }
.LBB2_75:
0x379: {  	p0 =	sne.s32 s16, $0x1  }
.Ltmp66:
0x37a: {  	_ = 	snop;
	(pc) =	sbr.rel @p0 .LBB2_75-.Ltmp66, $3  }
0x37b: {  	_ =	sdelay $0x1  }
0x37c: {  	s16 =	sadd.s32 $0xFFFFFFFF, s16;
	v1 =	vadd.f32 v2, v1;
	s15 =	sadd.s32 $0x10, s15  }
0x37d: {  	v2 =	vld [tilespmem:s15+$0x0]  }
.Ltmp67:
0x37e: {  	_ = 	snop;
	(pc) =	sbr.rel .LBB2_76-.Ltmp67, $1  }
0x37f: {  	_ =	sdelay $0x3  }
.LBB2_7:
.Ltmp68:
0x380: {  	(pc) =	sbr.rel .LBB2_11-.Ltmp68, $2  }
0x381: {  	_ =	sdelay $0x2  }
0x382: {  	s16 =	simm.s32 $0x6480  }
.LBB2_49:
.Ltmp69:
0x383: {  	(pc) =	sbr.rel .LBB2_58-.Ltmp69, $2  }
0x384: {  	_ =	sdelay $0x2  }
0x385: {  	s19 =	simm.s32 $0x7180  }
.LBB2_80:
.Ltmp70:
0x386: {  	(pc) =	sbr.rel .LBB2_83-.Ltmp70, $2  }
0x387: {  	_ =	sdelay $0x2  }
0x388: {  	_ = 	snop  }
.LBB2_85:
.Ltmp71:
0x389: {  	(pc) =	sbr.rel .LBB2_88-.Ltmp71, $2  }
0x38a: {  	_ =	sdelay $0x2  }
0x38b: {  	_ = 	snop  }
.LBB2_9:
.Ltmp72:
0x38c: {  	(pc) =	sbr.rel .LBB2_11-.Ltmp72, $2  }
0x38d: {  	_ =	sdelay $0x2  }
0x38e: {  	s16 =	simm.s32 $0x6480  }
.LBB2_56:
.Ltmp73:
0x38f: {  	(pc) =	sbr.rel .LBB2_58-.Ltmp73, $2  }
0x390: {  	_ =	sdelay $0x2  }
0x391: {  	s19 =	simm.s32 $0x7180  }
.LBB2_78:
0x392: {  	_ =	sfence.sel $0x180000  }
0x393: {  	[bflag:$0x0] =	sbarrier.arrive $0xFFFF  }
0x394: {  	p0 =	sne.s32 s0, $0x0;
	_ =	strace $0x90000047  }
0x395: {  	s0 =	sadd.s32 @!p0 $0x100000, s1;
	[bflag:$0x2] =	sbarrier.arrive $0xFFFF  }
0x396: {  	[sflag:s0] =	ssyncadd.tile.s32 @!p0 $0x1;
	_ =	shalt  }
.Lfunc_end2:
_tile_overlayer_lowered:
.L_overlay_start_2:
0x397: {  	(tag) =	ssettag $0x2  }
0x398: {  	s0 =	rddreg [dreg:$0x0];
	s2 =	stileid.u32  }
0x399: {  	s1 =	rddreg [dreg:$0x1];
	p0 =	sne.s32 s2, $0x0  }
0x39a: {  	s3 =	rddreg [dreg:$0x2];
	[bflag:$0x3] =	sbarrier.arrive $0xFFFF;
	s2 =	simm.s32 @!p0 $0x1C03  }
0x39b: {  	[timem:s3], [sflag:s2] =	dma.local @!p0 [hbm:s0], s1  }
0x39c: {  	s0 =	simm.s32 @!p0 $0x3  }
0x39d: {  	_ =	swait.ge @!p0 [sflag:s0], s1  }
0x39e: {  	s1 =	ssub.s32 @!p0 $0x0, s1;
	[sflag:s0] =	ssyncset.done @!p0 $0x0  }
0x39f: {  	[sflag:s0] =	ssyncadd.s32 @!p0 s1  }
0x3a0: {  	[bflag:$0x3] =	sbarrier.arrive $0xFFFF  }
0x3a1: {  	_ =	shalt  }

</sc_bundles>
